<compile_context>
chip_gen: v7x
topology: tpu7x:2x2x1
jax: 0.10.2.dev20260603
libtpu: 0.0.44.dev20260713+nightly
codegen_flags: <defaults>
</compile_context>

<pallas_src>
import functools

import jax
import jax.numpy as jnp
from jax import lax
from jax.experimental import pallas as pl
from jax.experimental.pallas import tpu as pltpu
from jax.experimental.pallas import tpu_sc as plsc

N_NODES = 10000
NP = 10240
E = 320000
NW = 16
EW = E // NW
NPW = NP // NW
L = 16


BN = 2048
BE = 65536
E_PAD = BE * (NP // BN)


def _proj_body(cp_ref, x_ref, ei_ref, z_ref, c_ref, pk_ref):
    od = jax.lax.dot_general(
        cp_ref[...], x_ref[...], (((1,), (1,)), ((), ())),
        preferred_element_type=jnp.float32)
    z_ref[...] = od[0]
    c_ref[...] = od[1]
    ei = ei_ref[...]
    pk_ref[...] = jnp.bitwise_or(jnp.left_shift(ei[1], 16), ei[0])


def _project(x, cp, edge_index):
    return pl.pallas_call(
        _proj_body,
        grid=(NP // BN,),
        in_specs=[
            pl.BlockSpec((8, 128), lambda j: (0, 0)),
            pl.BlockSpec((BN, 128), lambda j: (j, 0)),
            pl.BlockSpec((2, BE), lambda j: (0, j)),
        ],
        out_specs=[
            pl.BlockSpec((BN,), lambda j: (j,)),
            pl.BlockSpec((BN,), lambda j: (j,)),
            pl.BlockSpec((BE,), lambda j: (j,)),
        ],
        out_shape=[
            jax.ShapeDtypeStruct((NP,), jnp.float32),
            jax.ShapeDtypeStruct((NP,), jnp.float32),
            jax.ShapeDtypeStruct((E_PAD,), jnp.int32),
        ],
    )(cp, x, edge_index)



def _sc_gnn(pk, z0, c0, prm):
    mesh = plsc.VectorSubcoreMesh(core_axis_name="c", subcore_axis_name="s",
                                  num_cores=1)

    @functools.partial(
        pl.kernel,
        out_type=jax.ShapeDtypeStruct((NW, L), jnp.float32),
        mesh=mesh,
        compiler_params=pltpu.CompilerParams(needs_layout_passes=False),
        scratch_types=[
            pltpu.VMEM((EW,), jnp.int32),
            pltpu.VMEM((NP,), jnp.float32),
            pltpu.VMEM((NP,), jnp.float32),
            pltpu.VMEM((NPW,), jnp.float32),
            pltpu.VMEM((NPW,), jnp.float32),
            pltpu.VMEM((NW, NPW), jnp.float32),
            pltpu.VMEM((8, L), jnp.float32),
            pltpu.VMEM((L,), jnp.float32),
            pltpu.VMEM_SHARED((NW, NW, NPW), jnp.float32),
            pltpu.VMEM_SHARED((NP,), jnp.float32),
            pltpu.SemaphoreType.DMA,
        ],
    )
    def body(pk_hbm, z0_hbm, c0_hbm, prm_hbm, out_hbm, pk_v, g_tab,
             agg, c_v, gstage, red, prm_v, accst, part_sh, g_sh, sem):
        w = lax.axis_index("s")
        ebase = w * EW
        nbase = w * NPW

        stage = [
            pltpu.async_copy(pk_hbm.at[pl.ds(ebase, EW)], pk_v, sem),
            pltpu.async_copy(prm_hbm, prm_v, sem),
            pltpu.async_copy(z0_hbm, g_tab, sem),
            pltpu.async_copy(c0_hbm.at[pl.ds(nbase, NPW)], c_v, sem),
        ]
        for cp_ in stage:
            cp_.wait()

        lane_iota = lax.iota(jnp.int32, L)

        b0v = prm_v[6]

        @plsc.parallel_loop(0, NPW, step=L, unroll=4)
        def _(j):
            off = pl.multiple_of(j, L)
            c_v[pl.ds(off, L)] = c_v[pl.ds(off, L)] + b0v

        acc = jnp.zeros((L,), jnp.float32)
        pending_g = None
        for layer in range(3):
            @plsc.parallel_loop(0, NP, step=L, unroll=8)
            def _(i):
                agg[pl.ds(pl.multiple_of(i, L), L)] = jnp.zeros(
                    (L,), jnp.float32)

            if pending_g is not None:
                pending_g.wait()
                pending_g = None

            @plsc.parallel_loop(0, EW, step=L, unroll=8)
            def _(i):
                off = pl.multiple_of(i, L)
                p = pk_v[pl.ds(off, L)]
                s = jnp.bitwise_and(p, 0xFFFF)
                d = jnp.right_shift(p, 16)
                v = plsc.load_gather(g_tab, [s])
                plsc.addupdate_scatter(agg, [d], v)

            pubs = [
                pltpu.async_copy(agg.at[pl.ds(t * NPW, NPW)],
                                 part_sh.at[t, w], sem)
                for t in range(NW)
            ]
            for cp_ in pubs:
                cp_.wait()
            plsc.subcore_barrier()
            pltpu.sync_copy(part_sh.at[w], red)

            Wv = prm_v[3 * layer + 0] if layer < 2 else None
            Sv = prm_v[3 * layer + 1] if layer < 2 else None
            bv = prm_v[3 * layer + 2] if layer < 2 else None

            if layer < 2:
                @plsc.parallel_loop(0, NPW, step=L, unroll=2)
                def _(j):
                    off = pl.multiple_of(j, L)
                    sv = red[0, pl.ds(off, L)]
                    for t in range(1, NW):
                        sv = sv + red[t, pl.ds(off, L)]
                    hv = jnp.maximum(sv + c_v[pl.ds(off, L)], 0.0)
                    gstage[pl.ds(off, L)] = Wv * hv
                    c_v[pl.ds(off, L)] = Sv * hv + bv

                pltpu.sync_copy(gstage, g_sh.at[pl.ds(nbase, NPW)])
                plsc.subcore_barrier()
                pending_g = pltpu.async_copy(g_sh, g_tab, sem)
            else:
                @plsc.parallel_loop(0, NPW, step=L, unroll=2, carry=acc)
                def nacc(j, carry):
                    off = pl.multiple_of(j, L)
                    sv = red[0, pl.ds(off, L)]
                    for t in range(1, NW):
                        sv = sv + red[t, pl.ds(off, L)]
                    hv = jnp.maximum(sv + c_v[pl.ds(off, L)], 0.0)
                    gidx = lane_iota + (nbase + off)
                    return carry + jnp.where(gidx < N_NODES, hv, 0.0)
                acc = nacc

        accst[...] = acc
        pltpu.sync_copy(accst, out_hbm.at[w])

    return body(pk, z0, c0, prm)



def _readout_body(sums_ref, f1w_ref, f1b_ref, ow_ref, ob_ref, o_ref):
    hg = jnp.sum(sums_ref[...])
    t = (hg * f1w_ref[...] + f1b_ref[...]) * 1000.0
    sg = 1.0 / (1.0 + jnp.exp(-t))
    o = jnp.sum(ow_ref[...] * sg, axis=1).reshape(1, 4) + ob_ref[...]
    o = jnp.maximum(o, 0.0)
    m = jnp.max(o, axis=1, keepdims=True)
    lse = jnp.log(jnp.sum(jnp.exp(o - m), axis=1, keepdims=True)) + m
    o_ref[...] = o - lse


def _readout(sums, f1w, f1b, ow, ob):
    return pl.pallas_call(
        _readout_body,
        out_shape=jax.ShapeDtypeStruct((1, 4), jnp.float32),
    )(sums, f1w, f1b, ow, ob)



def kernel(x, edge_index, W0, b0, S0, W1, b1, S1, W2, b2, S2,
           fc1_W, fc1_b, out_W, out_b):
    cp = jnp.zeros((8, 128), jnp.float32)
    cp = cp.at[0].set(W0[:, 0]).at[1].set(S0[0])
    z0, c0, pk = _project(x, cp, edge_index)

    prm = jnp.zeros((8, L), jnp.float32)
    for i, val in enumerate([W1[0, 0], S1[0, 0], b1[0],
                             W2[0, 0], S2[0, 0], b2[0], b0[0]]):
        prm = prm.at[i].set(val)

    sums = _sc_gnn(pk, z0, c0, prm)

    return _readout(sums, fc1_W.T, fc1_b.reshape(1, 8),
                    out_W, out_b.reshape(1, 4))

# --- scband reference (transcript-rebuilt; emitter-appended) ---
"""Pipeline reference for scband-fixed-net2-56040733278665 (READ-ONLY COPY).

The authoritative reference and input builder live on the scoring server;
editing this copy changes nothing except your own understanding.
"""

import jax, jax.numpy as jnp
import numpy as np

N_NODES = 10000
N_EDGES = 320000
D_FEAT = 128

def setup_inputs(seed: int = 0) -> dict:
    key = jax.random.key(seed)
    ks = jax.random.split(key, 16)
    x = jax.random.normal(ks[0], (N_NODES, D_FEAT), dtype=jnp.float32)
    edge_index = jax.random.randint(ks[1], (2, N_EDGES), 0, N_NODES, dtype=jnp.int32)
    s = 0.1
    # Layer 0: GraphConvWL(in=128, out=1)
    W0 = jax.random.normal(ks[2], (D_FEAT, 1), dtype=jnp.float32) * s
    b0 = jnp.zeros((1,), dtype=jnp.float32)
    S0 = jax.random.normal(ks[3], (1, D_FEAT), dtype=jnp.float32) * s
    # Layers 1,2: GraphConvWL(in=1, out=1)
    W1 = jax.random.normal(ks[4], (1, 1), dtype=jnp.float32) * s
    b1 = jnp.zeros((1,), dtype=jnp.float32)
    S1 = jax.random.normal(ks[5], (1, 1), dtype=jnp.float32) * s
    W2 = jax.random.normal(ks[6], (1, 1), dtype=jnp.float32) * s
    b2 = jnp.zeros((1,), dtype=jnp.float32)
    S2 = jax.random.normal(ks[7], (1, 1), dtype=jnp.float32) * s
    # Readout MLP
    fc1_W = jax.random.normal(ks[8], (8, 1), dtype=jnp.float32) * s
    fc1_b = jnp.zeros((8,), dtype=jnp.float32)
    out_W = jax.random.normal(ks[9], (4, 8), dtype=jnp.float32) * s
    out_b = jnp.zeros((4,), dtype=jnp.float32)
    return {"x": x, "edge_index": edge_index, "W0": W0, "b0": b0, "S0": S0,
            "W1": W1, "b1": b1, "S1": S1, "W2": W2, "b2": b2, "S2": S2,
            "fc1_W": fc1_W, "fc1_b": fc1_b, "out_W": out_W, "out_b": out_b}


def _graph_conv_wl(x, edge_index, W, b, S):
    # DGL GraphConv(norm='none'): project then sum-aggregate src->dst, add bias
    h = x @ W                                   # [N, out]
    src = edge_index[0]
    dst = edge_index[1]
    msg = jnp.take(h, src, axis=0)              # gather  [E, out]
    agg = jax.ops.segment_sum(msg, dst, num_segments=x.shape[0])  # scatter-add
    neigh = agg + b
    self_feat = x @ S.T                         # Linear(in, out, bias=False)
    return neigh + self_feat


def reference(x, edge_index, W0, b0, S0, W1, b1, S1, W2, b2, S2, fc1_W, fc1_b, out_W, out_b):
    h = x
    h = jax.nn.relu(_graph_conv_wl(h, edge_index, W0, b0, S0))
    h = jax.nn.relu(_graph_conv_wl(h, edge_index, W1, b1, S1))
    h = jax.nn.relu(_graph_conv_wl(h, edge_index, W2, b2, S2))
    # concat_features=False -> use last layer output (dim=1)
    # dgl.sum_nodes over a single graph -> [1, 1]
    hg = jnp.sum(h, axis=0, keepdims=True)
    hg2 = hg @ fc1_W.T + fc1_b                  # [1, 8]
    hg2 = jax.nn.sigmoid(hg2 * 1000.0)
    out = hg2 @ out_W.T + out_b                 # [1, 4]
    out = jax.nn.relu(out)
    return jax.nn.log_softmax(out, axis=1)

if __name__ == "__main__":
    import jax
    _d = setup_inputs()
    print(jax.jit(kernel)(*tuple(_d.values())))

</pallas_src>

<mosaic_0001>
#map = affine_map<(d0, d1) -> (0)>
#map1 = affine_map<(d0, d1) -> (0, 0)>
module attributes {stable_mosaic.version = 14 : i64} {
  func.func @body(%arg0: i32, %arg1: i32, %arg2: memref<327680xi32, #tpu.memory_space<hbm>>, %arg3: memref<10240xf32, #tpu.memory_space<hbm>>, %arg4: memref<10240xf32, #tpu.memory_space<hbm>>, %arg5: memref<8x16xf32, #tpu.memory_space<hbm>>, %arg6: memref<16x16xf32, #tpu.memory_space<hbm>>, %arg7: memref<20000xi32, #tpu.memory_space<vmem>>, %arg8: memref<10240xf32, #tpu.memory_space<vmem>>, %arg9: memref<10240xf32, #tpu.memory_space<vmem>>, %arg10: memref<640xf32, #tpu.memory_space<vmem>>, %arg11: memref<640xf32, #tpu.memory_space<vmem>>, %arg12: memref<16x640xf32, #tpu.memory_space<vmem>>, %arg13: memref<8x16xf32, #tpu.memory_space<vmem>>, %arg14: memref<16xf32, #tpu.memory_space<vmem>>, %arg15: memref<16x16x640xf32, #tpu.memory_space<vmem_shared>>, %arg16: memref<10240xf32, #tpu.memory_space<vmem_shared>>, %arg17: memref<!tpu.dma_semaphore, #tpu.memory_space<semaphore_mem>>) attributes {dimension_semantics = [#tpu.dimension_semantics<core_parallel>, #tpu.dimension_semantics<subcore_parallel>], iteration_bounds = array<i64: 1, 16>, scalar_prefetch = 0 : i64, scratch_operands = 11 : i64, tpu.core_type = #tpu.core_type<sc_vector_subcore>, window_params = [{transform_indices = #map}, {transform_indices = #map}, {transform_indices = #map}, {transform_indices = #map1}, {transform_indices = #map1}]} {
    %mul3A = arith.constant 20000 : i32
    %mul3A_0 = arith.muli %arg1, %mul3A : i32
    %mul3A_1 = arith.constant 640 : i32
    %mul3A_2 = arith.muli %arg1, %mul3A_1 : i32
    %dma_start3A = tpu.memref_slice %arg2[%mul3A_0] : memref<327680xi32, #tpu.memory_space<hbm>> -> memref<20000xi32, #tpu.memory_space<hbm>>
    %dma_start3A_3 = tpu.memref_slice %arg2[%mul3A_0] : memref<327680xi32, #tpu.memory_space<hbm>> -> memref<20000xi32, #tpu.memory_space<hbm>>
    tpu.enqueue_dma source(%dma_start3A_3 : memref<20000xi32, #tpu.memory_space<hbm>>) target(%arg7 : memref<20000xi32, #tpu.memory_space<vmem>>) target_semaphore(%arg17 : memref<!tpu.dma_semaphore, #tpu.memory_space<semaphore_mem>>)
    tpu.enqueue_dma source(%arg5 : memref<8x16xf32, #tpu.memory_space<hbm>>) target(%arg13 : memref<8x16xf32, #tpu.memory_space<vmem>>) target_semaphore(%arg17 : memref<!tpu.dma_semaphore, #tpu.memory_space<semaphore_mem>>)
    tpu.enqueue_dma source(%arg3 : memref<10240xf32, #tpu.memory_space<hbm>>) target(%arg8 : memref<10240xf32, #tpu.memory_space<vmem>>) target_semaphore(%arg17 : memref<!tpu.dma_semaphore, #tpu.memory_space<semaphore_mem>>)
    %dma_start3A_4 = tpu.memref_slice %arg4[%mul3A_2] : memref<10240xf32, #tpu.memory_space<hbm>> -> memref<640xf32, #tpu.memory_space<hbm>>
    %dma_start3A_5 = tpu.memref_slice %arg4[%mul3A_2] : memref<10240xf32, #tpu.memory_space<hbm>> -> memref<640xf32, #tpu.memory_space<hbm>>
    tpu.enqueue_dma source(%dma_start3A_5 : memref<640xf32, #tpu.memory_space<hbm>>) target(%arg10 : memref<640xf32, #tpu.memory_space<vmem>>) target_semaphore(%arg17 : memref<!tpu.dma_semaphore, #tpu.memory_space<semaphore_mem>>)
    %dma_wait3A = tpu.memref_slice %arg2[%mul3A_0] : memref<327680xi32, #tpu.memory_space<hbm>> -> memref<20000xi32, #tpu.memory_space<hbm>>
    %dma_wait3A_6 = tpu.memref_slice %arg2[%mul3A_0] : memref<327680xi32, #tpu.memory_space<hbm>> -> memref<20000xi32, #tpu.memory_space<hbm>>
    tpu.wait_dma2 semaphore(%arg17 : memref<!tpu.dma_semaphore, #tpu.memory_space<semaphore_mem>>) src(%dma_wait3A_6 : memref<20000xi32, #tpu.memory_space<hbm>>) dst(%arg7 : memref<20000xi32, #tpu.memory_space<vmem>>)
    tpu.wait_dma2 semaphore(%arg17 : memref<!tpu.dma_semaphore, #tpu.memory_space<semaphore_mem>>) src(%arg5 : memref<8x16xf32, #tpu.memory_space<hbm>>) dst(%arg13 : memref<8x16xf32, #tpu.memory_space<vmem>>)
    tpu.wait_dma2 semaphore(%arg17 : memref<!tpu.dma_semaphore, #tpu.memory_space<semaphore_mem>>) src(%arg3 : memref<10240xf32, #tpu.memory_space<hbm>>) dst(%arg8 : memref<10240xf32, #tpu.memory_space<vmem>>)
    %dma_wait3A_7 = tpu.memref_slice %arg4[%mul3A_2] : memref<10240xf32, #tpu.memory_space<hbm>> -> memref<640xf32, #tpu.memory_space<hbm>>
    %dma_wait3A_8 = tpu.memref_slice %arg4[%mul3A_2] : memref<10240xf32, #tpu.memory_space<hbm>> -> memref<640xf32, #tpu.memory_space<hbm>>
    tpu.wait_dma2 semaphore(%arg17 : memref<!tpu.dma_semaphore, #tpu.memory_space<semaphore_mem>>) src(%dma_wait3A_8 : memref<640xf32, #tpu.memory_space<hbm>>) dst(%arg10 : memref<640xf32, #tpu.memory_space<vmem>>)
    %iota3A = tpu.iota {dimensions = array<i32: 0>} : vector<16xi32>
    %get3A = arith.constant 6 : i32
    %get3A_9 = arith.index_cast %get3A : i32 to index
    %get3A_10 = arith.constant 0 : index
    %get3A_11 = tpu.vector_load %arg13[%get3A_9, %get3A_10] {strides = array<i32>} : memref<8x16xf32, #tpu.memory_space<vmem>>, vector<16xf32>,
    %parallel_loop3A = arith.constant 0 : i32
    %parallel_loop3A_12 = arith.constant 640 : i32
    %parallel_loop3A_13 = arith.constant 16 : i32
    scf.for %parallel_loop3A_1128 = %parallel_loop3A to %parallel_loop3A_12 step %parallel_loop3A_13  : i32 {
      %parallel_loop3A_1129 = tpu.assume_multiple %parallel_loop3A_1128, 16 : i32
      %parallel_loop3A_1130 = arith.index_cast %parallel_loop3A_1129 : i32 to index
      %parallel_loop3A_1131 = tpu.vector_load %arg10[%parallel_loop3A_1130] {strides = array<i32>} : memref<640xf32, #tpu.memory_space<vmem>>, vector<16xf32>,
      %parallel_loop3A_1132 = arith.addf %parallel_loop3A_1131, %get3A_11 : vector<16xf32>
      %parallel_loop3A_1133 = arith.index_cast %parallel_loop3A_1129 : i32 to index
      %parallel_loop3A_1134 = tpu.vector_load %arg10[%parallel_loop3A_1133] {strides = array<i32>} : memref<640xf32, #tpu.memory_space<vmem>>, vector<16xf32>,
      tpu.vector_store %arg10[%parallel_loop3A_1133], %parallel_loop3A_1132 {strides = array<i32>} : memref<640xf32, #tpu.memory_space<vmem>>, vector<16xf32>,
    } {sc.loop_unroll_factor = 4 : i64, sc.parallel_access}
    %broadcast_in_dim3A = arith.constant 0.000000e+00 : f32
    %broadcast_in_dim3A_14 = vector.broadcast %broadcast_in_dim3A : f32 to vector<16xf32>
    %parallel_loop3A_15 = arith.constant 0 : i32
    %parallel_loop3A_16 = arith.constant 10240 : i32
    %parallel_loop3A_17 = arith.constant 16 : i32
    scf.for %parallel_loop3A_1128 = %parallel_loop3A_15 to %parallel_loop3A_16 step %parallel_loop3A_17  : i32 {
      %parallel_loop3A_1129 = arith.constant 0.000000e+00 : f32
      %parallel_loop3A_1130 = vector.broadcast %parallel_loop3A_1129 : f32 to vector<16xf32>
      %parallel_loop3A_1131 = tpu.assume_multiple %parallel_loop3A_1128, 16 : i32
      %parallel_loop3A_1132 = arith.index_cast %parallel_loop3A_1131 : i32 to index
      %parallel_loop3A_1133 = tpu.vector_load %arg9[%parallel_loop3A_1132] {strides = array<i32>} : memref<10240xf32, #tpu.memory_space<vmem>>, vector<16xf32>,
      tpu.vector_store %arg9[%parallel_loop3A_1132], %parallel_loop3A_1130 {strides = array<i32>} : memref<10240xf32, #tpu.memory_space<vmem>>, vector<16xf32>,
    } {sc.loop_unroll_factor = 8 : i64, sc.parallel_access}
    %parallel_loop3A_18 = arith.constant 0 : i32
    %parallel_loop3A_19 = arith.constant 20000 : i32
    %parallel_loop3A_20 = arith.constant 16 : i32
    scf.for %parallel_loop3A_1128 = %parallel_loop3A_18 to %parallel_loop3A_19 step %parallel_loop3A_20  : i32 {
      %parallel_loop3A_1129 = tpu.assume_multiple %parallel_loop3A_1128, 16 : i32
      %parallel_loop3A_1130 = arith.index_cast %parallel_loop3A_1129 : i32 to index
      %parallel_loop3A_1131 = tpu.vector_load %arg7[%parallel_loop3A_1130] {strides = array<i32>} : memref<20000xi32, #tpu.memory_space<vmem>>, vector<16xi32>,
      %parallel_loop3A_1132 = arith.constant 65535 : i32
      %parallel_loop3A_1133 = vector.broadcast %parallel_loop3A_1132 : i32 to vector<16xi32>
      %parallel_loop3A_1134 = arith.andi %parallel_loop3A_1131, %parallel_loop3A_1133 : vector<16xi32>
      %parallel_loop3A_1135 = arith.constant 16 : i32
      %parallel_loop3A_1136 = vector.broadcast %parallel_loop3A_1135 : i32 to vector<16xi32>
      %parallel_loop3A_1137 = arith.shrsi %parallel_loop3A_1131, %parallel_loop3A_1136 : vector<16xi32>
      %parallel_loop3A_1138 = tpu.vector_load_idx %arg8[%parallel_loop3A_1134] : memref<10240xf32, #tpu.memory_space<vmem>>[vector<16xi32>], vector<16xf32>,
      tpu.vector_store_idx %arg9[%parallel_loop3A_1137], %parallel_loop3A_1138 {add = true} : memref<10240xf32, #tpu.memory_space<vmem>>[vector<16xi32>], vector<16xf32>,
    } {sc.loop_unroll_factor = 8 : i64, sc.parallel_access}
    %dma_start3A_21 = arith.constant 0 : i32
    %dma_start3A_22 = arith.constant 0 : i32
    %dma_start3A_23 = tpu.memref_slice %arg9[%dma_start3A_22] : memref<10240xf32, #tpu.memory_space<vmem>> -> memref<640xf32, #tpu.memory_space<vmem>>
    %dma_start3A_24 = arith.constant 0 : i32
    %dma_start3A_25 = tpu.memref_slice %arg15[%dma_start3A_21, %arg1, %dma_start3A_24] : memref<16x16x640xf32, #tpu.memory_space<vmem_shared>> -> memref<1x1x640xf32, #tpu.memory_space<vmem_shared>>
    %dma_start3A_26 = tpu.memref_squeeze %dma_start3A_25 : memref<1x1x640xf32, #tpu.memory_space<vmem_shared>> -> memref<640xf32, #tpu.memory_space<vmem_shared>>
    %dma_start3A_27 = arith.constant 0 : i32
    %dma_start3A_28 = tpu.memref_slice %arg15[%dma_start3A_21, %arg1, %dma_start3A_27] : memref<16x16x640xf32, #tpu.memory_space<vmem_shared>> -> memref<1x1x640xf32, #tpu.memory_space<vmem_shared>>
    %dma_start3A_29 = tpu.memref_squeeze %dma_start3A_28 : memref<1x1x640xf32, #tpu.memory_space<vmem_shared>> -> memref<640xf32, #tpu.memory_space<vmem_shared>>
    %dma_start3A_30 = arith.constant 0 : i32
    %dma_start3A_31 = tpu.memref_slice %arg9[%dma_start3A_30] : memref<10240xf32, #tpu.memory_space<vmem>> -> memref<640xf32, #tpu.memory_space<vmem>>
    tpu.enqueue_dma source(%dma_start3A_31 : memref<640xf32, #tpu.memory_space<vmem>>) target(%dma_start3A_29 : memref<640xf32, #tpu.memory_space<vmem_shared>>) target_semaphore(%arg17 : memref<!tpu.dma_semaphore, #tpu.memory_space<semaphore_mem>>)
    %dma_start3A_32 = arith.constant 1 : i32
    %dma_start3A_33 = arith.constant 640 : i32
    %dma_start3A_34 = tpu.memref_slice %arg9[%dma_start3A_33] : memref<10240xf32, #tpu.memory_space<vmem>> -> memref<640xf32, #tpu.memory_space<vmem>>
    %dma_start3A_35 = arith.constant 0 : i32
    %dma_start3A_36 = tpu.memref_slice %arg15[%dma_start3A_32, %arg1, %dma_start3A_35] : memref<16x16x640xf32, #tpu.memory_space<vmem_shared>> -> memref<1x1x640xf32, #tpu.memory_space<vmem_shared>>
    %dma_start3A_37 = tpu.memref_squeeze %dma_start3A_36 : memref<1x1x640xf32, #tpu.memory_space<vmem_shared>> -> memref<640xf32, #tpu.memory_space<vmem_shared>>
    %dma_start3A_38 = arith.constant 0 : i32
    %dma_start3A_39 = tpu.memref_slice %arg15[%dma_start3A_32, %arg1, %dma_start3A_38] : memref<16x16x640xf32, #tpu.memory_space<vmem_shared>> -> memref<1x1x640xf32, #tpu.memory_space<vmem_shared>>
    %dma_start3A_40 = tpu.memref_squeeze %dma_start3A_39 : memref<1x1x640xf32, #tpu.memory_space<vmem_shared>> -> memref<640xf32, #tpu.memory_space<vmem_shared>>
    %dma_start3A_41 = arith.constant 640 : i32
    %dma_start3A_42 = tpu.memref_slice %arg9[%dma_start3A_41] : memref<10240xf32, #tpu.memory_space<vmem>> -> memref<640xf32, #tpu.memory_space<vmem>>
    tpu.enqueue_dma source(%dma_start3A_42 : memref<640xf32, #tpu.memory_space<vmem>>) target(%dma_start3A_40 : memref<640xf32, #tpu.memory_space<vmem_shared>>) target_semaphore(%arg17 : memref<!tpu.dma_semaphore, #tpu.memory_space<semaphore_mem>>)
    %dma_start3A_43 = arith.constant 2 : i32
    %dma_start3A_44 = arith.constant 1280 : i32
    %dma_start3A_45 = tpu.memref_slice %arg9[%dma_start3A_44] : memref<10240xf32, #tpu.memory_space<vmem>> -> memref<640xf32, #tpu.memory_space<vmem>>
    %dma_start3A_46 = arith.constant 0 : i32
    %dma_start3A_47 = tpu.memref_slice %arg15[%dma_start3A_43, %arg1, %dma_start3A_46] : memref<16x16x640xf32, #tpu.memory_space<vmem_shared>> -> memref<1x1x640xf32, #tpu.memory_space<vmem_shared>>
    %dma_start3A_48 = tpu.memref_squeeze %dma_start3A_47 : memref<1x1x640xf32, #tpu.memory_space<vmem_shared>> -> memref<640xf32, #tpu.memory_space<vmem_shared>>
    %dma_start3A_49 = arith.constant 0 : i32
    %dma_start3A_50 = tpu.memref_slice %arg15[%dma_start3A_43, %arg1, %dma_start3A_49] : memref<16x16x640xf32, #tpu.memory_space<vmem_shared>> -> memref<1x1x640xf32, #tpu.memory_space<vmem_shared>>
    %dma_start3A_51 = tpu.memref_squeeze %dma_start3A_50 : memref<1x1x640xf32, #tpu.memory_space<vmem_shared>> -> memref<640xf32, #tpu.memory_space<vmem_shared>>
    %dma_start3A_52 = arith.constant 1280 : i32
    %dma_start3A_53 = tpu.memref_slice %arg9[%dma_start3A_52] : memref<10240xf32, #tpu.memory_space<vmem>> -> memref<640xf32, #tpu.memory_space<vmem>>
    tpu.enqueue_dma source(%dma_start3A_53 : memref<640xf32, #tpu.memory_space<vmem>>) target(%dma_start3A_51 : memref<640xf32, #tpu.memory_space<vmem_shared>>) target_semaphore(%arg17 : memref<!tpu.dma_semaphore, #tpu.memory_space<semaphore_mem>>)
    %dma_start3A_54 = arith.constant 3 : i32
    %dma_start3A_55 = arith.constant 1920 : i32
    %dma_start3A_56 = tpu.memref_slice %arg9[%dma_start3A_55] : memref<10240xf32, #tpu.memory_space<vmem>> -> memref<640xf32, #tpu.memory_space<vmem>>
    %dma_start3A_57 = arith.constant 0 : i32
    %dma_start3A_58 = tpu.memref_slice %arg15[%dma_start3A_54, %arg1, %dma_start3A_57] : memref<16x16x640xf32, #tpu.memory_space<vmem_shared>> -> memref<1x1x640xf32, #tpu.memory_space<vmem_shared>>
    %dma_start3A_59 = tpu.memref_squeeze %dma_start3A_58 : memref<1x1x640xf32, #tpu.memory_space<vmem_shared>> -> memref<640xf32, #tpu.memory_space<vmem_shared>>
    %dma_start3A_60 = arith.constant 0 : i32
    %dma_start3A_61 = tpu.memref_slice %arg15[%dma_start3A_54, %arg1, %dma_start3A_60] : memref<16x16x640xf32, #tpu.memory_space<vmem_shared>> -> memref<1x1x640xf32, #tpu.memory_space<vmem_shared>>
    %dma_start3A_62 = tpu.memref_squeeze %dma_start3A_61 : memref<1x1x640xf32, #tpu.memory_space<vmem_shared>> -> memref<640xf32, #tpu.memory_space<vmem_shared>>
    %dma_start3A_63 = arith.constant 1920 : i32
    %dma_start3A_64 = tpu.memref_slice %arg9[%dma_start3A_63] : memref<10240xf32, #tpu.memory_space<vmem>> -> memref<640xf32, #tpu.memory_space<vmem>>
    tpu.enqueue_dma source(%dma_start3A_64 : memref<640xf32, #tpu.memory_space<vmem>>) target(%dma_start3A_62 : memref<640xf32, #tpu.memory_space<vmem_shared>>) target_semaphore(%arg17 : memref<!tpu.dma_semaphore, #tpu.memory_space<semaphore_mem>>)
    %dma_start3A_65 = arith.constant 4 : i32
    %dma_start3A_66 = arith.constant 2560 : i32
    %dma_start3A_67 = tpu.memref_slice %arg9[%dma_start3A_66] : memref<10240xf32, #tpu.memory_space<vmem>> -> memref<640xf32, #tpu.memory_space<vmem>>
    %dma_start3A_68 = arith.constant 0 : i32
    %dma_start3A_69 = tpu.memref_slice %arg15[%dma_start3A_65, %arg1, %dma_start3A_68] : memref<16x16x640xf32, #tpu.memory_space<vmem_shared>> -> memref<1x1x640xf32, #tpu.memory_space<vmem_shared>>
    %dma_start3A_70 = tpu.memref_squeeze %dma_start3A_69 : memref<1x1x640xf32, #tpu.memory_space<vmem_shared>> -> memref<640xf32, #tpu.memory_space<vmem_shared>>
    %dma_start3A_71 = arith.constant 0 : i32
    %dma_start3A_72 = tpu.memref_slice %arg15[%dma_start3A_65, %arg1, %dma_start3A_71] : memref<16x16x640xf32, #tpu.memory_space<vmem_shared>> -> memref<1x1x640xf32, #tpu.memory_space<vmem_shared>>
    %dma_start3A_73 = tpu.memref_squeeze %dma_start3A_72 : memref<1x1x640xf32, #tpu.memory_space<vmem_shared>> -> memref<640xf32, #tpu.memory_space<vmem_shared>>
    %dma_start3A_74 = arith.constant 2560 : i32
    %dma_start3A_75 = tpu.memref_slice %arg9[%dma_start3A_74] : memref<10240xf32, #tpu.memory_space<vmem>> -> memref<640xf32, #tpu.memory_space<vmem>>
    tpu.enqueue_dma source(%dma_start3A_75 : memref<640xf32, #tpu.memory_space<vmem>>) target(%dma_start3A_73 : memref<640xf32, #tpu.memory_space<vmem_shared>>) target_semaphore(%arg17 : memref<!tpu.dma_semaphore, #tpu.memory_space<semaphore_mem>>)
    %dma_start3A_76 = arith.constant 5 : i32
    %dma_start3A_77 = arith.constant 3200 : i32
    %dma_start3A_78 = tpu.memref_slice %arg9[%dma_start3A_77] : memref<10240xf32, #tpu.memory_space<vmem>> -> memref<640xf32, #tpu.memory_space<vmem>>
    %dma_start3A_79 = arith.constant 0 : i32
    %dma_start3A_80 = tpu.memref_slice %arg15[%dma_start3A_76, %arg1, %dma_start3A_79] : memref<16x16x640xf32, #tpu.memory_space<vmem_shared>> -> memref<1x1x640xf32, #tpu.memory_space<vmem_shared>>
    %dma_start3A_81 = tpu.memref_squeeze %dma_start3A_80 : memref<1x1x640xf32, #tpu.memory_space<vmem_shared>> -> memref<640xf32, #tpu.memory_space<vmem_shared>>
    %dma_start3A_82 = arith.constant 0 : i32
    %dma_start3A_83 = tpu.memref_slice %arg15[%dma_start3A_76, %arg1, %dma_start3A_82] : memref<16x16x640xf32, #tpu.memory_space<vmem_shared>> -> memref<1x1x640xf32, #tpu.memory_space<vmem_shared>>
    %dma_start3A_84 = tpu.memref_squeeze %dma_start3A_83 : memref<1x1x640xf32, #tpu.memory_space<vmem_shared>> -> memref<640xf32, #tpu.memory_space<vmem_shared>>
    %dma_start3A_85 = arith.constant 3200 : i32
    %dma_start3A_86 = tpu.memref_slice %arg9[%dma_start3A_85] : memref<10240xf32, #tpu.memory_space<vmem>> -> memref<640xf32, #tpu.memory_space<vmem>>
    tpu.enqueue_dma source(%dma_start3A_86 : memref<640xf32, #tpu.memory_space<vmem>>) target(%dma_start3A_84 : memref<640xf32, #tpu.memory_space<vmem_shared>>) target_semaphore(%arg17 : memref<!tpu.dma_semaphore, #tpu.memory_space<semaphore_mem>>)
    %dma_start3A_87 = arith.constant 6 : i32
    %dma_start3A_88 = arith.constant 3840 : i32
    %dma_start3A_89 = tpu.memref_slice %arg9[%dma_start3A_88] : memref<10240xf32, #tpu.memory_space<vmem>> -> memref<640xf32, #tpu.memory_space<vmem>>
    %dma_start3A_90 = arith.constant 0 : i32
    %dma_start3A_91 = tpu.memref_slice %arg15[%dma_start3A_87, %arg1, %dma_start3A_90] : memref<16x16x640xf32, #tpu.memory_space<vmem_shared>> -> memref<1x1x640xf32, #tpu.memory_space<vmem_shared>>
    %dma_start3A_92 = tpu.memref_squeeze %dma_start3A_91 : memref<1x1x640xf32, #tpu.memory_space<vmem_shared>> -> memref<640xf32, #tpu.memory_space<vmem_shared>>
    %dma_start3A_93 = arith.constant 0 : i32
    %dma_start3A_94 = tpu.memref_slice %arg15[%dma_start3A_87, %arg1, %dma_start3A_93] : memref<16x16x640xf32, #tpu.memory_space<vmem_shared>> -> memref<1x1x640xf32, #tpu.memory_space<vmem_shared>>
    %dma_start3A_95 = tpu.memref_squeeze %dma_start3A_94 : memref<1x1x640xf32, #tpu.memory_space<vmem_shared>> -> memref<640xf32, #tpu.memory_space<vmem_shared>>
    %dma_start3A_96 = arith.constant 3840 : i32
    %dma_start3A_97 = tpu.memref_slice %arg9[%dma_start3A_96] : memref<10240xf32, #tpu.memory_space<vmem>> -> memref<640xf32, #tpu.memory_space<vmem>>
    tpu.enqueue_dma source(%dma_start3A_97 : memref<640xf32, #tpu.memory_space<vmem>>) target(%dma_start3A_95 : memref<640xf32, #tpu.memory_space<vmem_shared>>) target_semaphore(%arg17 : memref<!tpu.dma_semaphore, #tpu.memory_space<semaphore_mem>>)
    %dma_start3A_98 = arith.constant 7 : i32
    %dma_start3A_99 = arith.constant 4480 : i32
    %dma_start3A_100 = tpu.memref_slice %arg9[%dma_start3A_99] : memref<10240xf32, #tpu.memory_space<vmem>> -> memref<640xf32, #tpu.memory_space<vmem>>
    %dma_start3A_101 = arith.constant 0 : i32
    %dma_start3A_102 = tpu.memref_slice %arg15[%dma_start3A_98, %arg1, %dma_start3A_101] : memref<16x16x640xf32, #tpu.memory_space<vmem_shared>> -> memref<1x1x640xf32, #tpu.memory_space<vmem_shared>>
    %dma_start3A_103 = tpu.memref_squeeze %dma_start3A_102 : memref<1x1x640xf32, #tpu.memory_space<vmem_shared>> -> memref<640xf32, #tpu.memory_space<vmem_shared>>
    %dma_start3A_104 = arith.constant 0 : i32
    %dma_start3A_105 = tpu.memref_slice %arg15[%dma_start3A_98, %arg1, %dma_start3A_104] : memref<16x16x640xf32, #tpu.memory_space<vmem_shared>> -> memref<1x1x640xf32, #tpu.memory_space<vmem_shared>>
    %dma_start3A_106 = tpu.memref_squeeze %dma_start3A_105 : memref<1x1x640xf32, #tpu.memory_space<vmem_shared>> -> memref<640xf32, #tpu.memory_space<vmem_shared>>
    %dma_start3A_107 = arith.constant 4480 : i32
    %dma_start3A_108 = tpu.memref_slice %arg9[%dma_start3A_107] : memref<10240xf32, #tpu.memory_space<vmem>> -> memref<640xf32, #tpu.memory_space<vmem>>
    tpu.enqueue_dma source(%dma_start3A_108 : memref<640xf32, #tpu.memory_space<vmem>>) target(%dma_start3A_106 : memref<640xf32, #tpu.memory_space<vmem_shared>>) target_semaphore(%arg17 : memref<!tpu.dma_semaphore, #tpu.memory_space<semaphore_mem>>)
    %dma_start3A_109 = arith.constant 8 : i32
    %dma_start3A_110 = arith.constant 5120 : i32
    %dma_start3A_111 = tpu.memref_slice %arg9[%dma_start3A_110] : memref<10240xf32, #tpu.memory_space<vmem>> -> memref<640xf32, #tpu.memory_space<vmem>>
    %dma_start3A_112 = arith.constant 0 : i32
    %dma_start3A_113 = tpu.memref_slice %arg15[%dma_start3A_109, %arg1, %dma_start3A_112] : memref<16x16x640xf32, #tpu.memory_space<vmem_shared>> -> memref<1x1x640xf32, #tpu.memory_space<vmem_shared>>
    %dma_start3A_114 = tpu.memref_squeeze %dma_start3A_113 : memref<1x1x640xf32, #tpu.memory_space<vmem_shared>> -> memref<640xf32, #tpu.memory_space<vmem_shared>>
    %dma_start3A_115 = arith.constant 0 : i32
    %dma_start3A_116 = tpu.memref_slice %arg15[%dma_start3A_109, %arg1, %dma_start3A_115] : memref<16x16x640xf32, #tpu.memory_space<vmem_shared>> -> memref<1x1x640xf32, #tpu.memory_space<vmem_shared>>
    %dma_start3A_117 = tpu.memref_squeeze %dma_start3A_116 : memref<1x1x640xf32, #tpu.memory_space<vmem_shared>> -> memref<640xf32, #tpu.memory_space<vmem_shared>>
    %dma_start3A_118 = arith.constant 5120 : i32
    %dma_start3A_119 = tpu.memref_slice %arg9[%dma_start3A_118] : memref<10240xf32, #tpu.memory_space<vmem>> -> memref<640xf32, #tpu.memory_space<vmem>>
    tpu.enqueue_dma source(%dma_start3A_119 : memref<640xf32, #tpu.memory_space<vmem>>) target(%dma_start3A_117 : memref<640xf32, #tpu.memory_space<vmem_shared>>) target_semaphore(%arg17 : memref<!tpu.dma_semaphore, #tpu.memory_space<semaphore_mem>>)
    %dma_start3A_120 = arith.constant 9 : i32
    %dma_start3A_121 = arith.constant 5760 : i32
    %dma_start3A_122 = tpu.memref_slice %arg9[%dma_start3A_121] : memref<10240xf32, #tpu.memory_space<vmem>> -> memref<640xf32, #tpu.memory_space<vmem>>
    %dma_start3A_123 = arith.constant 0 : i32
    %dma_start3A_124 = tpu.memref_slice %arg15[%dma_start3A_120, %arg1, %dma_start3A_123] : memref<16x16x640xf32, #tpu.memory_space<vmem_shared>> -> memref<1x1x640xf32, #tpu.memory_space<vmem_shared>>
    %dma_start3A_125 = tpu.memref_squeeze %dma_start3A_124 : memref<1x1x640xf32, #tpu.memory_space<vmem_shared>> -> memref<640xf32, #tpu.memory_space<vmem_shared>>
    %dma_start3A_126 = arith.constant 0 : i32
    %dma_start3A_127 = tpu.memref_slice %arg15[%dma_start3A_120, %arg1, %dma_start3A_126] : memref<16x16x640xf32, #tpu.memory_space<vmem_shared>> -> memref<1x1x640xf32, #tpu.memory_space<vmem_shared>>
    %dma_start3A_128 = tpu.memref_squeeze %dma_start3A_127 : memref<1x1x640xf32, #tpu.memory_space<vmem_shared>> -> memref<640xf32, #tpu.memory_space<vmem_shared>>
    %dma_start3A_129 = arith.constant 5760 : i32
    %dma_start3A_130 = tpu.memref_slice %arg9[%dma_start3A_129] : memref<10240xf32, #tpu.memory_space<vmem>> -> memref<640xf32, #tpu.memory_space<vmem>>
    tpu.enqueue_dma source(%dma_start3A_130 : memref<640xf32, #tpu.memory_space<vmem>>) target(%dma_start3A_128 : memref<640xf32, #tpu.memory_space<vmem_shared>>) target_semaphore(%arg17 : memref<!tpu.dma_semaphore, #tpu.memory_space<semaphore_mem>>)
    %dma_start3A_131 = arith.constant 10 : i32
    %dma_start3A_132 = arith.constant 6400 : i32
    %dma_start3A_133 = tpu.memref_slice %arg9[%dma_start3A_132] : memref<10240xf32, #tpu.memory_space<vmem>> -> memref<640xf32, #tpu.memory_space<vmem>>
    %dma_start3A_134 = arith.constant 0 : i32
    %dma_start3A_135 = tpu.memref_slice %arg15[%dma_start3A_131, %arg1, %dma_start3A_134] : memref<16x16x640xf32, #tpu.memory_space<vmem_shared>> -> memref<1x1x640xf32, #tpu.memory_space<vmem_shared>>
    %dma_start3A_136 = tpu.memref_squeeze %dma_start3A_135 : memref<1x1x640xf32, #tpu.memory_space<vmem_shared>> -> memref<640xf32, #tpu.memory_space<vmem_shared>>
    %dma_start3A_137 = arith.constant 0 : i32
    %dma_start3A_138 = tpu.memref_slice %arg15[%dma_start3A_131, %arg1, %dma_start3A_137] : memref<16x16x640xf32, #tpu.memory_space<vmem_shared>> -> memref<1x1x640xf32, #tpu.memory_space<vmem_shared>>
    %dma_start3A_139 = tpu.memref_squeeze %dma_start3A_138 : memref<1x1x640xf32, #tpu.memory_space<vmem_shared>> -> memref<640xf32, #tpu.memory_space<vmem_shared>>
    %dma_start3A_140 = arith.constant 6400 : i32
    %dma_start3A_141 = tpu.memref_slice %arg9[%dma_start3A_140] : memref<10240xf32, #tpu.memory_space<vmem>> -> memref<640xf32, #tpu.memory_space<vmem>>
    tpu.enqueue_dma source(%dma_start3A_141 : memref<640xf32, #tpu.memory_space<vmem>>) target(%dma_start3A_139 : memref<640xf32, #tpu.memory_space<vmem_shared>>) target_semaphore(%arg17 : memref<!tpu.dma_semaphore, #tpu.memory_space<semaphore_mem>>)
    %dma_start3A_142 = arith.constant 11 : i32
    %dma_start3A_143 = arith.constant 7040 : i32
    %dma_start3A_144 = tpu.memref_slice %arg9[%dma_start3A_143] : memref<10240xf32, #tpu.memory_space<vmem>> -> memref<640xf32, #tpu.memory_space<vmem>>
    %dma_start3A_145 = arith.constant 0 : i32
    %dma_start3A_146 = tpu.memref_slice %arg15[%dma_start3A_142, %arg1, %dma_start3A_145] : memref<16x16x640xf32, #tpu.memory_space<vmem_shared>> -> memref<1x1x640xf32, #tpu.memory_space<vmem_shared>>
    %dma_start3A_147 = tpu.memref_squeeze %dma_start3A_146 : memref<1x1x640xf32, #tpu.memory_space<vmem_shared>> -> memref<640xf32, #tpu.memory_space<vmem_shared>>
    %dma_start3A_148 = arith.constant 0 : i32
    %dma_start3A_149 = tpu.memref_slice %arg15[%dma_start3A_142, %arg1, %dma_start3A_148] : memref<16x16x640xf32, #tpu.memory_space<vmem_shared>> -> memref<1x1x640xf32, #tpu.memory_space<vmem_shared>>
    %dma_start3A_150 = tpu.memref_squeeze %dma_start3A_149 : memref<1x1x640xf32, #tpu.memory_space<vmem_shared>> -> memref<640xf32, #tpu.memory_space<vmem_shared>>
    %dma_start3A_151 = arith.constant 7040 : i32
    %dma_start3A_152 = tpu.memref_slice %arg9[%dma_start3A_151] : memref<10240xf32, #tpu.memory_space<vmem>> -> memref<640xf32, #tpu.memory_space<vmem>>
    tpu.enqueue_dma source(%dma_start3A_152 : memref<640xf32, #tpu.memory_space<vmem>>) target(%dma_start3A_150 : memref<640xf32, #tpu.memory_space<vmem_shared>>) target_semaphore(%arg17 : memref<!tpu.dma_semaphore, #tpu.memory_space<semaphore_mem>>)
    %dma_start3A_153 = arith.constant 12 : i32
    %dma_start3A_154 = arith.constant 7680 : i32
    %dma_start3A_155 = tpu.memref_slice %arg9[%dma_start3A_154] : memref<10240xf32, #tpu.memory_space<vmem>> -> memref<640xf32, #tpu.memory_space<vmem>>
    %dma_start3A_156 = arith.constant 0 : i32
    %dma_start3A_157 = tpu.memref_slice %arg15[%dma_start3A_153, %arg1, %dma_start3A_156] : memref<16x16x640xf32, #tpu.memory_space<vmem_shared>> -> memref<1x1x640xf32, #tpu.memory_space<vmem_shared>>
    %dma_start3A_158 = tpu.memref_squeeze %dma_start3A_157 : memref<1x1x640xf32, #tpu.memory_space<vmem_shared>> -> memref<640xf32, #tpu.memory_space<vmem_shared>>
    %dma_start3A_159 = arith.constant 0 : i32
    %dma_start3A_160 = tpu.memref_slice %arg15[%dma_start3A_153, %arg1, %dma_start3A_159] : memref<16x16x640xf32, #tpu.memory_space<vmem_shared>> -> memref<1x1x640xf32, #tpu.memory_space<vmem_shared>>
    %dma_start3A_161 = tpu.memref_squeeze %dma_start3A_160 : memref<1x1x640xf32, #tpu.memory_space<vmem_shared>> -> memref<640xf32, #tpu.memory_space<vmem_shared>>
    %dma_start3A_162 = arith.constant 7680 : i32
    %dma_start3A_163 = tpu.memref_slice %arg9[%dma_start3A_162] : memref<10240xf32, #tpu.memory_space<vmem>> -> memref<640xf32, #tpu.memory_space<vmem>>
    tpu.enqueue_dma source(%dma_start3A_163 : memref<640xf32, #tpu.memory_space<vmem>>) target(%dma_start3A_161 : memref<640xf32, #tpu.memory_space<vmem_shared>>) target_semaphore(%arg17 : memref<!tpu.dma_semaphore, #tpu.memory_space<semaphore_mem>>)
    %dma_start3A_164 = arith.constant 13 : i32
    %dma_start3A_165 = arith.constant 8320 : i32
    %dma_start3A_166 = tpu.memref_slice %arg9[%dma_start3A_165] : memref<10240xf32, #tpu.memory_space<vmem>> -> memref<640xf32, #tpu.memory_space<vmem>>
    %dma_start3A_167 = arith.constant 0 : i32
    %dma_start3A_168 = tpu.memref_slice %arg15[%dma_start3A_164, %arg1, %dma_start3A_167] : memref<16x16x640xf32, #tpu.memory_space<vmem_shared>> -> memref<1x1x640xf32, #tpu.memory_space<vmem_shared>>
    %dma_start3A_169 = tpu.memref_squeeze %dma_start3A_168 : memref<1x1x640xf32, #tpu.memory_space<vmem_shared>> -> memref<640xf32, #tpu.memory_space<vmem_shared>>
    %dma_start3A_170 = arith.constant 0 : i32
    %dma_start3A_171 = tpu.memref_slice %arg15[%dma_start3A_164, %arg1, %dma_start3A_170] : memref<16x16x640xf32, #tpu.memory_space<vmem_shared>> -> memref<1x1x640xf32, #tpu.memory_space<vmem_shared>>
    %dma_start3A_172 = tpu.memref_squeeze %dma_start3A_171 : memref<1x1x640xf32, #tpu.memory_space<vmem_shared>> -> memref<640xf32, #tpu.memory_space<vmem_shared>>
    %dma_start3A_173 = arith.constant 8320 : i32
    %dma_start3A_174 = tpu.memref_slice %arg9[%dma_start3A_173] : memref<10240xf32, #tpu.memory_space<vmem>> -> memref<640xf32, #tpu.memory_space<vmem>>
    tpu.enqueue_dma source(%dma_start3A_174 : memref<640xf32, #tpu.memory_space<vmem>>) target(%dma_start3A_172 : memref<640xf32, #tpu.memory_space<vmem_shared>>) target_semaphore(%arg17 : memref<!tpu.dma_semaphore, #tpu.memory_space<semaphore_mem>>)
    %dma_start3A_175 = arith.constant 14 : i32
    %dma_start3A_176 = arith.constant 8960 : i32
    %dma_start3A_177 = tpu.memref_slice %arg9[%dma_start3A_176] : memref<10240xf32, #tpu.memory_space<vmem>> -> memref<640xf32, #tpu.memory_space<vmem>>
    %dma_start3A_178 = arith.constant 0 : i32
    %dma_start3A_179 = tpu.memref_slice %arg15[%dma_start3A_175, %arg1, %dma_start3A_178] : memref<16x16x640xf32, #tpu.memory_space<vmem_shared>> -> memref<1x1x640xf32, #tpu.memory_space<vmem_shared>>
    %dma_start3A_180 = tpu.memref_squeeze %dma_start3A_179 : memref<1x1x640xf32, #tpu.memory_space<vmem_shared>> -> memref<640xf32, #tpu.memory_space<vmem_shared>>
    %dma_start3A_181 = arith.constant 0 : i32
    %dma_start3A_182 = tpu.memref_slice %arg15[%dma_start3A_175, %arg1, %dma_start3A_181] : memref<16x16x640xf32, #tpu.memory_space<vmem_shared>> -> memref<1x1x640xf32, #tpu.memory_space<vmem_shared>>
    %dma_start3A_183 = tpu.memref_squeeze %dma_start3A_182 : memref<1x1x640xf32, #tpu.memory_space<vmem_shared>> -> memref<640xf32, #tpu.memory_space<vmem_shared>>
    %dma_start3A_184 = arith.constant 8960 : i32
    %dma_start3A_185 = tpu.memref_slice %arg9[%dma_start3A_184] : memref<10240xf32, #tpu.memory_space<vmem>> -> memref<640xf32, #tpu.memory_space<vmem>>
    tpu.enqueue_dma source(%dma_start3A_185 : memref<640xf32, #tpu.memory_space<vmem>>) target(%dma_start3A_183 : memref<640xf32, #tpu.memory_space<vmem_shared>>) target_semaphore(%arg17 : memref<!tpu.dma_semaphore, #tpu.memory_space<semaphore_mem>>)
    %dma_start3A_186 = arith.constant 15 : i32
    %dma_start3A_187 = arith.constant 9600 : i32
    %dma_start3A_188 = tpu.memref_slice %arg9[%dma_start3A_187] : memref<10240xf32, #tpu.memory_space<vmem>> -> memref<640xf32, #tpu.memory_space<vmem>>
    %dma_start3A_189 = arith.constant 0 : i32
    %dma_start3A_190 = tpu.memref_slice %arg15[%dma_start3A_186, %arg1, %dma_start3A_189] : memref<16x16x640xf32, #tpu.memory_space<vmem_shared>> -> memref<1x1x640xf32, #tpu.memory_space<vmem_shared>>
    %dma_start3A_191 = tpu.memref_squeeze %dma_start3A_190 : memref<1x1x640xf32, #tpu.memory_space<vmem_shared>> -> memref<640xf32, #tpu.memory_space<vmem_shared>>
    %dma_start3A_192 = arith.constant 0 : i32
    %dma_start3A_193 = tpu.memref_slice %arg15[%dma_start3A_186, %arg1, %dma_start3A_192] : memref<16x16x640xf32, #tpu.memory_space<vmem_shared>> -> memref<1x1x640xf32, #tpu.memory_space<vmem_shared>>
    %dma_start3A_194 = tpu.memref_squeeze %dma_start3A_193 : memref<1x1x640xf32, #tpu.memory_space<vmem_shared>> -> memref<640xf32, #tpu.memory_space<vmem_shared>>
    %dma_start3A_195 = arith.constant 9600 : i32
    %dma_start3A_196 = tpu.memref_slice %arg9[%dma_start3A_195] : memref<10240xf32, #tpu.memory_space<vmem>> -> memref<640xf32, #tpu.memory_space<vmem>>
    tpu.enqueue_dma source(%dma_start3A_196 : memref<640xf32, #tpu.memory_space<vmem>>) target(%dma_start3A_194 : memref<640xf32, #tpu.memory_space<vmem_shared>>) target_semaphore(%arg17 : memref<!tpu.dma_semaphore, #tpu.memory_space<semaphore_mem>>)
    %dma_wait3A_197 = arith.constant 0 : i32
    %dma_wait3A_198 = arith.constant 0 : i32
    %dma_wait3A_199 = tpu.memref_slice %arg9[%dma_wait3A_198] : memref<10240xf32, #tpu.memory_space<vmem>> -> memref<640xf32, #tpu.memory_space<vmem>>
    %dma_wait3A_200 = arith.constant 0 : i32
    %dma_wait3A_201 = tpu.memref_slice %arg15[%dma_wait3A_197, %arg1, %dma_wait3A_200] : memref<16x16x640xf32, #tpu.memory_space<vmem_shared>> -> memref<1x1x640xf32, #tpu.memory_space<vmem_shared>>
    %dma_wait3A_202 = tpu.memref_squeeze %dma_wait3A_201 : memref<1x1x640xf32, #tpu.memory_space<vmem_shared>> -> memref<640xf32, #tpu.memory_space<vmem_shared>>
    %dma_wait3A_203 = arith.constant 0 : i32
    %dma_wait3A_204 = tpu.memref_slice %arg15[%dma_wait3A_197, %arg1, %dma_wait3A_203] : memref<16x16x640xf32, #tpu.memory_space<vmem_shared>> -> memref<1x1x640xf32, #tpu.memory_space<vmem_shared>>
    %dma_wait3A_205 = tpu.memref_squeeze %dma_wait3A_204 : memref<1x1x640xf32, #tpu.memory_space<vmem_shared>> -> memref<640xf32, #tpu.memory_space<vmem_shared>>
    %dma_wait3A_206 = arith.constant 0 : i32
    %dma_wait3A_207 = tpu.memref_slice %arg9[%dma_wait3A_206] : memref<10240xf32, #tpu.memory_space<vmem>> -> memref<640xf32, #tpu.memory_space<vmem>>
    tpu.wait_dma2 semaphore(%arg17 : memref<!tpu.dma_semaphore, #tpu.memory_space<semaphore_mem>>) src(%dma_wait3A_207 : memref<640xf32, #tpu.memory_space<vmem>>) dst(%dma_wait3A_205 : memref<640xf32, #tpu.memory_space<vmem_shared>>)
    %dma_wait3A_208 = arith.constant 1 : i32
    %dma_wait3A_209 = arith.constant 640 : i32
    %dma_wait3A_210 = tpu.memref_slice %arg9[%dma_wait3A_209] : memref<10240xf32, #tpu.memory_space<vmem>> -> memref<640xf32, #tpu.memory_space<vmem>>
    %dma_wait3A_211 = arith.constant 0 : i32
    %dma_wait3A_212 = tpu.memref_slice %arg15[%dma_wait3A_208, %arg1, %dma_wait3A_211] : memref<16x16x640xf32, #tpu.memory_space<vmem_shared>> -> memref<1x1x640xf32, #tpu.memory_space<vmem_shared>>
    %dma_wait3A_213 = tpu.memref_squeeze %dma_wait3A_212 : memref<1x1x640xf32, #tpu.memory_space<vmem_shared>> -> memref<640xf32, #tpu.memory_space<vmem_shared>>
    %dma_wait3A_214 = arith.constant 0 : i32
    %dma_wait3A_215 = tpu.memref_slice %arg15[%dma_wait3A_208, %arg1, %dma_wait3A_214] : memref<16x16x640xf32, #tpu.memory_space<vmem_shared>> -> memref<1x1x640xf32, #tpu.memory_space<vmem_shared>>
    %dma_wait3A_216 = tpu.memref_squeeze %dma_wait3A_215 : memref<1x1x640xf32, #tpu.memory_space<vmem_shared>> -> memref<640xf32, #tpu.memory_space<vmem_shared>>
    %dma_wait3A_217 = arith.constant 640 : i32
    %dma_wait3A_218 = tpu.memref_slice %arg9[%dma_wait3A_217] : memref<10240xf32, #tpu.memory_space<vmem>> -> memref<640xf32, #tpu.memory_space<vmem>>
    tpu.wait_dma2 semaphore(%arg17 : memref<!tpu.dma_semaphore, #tpu.memory_space<semaphore_mem>>) src(%dma_wait3A_218 : memref<640xf32, #tpu.memory_space<vmem>>) dst(%dma_wait3A_216 : memref<640xf32, #tpu.memory_space<vmem_shared>>)
    %dma_wait3A_219 = arith.constant 2 : i32
    %dma_wait3A_220 = arith.constant 1280 : i32
    %dma_wait3A_221 = tpu.memref_slice %arg9[%dma_wait3A_220] : memref<10240xf32, #tpu.memory_space<vmem>> -> memref<640xf32, #tpu.memory_space<vmem>>
    %dma_wait3A_222 = arith.constant 0 : i32
    %dma_wait3A_223 = tpu.memref_slice %arg15[%dma_wait3A_219, %arg1, %dma_wait3A_222] : memref<16x16x640xf32, #tpu.memory_space<vmem_shared>> -> memref<1x1x640xf32, #tpu.memory_space<vmem_shared>>
    %dma_wait3A_224 = tpu.memref_squeeze %dma_wait3A_223 : memref<1x1x640xf32, #tpu.memory_space<vmem_shared>> -> memref<640xf32, #tpu.memory_space<vmem_shared>>
    %dma_wait3A_225 = arith.constant 0 : i32
    %dma_wait3A_226 = tpu.memref_slice %arg15[%dma_wait3A_219, %arg1, %dma_wait3A_225] : memref<16x16x640xf32, #tpu.memory_space<vmem_shared>> -> memref<1x1x640xf32, #tpu.memory_space<vmem_shared>>
    %dma_wait3A_227 = tpu.memref_squeeze %dma_wait3A_226 : memref<1x1x640xf32, #tpu.memory_space<vmem_shared>> -> memref<640xf32, #tpu.memory_space<vmem_shared>>
    %dma_wait3A_228 = arith.constant 1280 : i32
    %dma_wait3A_229 = tpu.memref_slice %arg9[%dma_wait3A_228] : memref<10240xf32, #tpu.memory_space<vmem>> -> memref<640xf32, #tpu.memory_space<vmem>>
    tpu.wait_dma2 semaphore(%arg17 : memref<!tpu.dma_semaphore, #tpu.memory_space<semaphore_mem>>) src(%dma_wait3A_229 : memref<640xf32, #tpu.memory_space<vmem>>) dst(%dma_wait3A_227 : memref<640xf32, #tpu.memory_space<vmem_shared>>)
    %dma_wait3A_230 = arith.constant 3 : i32
    %dma_wait3A_231 = arith.constant 1920 : i32
    %dma_wait3A_232 = tpu.memref_slice %arg9[%dma_wait3A_231] : memref<10240xf32, #tpu.memory_space<vmem>> -> memref<640xf32, #tpu.memory_space<vmem>>
    %dma_wait3A_233 = arith.constant 0 : i32
    %dma_wait3A_234 = tpu.memref_slice %arg15[%dma_wait3A_230, %arg1, %dma_wait3A_233] : memref<16x16x640xf32, #tpu.memory_space<vmem_shared>> -> memref<1x1x640xf32, #tpu.memory_space<vmem_shared>>
    %dma_wait3A_235 = tpu.memref_squeeze %dma_wait3A_234 : memref<1x1x640xf32, #tpu.memory_space<vmem_shared>> -> memref<640xf32, #tpu.memory_space<vmem_shared>>
    %dma_wait3A_236 = arith.constant 0 : i32
    %dma_wait3A_237 = tpu.memref_slice %arg15[%dma_wait3A_230, %arg1, %dma_wait3A_236] : memref<16x16x640xf32, #tpu.memory_space<vmem_shared>> -> memref<1x1x640xf32, #tpu.memory_space<vmem_shared>>
    %dma_wait3A_238 = tpu.memref_squeeze %dma_wait3A_237 : memref<1x1x640xf32, #tpu.memory_space<vmem_shared>> -> memref<640xf32, #tpu.memory_space<vmem_shared>>
    %dma_wait3A_239 = arith.constant 1920 : i32
    %dma_wait3A_240 = tpu.memref_slice %arg9[%dma_wait3A_239] : memref<10240xf32, #tpu.memory_space<vmem>> -> memref<640xf32, #tpu.memory_space<vmem>>
    tpu.wait_dma2 semaphore(%arg17 : memref<!tpu.dma_semaphore, #tpu.memory_space<semaphore_mem>>) src(%dma_wait3A_240 : memref<640xf32, #tpu.memory_space<vmem>>) dst(%dma_wait3A_238 : memref<640xf32, #tpu.memory_space<vmem_shared>>)
    %dma_wait3A_241 = arith.constant 4 : i32
    %dma_wait3A_242 = arith.constant 2560 : i32
    %dma_wait3A_243 = tpu.memref_slice %arg9[%dma_wait3A_242] : memref<10240xf32, #tpu.memory_space<vmem>> -> memref<640xf32, #tpu.memory_space<vmem>>
    %dma_wait3A_244 = arith.constant 0 : i32
    %dma_wait3A_245 = tpu.memref_slice %arg15[%dma_wait3A_241, %arg1, %dma_wait3A_244] : memref<16x16x640xf32, #tpu.memory_space<vmem_shared>> -> memref<1x1x640xf32, #tpu.memory_space<vmem_shared>>
    %dma_wait3A_246 = tpu.memref_squeeze %dma_wait3A_245 : memref<1x1x640xf32, #tpu.memory_space<vmem_shared>> -> memref<640xf32, #tpu.memory_space<vmem_shared>>
    %dma_wait3A_247 = arith.constant 0 : i32
    %dma_wait3A_248 = tpu.memref_slice %arg15[%dma_wait3A_241, %arg1, %dma_wait3A_247] : memref<16x16x640xf32, #tpu.memory_space<vmem_shared>> -> memref<1x1x640xf32, #tpu.memory_space<vmem_shared>>
    %dma_wait3A_249 = tpu.memref_squeeze %dma_wait3A_248 : memref<1x1x640xf32, #tpu.memory_space<vmem_shared>> -> memref<640xf32, #tpu.memory_space<vmem_shared>>
    %dma_wait3A_250 = arith.constant 2560 : i32
    %dma_wait3A_251 = tpu.memref_slice %arg9[%dma_wait3A_250] : memref<10240xf32, #tpu.memory_space<vmem>> -> memref<640xf32, #tpu.memory_space<vmem>>
    tpu.wait_dma2 semaphore(%arg17 : memref<!tpu.dma_semaphore, #tpu.memory_space<semaphore_mem>>) src(%dma_wait3A_251 : memref<640xf32, #tpu.memory_space<vmem>>) dst(%dma_wait3A_249 : memref<640xf32, #tpu.memory_space<vmem_shared>>)
    %dma_wait3A_252 = arith.constant 5 : i32
    %dma_wait3A_253 = arith.constant 3200 : i32
    %dma_wait3A_254 = tpu.memref_slice %arg9[%dma_wait3A_253] : memref<10240xf32, #tpu.memory_space<vmem>> -> memref<640xf32, #tpu.memory_space<vmem>>
    %dma_wait3A_255 = arith.constant 0 : i32
    %dma_wait3A_256 = tpu.memref_slice %arg15[%dma_wait3A_252, %arg1, %dma_wait3A_255] : memref<16x16x640xf32, #tpu.memory_space<vmem_shared>> -> memref<1x1x640xf32, #tpu.memory_space<vmem_shared>>
    %dma_wait3A_257 = tpu.memref_squeeze %dma_wait3A_256 : memref<1x1x640xf32, #tpu.memory_space<vmem_shared>> -> memref<640xf32, #tpu.memory_space<vmem_shared>>
    %dma_wait3A_258 = arith.constant 0 : i32
    %dma_wait3A_259 = tpu.memref_slice %arg15[%dma_wait3A_252, %arg1, %dma_wait3A_258] : memref<16x16x640xf32, #tpu.memory_space<vmem_shared>> -> memref<1x1x640xf32, #tpu.memory_space<vmem_shared>>
    %dma_wait3A_260 = tpu.memref_squeeze %dma_wait3A_259 : memref<1x1x640xf32, #tpu.memory_space<vmem_shared>> -> memref<640xf32, #tpu.memory_space<vmem_shared>>
    %dma_wait3A_261 = arith.constant 3200 : i32
    %dma_wait3A_262 = tpu.memref_slice %arg9[%dma_wait3A_261] : memref<10240xf32, #tpu.memory_space<vmem>> -> memref<640xf32, #tpu.memory_space<vmem>>
    tpu.wait_dma2 semaphore(%arg17 : memref<!tpu.dma_semaphore, #tpu.memory_space<semaphore_mem>>) src(%dma_wait3A_262 : memref<640xf32, #tpu.memory_space<vmem>>) dst(%dma_wait3A_260 : memref<640xf32, #tpu.memory_space<vmem_shared>>)
    %dma_wait3A_263 = arith.constant 6 : i32
    %dma_wait3A_264 = arith.constant 3840 : i32
    %dma_wait3A_265 = tpu.memref_slice %arg9[%dma_wait3A_264] : memref<10240xf32, #tpu.memory_space<vmem>> -> memref<640xf32, #tpu.memory_space<vmem>>
    %dma_wait3A_266 = arith.constant 0 : i32
    %dma_wait3A_267 = tpu.memref_slice %arg15[%dma_wait3A_263, %arg1, %dma_wait3A_266] : memref<16x16x640xf32, #tpu.memory_space<vmem_shared>> -> memref<1x1x640xf32, #tpu.memory_space<vmem_shared>>
    %dma_wait3A_268 = tpu.memref_squeeze %dma_wait3A_267 : memref<1x1x640xf32, #tpu.memory_space<vmem_shared>> -> memref<640xf32, #tpu.memory_space<vmem_shared>>
    %dma_wait3A_269 = arith.constant 0 : i32
    %dma_wait3A_270 = tpu.memref_slice %arg15[%dma_wait3A_263, %arg1, %dma_wait3A_269] : memref<16x16x640xf32, #tpu.memory_space<vmem_shared>> -> memref<1x1x640xf32, #tpu.memory_space<vmem_shared>>
    %dma_wait3A_271 = tpu.memref_squeeze %dma_wait3A_270 : memref<1x1x640xf32, #tpu.memory_space<vmem_shared>> -> memref<640xf32, #tpu.memory_space<vmem_shared>>
    %dma_wait3A_272 = arith.constant 3840 : i32
    %dma_wait3A_273 = tpu.memref_slice %arg9[%dma_wait3A_272] : memref<10240xf32, #tpu.memory_space<vmem>> -> memref<640xf32, #tpu.memory_space<vmem>>
    tpu.wait_dma2 semaphore(%arg17 : memref<!tpu.dma_semaphore, #tpu.memory_space<semaphore_mem>>) src(%dma_wait3A_273 : memref<640xf32, #tpu.memory_space<vmem>>) dst(%dma_wait3A_271 : memref<640xf32, #tpu.memory_space<vmem_shared>>)
    %dma_wait3A_274 = arith.constant 7 : i32
    %dma_wait3A_275 = arith.constant 4480 : i32
    %dma_wait3A_276 = tpu.memref_slice %arg9[%dma_wait3A_275] : memref<10240xf32, #tpu.memory_space<vmem>> -> memref<640xf32, #tpu.memory_space<vmem>>
    %dma_wait3A_277 = arith.constant 0 : i32
    %dma_wait3A_278 = tpu.memref_slice %arg15[%dma_wait3A_274, %arg1, %dma_wait3A_277] : memref<16x16x640xf32, #tpu.memory_space<vmem_shared>> -> memref<1x1x640xf32, #tpu.memory_space<vmem_shared>>
    %dma_wait3A_279 = tpu.memref_squeeze %dma_wait3A_278 : memref<1x1x640xf32, #tpu.memory_space<vmem_shared>> -> memref<640xf32, #tpu.memory_space<vmem_shared>>
    %dma_wait3A_280 = arith.constant 0 : i32
    %dma_wait3A_281 = tpu.memref_slice %arg15[%dma_wait3A_274, %arg1, %dma_wait3A_280] : memref<16x16x640xf32, #tpu.memory_space<vmem_shared>> -> memref<1x1x640xf32, #tpu.memory_space<vmem_shared>>
    %dma_wait3A_282 = tpu.memref_squeeze %dma_wait3A_281 : memref<1x1x640xf32, #tpu.memory_space<vmem_shared>> -> memref<640xf32, #tpu.memory_space<vmem_shared>>
    %dma_wait3A_283 = arith.constant 4480 : i32
    %dma_wait3A_284 = tpu.memref_slice %arg9[%dma_wait3A_283] : memref<10240xf32, #tpu.memory_space<vmem>> -> memref<640xf32, #tpu.memory_space<vmem>>
    tpu.wait_dma2 semaphore(%arg17 : memref<!tpu.dma_semaphore, #tpu.memory_space<semaphore_mem>>) src(%dma_wait3A_284 : memref<640xf32, #tpu.memory_space<vmem>>) dst(%dma_wait3A_282 : memref<640xf32, #tpu.memory_space<vmem_shared>>)
    %dma_wait3A_285 = arith.constant 8 : i32
    %dma_wait3A_286 = arith.constant 5120 : i32
    %dma_wait3A_287 = tpu.memref_slice %arg9[%dma_wait3A_286] : memref<10240xf32, #tpu.memory_space<vmem>> -> memref<640xf32, #tpu.memory_space<vmem>>
    %dma_wait3A_288 = arith.constant 0 : i32
    %dma_wait3A_289 = tpu.memref_slice %arg15[%dma_wait3A_285, %arg1, %dma_wait3A_288] : memref<16x16x640xf32, #tpu.memory_space<vmem_shared>> -> memref<1x1x640xf32, #tpu.memory_space<vmem_shared>>
    %dma_wait3A_290 = tpu.memref_squeeze %dma_wait3A_289 : memref<1x1x640xf32, #tpu.memory_space<vmem_shared>> -> memref<640xf32, #tpu.memory_space<vmem_shared>>
    %dma_wait3A_291 = arith.constant 0 : i32
    %dma_wait3A_292 = tpu.memref_slice %arg15[%dma_wait3A_285, %arg1, %dma_wait3A_291] : memref<16x16x640xf32, #tpu.memory_space<vmem_shared>> -> memref<1x1x640xf32, #tpu.memory_space<vmem_shared>>
    %dma_wait3A_293 = tpu.memref_squeeze %dma_wait3A_292 : memref<1x1x640xf32, #tpu.memory_space<vmem_shared>> -> memref<640xf32, #tpu.memory_space<vmem_shared>>
    %dma_wait3A_294 = arith.constant 5120 : i32
    %dma_wait3A_295 = tpu.memref_slice %arg9[%dma_wait3A_294] : memref<10240xf32, #tpu.memory_space<vmem>> -> memref<640xf32, #tpu.memory_space<vmem>>
    tpu.wait_dma2 semaphore(%arg17 : memref<!tpu.dma_semaphore, #tpu.memory_space<semaphore_mem>>) src(%dma_wait3A_295 : memref<640xf32, #tpu.memory_space<vmem>>) dst(%dma_wait3A_293 : memref<640xf32, #tpu.memory_space<vmem_shared>>)
    %dma_wait3A_296 = arith.constant 9 : i32
    %dma_wait3A_297 = arith.constant 5760 : i32
    %dma_wait3A_298 = tpu.memref_slice %arg9[%dma_wait3A_297] : memref<10240xf32, #tpu.memory_space<vmem>> -> memref<640xf32, #tpu.memory_space<vmem>>
    %dma_wait3A_299 = arith.constant 0 : i32
    %dma_wait3A_300 = tpu.memref_slice %arg15[%dma_wait3A_296, %arg1, %dma_wait3A_299] : memref<16x16x640xf32, #tpu.memory_space<vmem_shared>> -> memref<1x1x640xf32, #tpu.memory_space<vmem_shared>>
    %dma_wait3A_301 = tpu.memref_squeeze %dma_wait3A_300 : memref<1x1x640xf32, #tpu.memory_space<vmem_shared>> -> memref<640xf32, #tpu.memory_space<vmem_shared>>
    %dma_wait3A_302 = arith.constant 0 : i32
    %dma_wait3A_303 = tpu.memref_slice %arg15[%dma_wait3A_296, %arg1, %dma_wait3A_302] : memref<16x16x640xf32, #tpu.memory_space<vmem_shared>> -> memref<1x1x640xf32, #tpu.memory_space<vmem_shared>>
    %dma_wait3A_304 = tpu.memref_squeeze %dma_wait3A_303 : memref<1x1x640xf32, #tpu.memory_space<vmem_shared>> -> memref<640xf32, #tpu.memory_space<vmem_shared>>
    %dma_wait3A_305 = arith.constant 5760 : i32
    %dma_wait3A_306 = tpu.memref_slice %arg9[%dma_wait3A_305] : memref<10240xf32, #tpu.memory_space<vmem>> -> memref<640xf32, #tpu.memory_space<vmem>>
    tpu.wait_dma2 semaphore(%arg17 : memref<!tpu.dma_semaphore, #tpu.memory_space<semaphore_mem>>) src(%dma_wait3A_306 : memref<640xf32, #tpu.memory_space<vmem>>) dst(%dma_wait3A_304 : memref<640xf32, #tpu.memory_space<vmem_shared>>)
    %dma_wait3A_307 = arith.constant 10 : i32
    %dma_wait3A_308 = arith.constant 6400 : i32
    %dma_wait3A_309 = tpu.memref_slice %arg9[%dma_wait3A_308] : memref<10240xf32, #tpu.memory_space<vmem>> -> memref<640xf32, #tpu.memory_space<vmem>>
    %dma_wait3A_310 = arith.constant 0 : i32
    %dma_wait3A_311 = tpu.memref_slice %arg15[%dma_wait3A_307, %arg1, %dma_wait3A_310] : memref<16x16x640xf32, #tpu.memory_space<vmem_shared>> -> memref<1x1x640xf32, #tpu.memory_space<vmem_shared>>
    %dma_wait3A_312 = tpu.memref_squeeze %dma_wait3A_311 : memref<1x1x640xf32, #tpu.memory_space<vmem_shared>> -> memref<640xf32, #tpu.memory_space<vmem_shared>>
    %dma_wait3A_313 = arith.constant 0 : i32
    %dma_wait3A_314 = tpu.memref_slice %arg15[%dma_wait3A_307, %arg1, %dma_wait3A_313] : memref<16x16x640xf32, #tpu.memory_space<vmem_shared>> -> memref<1x1x640xf32, #tpu.memory_space<vmem_shared>>
    %dma_wait3A_315 = tpu.memref_squeeze %dma_wait3A_314 : memref<1x1x640xf32, #tpu.memory_space<vmem_shared>> -> memref<640xf32, #tpu.memory_space<vmem_shared>>
    %dma_wait3A_316 = arith.constant 6400 : i32
    %dma_wait3A_317 = tpu.memref_slice %arg9[%dma_wait3A_316] : memref<10240xf32, #tpu.memory_space<vmem>> -> memref<640xf32, #tpu.memory_space<vmem>>
    tpu.wait_dma2 semaphore(%arg17 : memref<!tpu.dma_semaphore, #tpu.memory_space<semaphore_mem>>) src(%dma_wait3A_317 : memref<640xf32, #tpu.memory_space<vmem>>) dst(%dma_wait3A_315 : memref<640xf32, #tpu.memory_space<vmem_shared>>)
    %dma_wait3A_318 = arith.constant 11 : i32
    %dma_wait3A_319 = arith.constant 7040 : i32
    %dma_wait3A_320 = tpu.memref_slice %arg9[%dma_wait3A_319] : memref<10240xf32, #tpu.memory_space<vmem>> -> memref<640xf32, #tpu.memory_space<vmem>>
    %dma_wait3A_321 = arith.constant 0 : i32
    %dma_wait3A_322 = tpu.memref_slice %arg15[%dma_wait3A_318, %arg1, %dma_wait3A_321] : memref<16x16x640xf32, #tpu.memory_space<vmem_shared>> -> memref<1x1x640xf32, #tpu.memory_space<vmem_shared>>
    %dma_wait3A_323 = tpu.memref_squeeze %dma_wait3A_322 : memref<1x1x640xf32, #tpu.memory_space<vmem_shared>> -> memref<640xf32, #tpu.memory_space<vmem_shared>>
    %dma_wait3A_324 = arith.constant 0 : i32
    %dma_wait3A_325 = tpu.memref_slice %arg15[%dma_wait3A_318, %arg1, %dma_wait3A_324] : memref<16x16x640xf32, #tpu.memory_space<vmem_shared>> -> memref<1x1x640xf32, #tpu.memory_space<vmem_shared>>
    %dma_wait3A_326 = tpu.memref_squeeze %dma_wait3A_325 : memref<1x1x640xf32, #tpu.memory_space<vmem_shared>> -> memref<640xf32, #tpu.memory_space<vmem_shared>>
    %dma_wait3A_327 = arith.constant 7040 : i32
    %dma_wait3A_328 = tpu.memref_slice %arg9[%dma_wait3A_327] : memref<10240xf32, #tpu.memory_space<vmem>> -> memref<640xf32, #tpu.memory_space<vmem>>
    tpu.wait_dma2 semaphore(%arg17 : memref<!tpu.dma_semaphore, #tpu.memory_space<semaphore_mem>>) src(%dma_wait3A_328 : memref<640xf32, #tpu.memory_space<vmem>>) dst(%dma_wait3A_326 : memref<640xf32, #tpu.memory_space<vmem_shared>>)
    %dma_wait3A_329 = arith.constant 12 : i32
    %dma_wait3A_330 = arith.constant 7680 : i32
    %dma_wait3A_331 = tpu.memref_slice %arg9[%dma_wait3A_330] : memref<10240xf32, #tpu.memory_space<vmem>> -> memref<640xf32, #tpu.memory_space<vmem>>
    %dma_wait3A_332 = arith.constant 0 : i32
    %dma_wait3A_333 = tpu.memref_slice %arg15[%dma_wait3A_329, %arg1, %dma_wait3A_332] : memref<16x16x640xf32, #tpu.memory_space<vmem_shared>> -> memref<1x1x640xf32, #tpu.memory_space<vmem_shared>>
    %dma_wait3A_334 = tpu.memref_squeeze %dma_wait3A_333 : memref<1x1x640xf32, #tpu.memory_space<vmem_shared>> -> memref<640xf32, #tpu.memory_space<vmem_shared>>
    %dma_wait3A_335 = arith.constant 0 : i32
    %dma_wait3A_336 = tpu.memref_slice %arg15[%dma_wait3A_329, %arg1, %dma_wait3A_335] : memref<16x16x640xf32, #tpu.memory_space<vmem_shared>> -> memref<1x1x640xf32, #tpu.memory_space<vmem_shared>>
    %dma_wait3A_337 = tpu.memref_squeeze %dma_wait3A_336 : memref<1x1x640xf32, #tpu.memory_space<vmem_shared>> -> memref<640xf32, #tpu.memory_space<vmem_shared>>
    %dma_wait3A_338 = arith.constant 7680 : i32
    %dma_wait3A_339 = tpu.memref_slice %arg9[%dma_wait3A_338] : memref<10240xf32, #tpu.memory_space<vmem>> -> memref<640xf32, #tpu.memory_space<vmem>>
    tpu.wait_dma2 semaphore(%arg17 : memref<!tpu.dma_semaphore, #tpu.memory_space<semaphore_mem>>) src(%dma_wait3A_339 : memref<640xf32, #tpu.memory_space<vmem>>) dst(%dma_wait3A_337 : memref<640xf32, #tpu.memory_space<vmem_shared>>)
    %dma_wait3A_340 = arith.constant 13 : i32
    %dma_wait3A_341 = arith.constant 8320 : i32
    %dma_wait3A_342 = tpu.memref_slice %arg9[%dma_wait3A_341] : memref<10240xf32, #tpu.memory_space<vmem>> -> memref<640xf32, #tpu.memory_space<vmem>>
    %dma_wait3A_343 = arith.constant 0 : i32
    %dma_wait3A_344 = tpu.memref_slice %arg15[%dma_wait3A_340, %arg1, %dma_wait3A_343] : memref<16x16x640xf32, #tpu.memory_space<vmem_shared>> -> memref<1x1x640xf32, #tpu.memory_space<vmem_shared>>
    %dma_wait3A_345 = tpu.memref_squeeze %dma_wait3A_344 : memref<1x1x640xf32, #tpu.memory_space<vmem_shared>> -> memref<640xf32, #tpu.memory_space<vmem_shared>>
    %dma_wait3A_346 = arith.constant 0 : i32
    %dma_wait3A_347 = tpu.memref_slice %arg15[%dma_wait3A_340, %arg1, %dma_wait3A_346] : memref<16x16x640xf32, #tpu.memory_space<vmem_shared>> -> memref<1x1x640xf32, #tpu.memory_space<vmem_shared>>
    %dma_wait3A_348 = tpu.memref_squeeze %dma_wait3A_347 : memref<1x1x640xf32, #tpu.memory_space<vmem_shared>> -> memref<640xf32, #tpu.memory_space<vmem_shared>>
    %dma_wait3A_349 = arith.constant 8320 : i32
    %dma_wait3A_350 = tpu.memref_slice %arg9[%dma_wait3A_349] : memref<10240xf32, #tpu.memory_space<vmem>> -> memref<640xf32, #tpu.memory_space<vmem>>
    tpu.wait_dma2 semaphore(%arg17 : memref<!tpu.dma_semaphore, #tpu.memory_space<semaphore_mem>>) src(%dma_wait3A_350 : memref<640xf32, #tpu.memory_space<vmem>>) dst(%dma_wait3A_348 : memref<640xf32, #tpu.memory_space<vmem_shared>>)
    %dma_wait3A_351 = arith.constant 14 : i32
    %dma_wait3A_352 = arith.constant 8960 : i32
    %dma_wait3A_353 = tpu.memref_slice %arg9[%dma_wait3A_352] : memref<10240xf32, #tpu.memory_space<vmem>> -> memref<640xf32, #tpu.memory_space<vmem>>
    %dma_wait3A_354 = arith.constant 0 : i32
    %dma_wait3A_355 = tpu.memref_slice %arg15[%dma_wait3A_351, %arg1, %dma_wait3A_354] : memref<16x16x640xf32, #tpu.memory_space<vmem_shared>> -> memref<1x1x640xf32, #tpu.memory_space<vmem_shared>>
    %dma_wait3A_356 = tpu.memref_squeeze %dma_wait3A_355 : memref<1x1x640xf32, #tpu.memory_space<vmem_shared>> -> memref<640xf32, #tpu.memory_space<vmem_shared>>
    %dma_wait3A_357 = arith.constant 0 : i32
    %dma_wait3A_358 = tpu.memref_slice %arg15[%dma_wait3A_351, %arg1, %dma_wait3A_357] : memref<16x16x640xf32, #tpu.memory_space<vmem_shared>> -> memref<1x1x640xf32, #tpu.memory_space<vmem_shared>>
    %dma_wait3A_359 = tpu.memref_squeeze %dma_wait3A_358 : memref<1x1x640xf32, #tpu.memory_space<vmem_shared>> -> memref<640xf32, #tpu.memory_space<vmem_shared>>
    %dma_wait3A_360 = arith.constant 8960 : i32
    %dma_wait3A_361 = tpu.memref_slice %arg9[%dma_wait3A_360] : memref<10240xf32, #tpu.memory_space<vmem>> -> memref<640xf32, #tpu.memory_space<vmem>>
    tpu.wait_dma2 semaphore(%arg17 : memref<!tpu.dma_semaphore, #tpu.memory_space<semaphore_mem>>) src(%dma_wait3A_361 : memref<640xf32, #tpu.memory_space<vmem>>) dst(%dma_wait3A_359 : memref<640xf32, #tpu.memory_space<vmem_shared>>)
    %dma_wait3A_362 = arith.constant 15 : i32
    %dma_wait3A_363 = arith.constant 9600 : i32
    %dma_wait3A_364 = tpu.memref_slice %arg9[%dma_wait3A_363] : memref<10240xf32, #tpu.memory_space<vmem>> -> memref<640xf32, #tpu.memory_space<vmem>>
    %dma_wait3A_365 = arith.constant 0 : i32
    %dma_wait3A_366 = tpu.memref_slice %arg15[%dma_wait3A_362, %arg1, %dma_wait3A_365] : memref<16x16x640xf32, #tpu.memory_space<vmem_shared>> -> memref<1x1x640xf32, #tpu.memory_space<vmem_shared>>
    %dma_wait3A_367 = tpu.memref_squeeze %dma_wait3A_366 : memref<1x1x640xf32, #tpu.memory_space<vmem_shared>> -> memref<640xf32, #tpu.memory_space<vmem_shared>>
    %dma_wait3A_368 = arith.constant 0 : i32
    %dma_wait3A_369 = tpu.memref_slice %arg15[%dma_wait3A_362, %arg1, %dma_wait3A_368] : memref<16x16x640xf32, #tpu.memory_space<vmem_shared>> -> memref<1x1x640xf32, #tpu.memory_space<vmem_shared>>
    %dma_wait3A_370 = tpu.memref_squeeze %dma_wait3A_369 : memref<1x1x640xf32, #tpu.memory_space<vmem_shared>> -> memref<640xf32, #tpu.memory_space<vmem_shared>>
    %dma_wait3A_371 = arith.constant 9600 : i32
    %dma_wait3A_372 = tpu.memref_slice %arg9[%dma_wait3A_371] : memref<10240xf32, #tpu.memory_space<vmem>> -> memref<640xf32, #tpu.memory_space<vmem>>
    tpu.wait_dma2 semaphore(%arg17 : memref<!tpu.dma_semaphore, #tpu.memory_space<semaphore_mem>>) src(%dma_wait3A_372 : memref<640xf32, #tpu.memory_space<vmem>>) dst(%dma_wait3A_370 : memref<640xf32, #tpu.memory_space<vmem_shared>>)
    %barrier3A = arith.constant 0 : index
    tpu.barrier barrier_id(%barrier3A)
    "tpu.region"() ({
      %run_scoped3A = tpu.sem_alloc : memref<!tpu.dma_semaphore, #tpu.memory_space<semaphore_mem>>
      %dma_start3A_1128 = arith.constant 0 : i32
      %dma_start3A_1129 = arith.constant 0 : i32
      %dma_start3A_1130 = tpu.memref_slice %arg15[%arg1, %dma_start3A_1128, %dma_start3A_1129] : memref<16x16x640xf32, #tpu.memory_space<vmem_shared>> -> memref<1x16x640xf32, #tpu.memory_space<vmem_shared>>
      %dma_start3A_1131 = tpu.memref_squeeze %dma_start3A_1130 : memref<1x16x640xf32, #tpu.memory_space<vmem_shared>> -> memref<16x640xf32, #tpu.memory_space<vmem_shared>>
      %dma_start3A_1132 = arith.constant 0 : i32
      %dma_start3A_1133 = arith.constant 0 : i32
      %dma_start3A_1134 = tpu.memref_slice %arg15[%arg1, %dma_start3A_1132, %dma_start3A_1133] : memref<16x16x640xf32, #tpu.memory_space<vmem_shared>> -> memref<1x16x640xf32, #tpu.memory_space<vmem_shared>>
      %dma_start3A_1135 = tpu.memref_squeeze %dma_start3A_1134 : memref<1x16x640xf32, #tpu.memory_space<vmem_shared>> -> memref<16x640xf32, #tpu.memory_space<vmem_shared>>
      tpu.enqueue_dma source(%dma_start3A_1135 : memref<16x640xf32, #tpu.memory_space<vmem_shared>>) target(%arg12 : memref<16x640xf32, #tpu.memory_space<vmem>>) target_semaphore(%run_scoped3A : memref<!tpu.dma_semaphore, #tpu.memory_space<semaphore_mem>>)
      %dma_wait3A_1136 = arith.constant 0 : i32
      %dma_wait3A_1137 = arith.constant 0 : i32
      %dma_wait3A_1138 = tpu.memref_slice %arg15[%arg1, %dma_wait3A_1136, %dma_wait3A_1137] : memref<16x16x640xf32, #tpu.memory_space<vmem_shared>> -> memref<1x16x640xf32, #tpu.memory_space<vmem_shared>>
      %dma_wait3A_1139 = tpu.memref_squeeze %dma_wait3A_1138 : memref<1x16x640xf32, #tpu.memory_space<vmem_shared>> -> memref<16x640xf32, #tpu.memory_space<vmem_shared>>
      %dma_wait3A_1140 = arith.constant 0 : i32
      %dma_wait3A_1141 = arith.constant 0 : i32
      %dma_wait3A_1142 = tpu.memref_slice %arg15[%arg1, %dma_wait3A_1140, %dma_wait3A_1141] : memref<16x16x640xf32, #tpu.memory_space<vmem_shared>> -> memref<1x16x640xf32, #tpu.memory_space<vmem_shared>>
      %dma_wait3A_1143 = tpu.memref_squeeze %dma_wait3A_1142 : memref<1x16x640xf32, #tpu.memory_space<vmem_shared>> -> memref<16x640xf32, #tpu.memory_space<vmem_shared>>
      tpu.wait_dma2 semaphore(%run_scoped3A : memref<!tpu.dma_semaphore, #tpu.memory_space<semaphore_mem>>) src(%dma_wait3A_1143 : memref<16x640xf32, #tpu.memory_space<vmem_shared>>) dst(%arg12 : memref<16x640xf32, #tpu.memory_space<vmem>>)
      tpu.yield
    }) : () -> ()
    %get3A_373 = arith.constant 0 : i32
    %get3A_374 = arith.index_cast %get3A_373 : i32 to index
    %get3A_375 = arith.constant 0 : index
    %get3A_376 = tpu.vector_load %arg13[%get3A_374, %get3A_375] {strides = array<i32>} : memref<8x16xf32, #tpu.memory_space<vmem>>, vector<16xf32>,
    %get3A_377 = arith.constant 1 : i32
    %get3A_378 = arith.index_cast %get3A_377 : i32 to index
    %get3A_379 = arith.constant 0 : index
    %get3A_380 = tpu.vector_load %arg13[%get3A_378, %get3A_379] {strides = array<i32>} : memref<8x16xf32, #tpu.memory_space<vmem>>, vector<16xf32>,
    %get3A_381 = arith.constant 2 : i32
    %get3A_382 = arith.index_cast %get3A_381 : i32 to index
    %get3A_383 = arith.constant 0 : index
    %get3A_384 = tpu.vector_load %arg13[%get3A_382, %get3A_383] {strides = array<i32>} : memref<8x16xf32, #tpu.memory_space<vmem>>, vector<16xf32>,
    %parallel_loop3A_385 = arith.constant 0 : i32
    %parallel_loop3A_386 = arith.constant 640 : i32
    %parallel_loop3A_387 = arith.constant 16 : i32
    scf.for %parallel_loop3A_1128 = %parallel_loop3A_385 to %parallel_loop3A_386 step %parallel_loop3A_387  : i32 {
      %parallel_loop3A_1129 = tpu.assume_multiple %parallel_loop3A_1128, 16 : i32
      %parallel_loop3A_1130 = arith.constant 0 : i32
      %parallel_loop3A_1131 = arith.index_cast %parallel_loop3A_1130 : i32 to index
      %parallel_loop3A_1132 = arith.index_cast %parallel_loop3A_1129 : i32 to index
      %parallel_loop3A_1133 = tpu.vector_load %arg12[%parallel_loop3A_1131, %parallel_loop3A_1132] {strides = array<i32>} : memref<16x640xf32, #tpu.memory_space<vmem>>, vector<16xf32>,
      %parallel_loop3A_1134 = arith.constant 1 : i32
      %parallel_loop3A_1135 = arith.index_cast %parallel_loop3A_1134 : i32 to index
      %parallel_loop3A_1136 = arith.index_cast %parallel_loop3A_1129 : i32 to index
      %parallel_loop3A_1137 = tpu.vector_load %arg12[%parallel_loop3A_1135, %parallel_loop3A_1136] {strides = array<i32>} : memref<16x640xf32, #tpu.memory_space<vmem>>, vector<16xf32>,
      %parallel_loop3A_1138 = arith.addf %parallel_loop3A_1133, %parallel_loop3A_1137 : vector<16xf32>
      %parallel_loop3A_1139 = arith.constant 2 : i32
      %parallel_loop3A_1140 = arith.index_cast %parallel_loop3A_1139 : i32 to index
      %parallel_loop3A_1141 = arith.index_cast %parallel_loop3A_1129 : i32 to index
      %parallel_loop3A_1142 = tpu.vector_load %arg12[%parallel_loop3A_1140, %parallel_loop3A_1141] {strides = array<i32>} : memref<16x640xf32, #tpu.memory_space<vmem>>, vector<16xf32>,
      %parallel_loop3A_1143 = arith.addf %parallel_loop3A_1138, %parallel_loop3A_1142 : vector<16xf32>
      %parallel_loop3A_1144 = arith.constant 3 : i32
      %parallel_loop3A_1145 = arith.index_cast %parallel_loop3A_1144 : i32 to index
      %parallel_loop3A_1146 = arith.index_cast %parallel_loop3A_1129 : i32 to index
      %parallel_loop3A_1147 = tpu.vector_load %arg12[%parallel_loop3A_1145, %parallel_loop3A_1146] {strides = array<i32>} : memref<16x640xf32, #tpu.memory_space<vmem>>, vector<16xf32>,
      %parallel_loop3A_1148 = arith.addf %parallel_loop3A_1143, %parallel_loop3A_1147 : vector<16xf32>
      %parallel_loop3A_1149 = arith.constant 4 : i32
      %parallel_loop3A_1150 = arith.index_cast %parallel_loop3A_1149 : i32 to index
      %parallel_loop3A_1151 = arith.index_cast %parallel_loop3A_1129 : i32 to index
      %parallel_loop3A_1152 = tpu.vector_load %arg12[%parallel_loop3A_1150, %parallel_loop3A_1151] {strides = array<i32>} : memref<16x640xf32, #tpu.memory_space<vmem>>, vector<16xf32>,
      %parallel_loop3A_1153 = arith.addf %parallel_loop3A_1148, %parallel_loop3A_1152 : vector<16xf32>
      %parallel_loop3A_1154 = arith.constant 5 : i32
      %parallel_loop3A_1155 = arith.index_cast %parallel_loop3A_1154 : i32 to index
      %parallel_loop3A_1156 = arith.index_cast %parallel_loop3A_1129 : i32 to index
      %parallel_loop3A_1157 = tpu.vector_load %arg12[%parallel_loop3A_1155, %parallel_loop3A_1156] {strides = array<i32>} : memref<16x640xf32, #tpu.memory_space<vmem>>, vector<16xf32>,
      %parallel_loop3A_1158 = arith.addf %parallel_loop3A_1153, %parallel_loop3A_1157 : vector<16xf32>
      %parallel_loop3A_1159 = arith.constant 6 : i32
      %parallel_loop3A_1160 = arith.index_cast %parallel_loop3A_1159 : i32 to index
      %parallel_loop3A_1161 = arith.index_cast %parallel_loop3A_1129 : i32 to index
      %parallel_loop3A_1162 = tpu.vector_load %arg12[%parallel_loop3A_1160, %parallel_loop3A_1161] {strides = array<i32>} : memref<16x640xf32, #tpu.memory_space<vmem>>, vector<16xf32>,
      %parallel_loop3A_1163 = arith.addf %parallel_loop3A_1158, %parallel_loop3A_1162 : vector<16xf32>
      %parallel_loop3A_1164 = arith.constant 7 : i32
      %parallel_loop3A_1165 = arith.index_cast %parallel_loop3A_1164 : i32 to index
      %parallel_loop3A_1166 = arith.index_cast %parallel_loop3A_1129 : i32 to index
      %parallel_loop3A_1167 = tpu.vector_load %arg12[%parallel_loop3A_1165, %parallel_loop3A_1166] {strides = array<i32>} : memref<16x640xf32, #tpu.memory_space<vmem>>, vector<16xf32>,
      %parallel_loop3A_1168 = arith.addf %parallel_loop3A_1163, %parallel_loop3A_1167 : vector<16xf32>
      %parallel_loop3A_1169 = arith.constant 8 : i32
      %parallel_loop3A_1170 = arith.index_cast %parallel_loop3A_1169 : i32 to index
      %parallel_loop3A_1171 = arith.index_cast %parallel_loop3A_1129 : i32 to index
      %parallel_loop3A_1172 = tpu.vector_load %arg12[%parallel_loop3A_1170, %parallel_loop3A_1171] {strides = array<i32>} : memref<16x640xf32, #tpu.memory_space<vmem>>, vector<16xf32>,
      %parallel_loop3A_1173 = arith.addf %parallel_loop3A_1168, %parallel_loop3A_1172 : vector<16xf32>
      %parallel_loop3A_1174 = arith.constant 9 : i32
      %parallel_loop3A_1175 = arith.index_cast %parallel_loop3A_1174 : i32 to index
      %parallel_loop3A_1176 = arith.index_cast %parallel_loop3A_1129 : i32 to index
      %parallel_loop3A_1177 = tpu.vector_load %arg12[%parallel_loop3A_1175, %parallel_loop3A_1176] {strides = array<i32>} : memref<16x640xf32, #tpu.memory_space<vmem>>, vector<16xf32>,
      %parallel_loop3A_1178 = arith.addf %parallel_loop3A_1173, %parallel_loop3A_1177 : vector<16xf32>
      %parallel_loop3A_1179 = arith.constant 10 : i32
      %parallel_loop3A_1180 = arith.index_cast %parallel_loop3A_1179 : i32 to index
      %parallel_loop3A_1181 = arith.index_cast %parallel_loop3A_1129 : i32 to index
      %parallel_loop3A_1182 = tpu.vector_load %arg12[%parallel_loop3A_1180, %parallel_loop3A_1181] {strides = array<i32>} : memref<16x640xf32, #tpu.memory_space<vmem>>, vector<16xf32>,
      %parallel_loop3A_1183 = arith.addf %parallel_loop3A_1178, %parallel_loop3A_1182 : vector<16xf32>
      %parallel_loop3A_1184 = arith.constant 11 : i32
      %parallel_loop3A_1185 = arith.index_cast %parallel_loop3A_1184 : i32 to index
      %parallel_loop3A_1186 = arith.index_cast %parallel_loop3A_1129 : i32 to index
      %parallel_loop3A_1187 = tpu.vector_load %arg12[%parallel_loop3A_1185, %parallel_loop3A_1186] {strides = array<i32>} : memref<16x640xf32, #tpu.memory_space<vmem>>, vector<16xf32>,
      %parallel_loop3A_1188 = arith.addf %parallel_loop3A_1183, %parallel_loop3A_1187 : vector<16xf32>
      %parallel_loop3A_1189 = arith.constant 12 : i32
      %parallel_loop3A_1190 = arith.index_cast %parallel_loop3A_1189 : i32 to index
      %parallel_loop3A_1191 = arith.index_cast %parallel_loop3A_1129 : i32 to index
      %parallel_loop3A_1192 = tpu.vector_load %arg12[%parallel_loop3A_1190, %parallel_loop3A_1191] {strides = array<i32>} : memref<16x640xf32, #tpu.memory_space<vmem>>, vector<16xf32>,
      %parallel_loop3A_1193 = arith.addf %parallel_loop3A_1188, %parallel_loop3A_1192 : vector<16xf32>
      %parallel_loop3A_1194 = arith.constant 13 : i32
      %parallel_loop3A_1195 = arith.index_cast %parallel_loop3A_1194 : i32 to index
      %parallel_loop3A_1196 = arith.index_cast %parallel_loop3A_1129 : i32 to index
      %parallel_loop3A_1197 = tpu.vector_load %arg12[%parallel_loop3A_1195, %parallel_loop3A_1196] {strides = array<i32>} : memref<16x640xf32, #tpu.memory_space<vmem>>, vector<16xf32>,
      %parallel_loop3A_1198 = arith.addf %parallel_loop3A_1193, %parallel_loop3A_1197 : vector<16xf32>
      %parallel_loop3A_1199 = arith.constant 14 : i32
      %parallel_loop3A_1200 = arith.index_cast %parallel_loop3A_1199 : i32 to index
      %parallel_loop3A_1201 = arith.index_cast %parallel_loop3A_1129 : i32 to index
      %parallel_loop3A_1202 = tpu.vector_load %arg12[%parallel_loop3A_1200, %parallel_loop3A_1201] {strides = array<i32>} : memref<16x640xf32, #tpu.memory_space<vmem>>, vector<16xf32>,
      %parallel_loop3A_1203 = arith.addf %parallel_loop3A_1198, %parallel_loop3A_1202 : vector<16xf32>
      %parallel_loop3A_1204 = arith.constant 15 : i32
      %parallel_loop3A_1205 = arith.index_cast %parallel_loop3A_1204 : i32 to index
      %parallel_loop3A_1206 = arith.index_cast %parallel_loop3A_1129 : i32 to index
      %parallel_loop3A_1207 = tpu.vector_load %arg12[%parallel_loop3A_1205, %parallel_loop3A_1206] {strides = array<i32>} : memref<16x640xf32, #tpu.memory_space<vmem>>, vector<16xf32>,
      %parallel_loop3A_1208 = arith.addf %parallel_loop3A_1203, %parallel_loop3A_1207 : vector<16xf32>
      %parallel_loop3A_1209 = arith.index_cast %parallel_loop3A_1129 : i32 to index
      %parallel_loop3A_1210 = tpu.vector_load %arg10[%parallel_loop3A_1209] {strides = array<i32>} : memref<640xf32, #tpu.memory_space<vmem>>, vector<16xf32>,
      %parallel_loop3A_1211 = arith.addf %parallel_loop3A_1208, %parallel_loop3A_1210 : vector<16xf32>
      %parallel_loop3A_1212 = arith.constant 0.000000e+00 : f32
      %parallel_loop3A_1213 = vector.broadcast %parallel_loop3A_1212 : f32 to vector<16xf32>
      %parallel_loop3A_1214 = arith.maximumf %parallel_loop3A_1211, %parallel_loop3A_1213 : vector<16xf32>
      %parallel_loop3A_1215 = arith.mulf %get3A_376, %parallel_loop3A_1214 : vector<16xf32>
      %parallel_loop3A_1216 = arith.index_cast %parallel_loop3A_1129 : i32 to index
      %parallel_loop3A_1217 = tpu.vector_load %arg11[%parallel_loop3A_1216] {strides = array<i32>} : memref<640xf32, #tpu.memory_space<vmem>>, vector<16xf32>,
      tpu.vector_store %arg11[%parallel_loop3A_1216], %parallel_loop3A_1215 {strides = array<i32>} : memref<640xf32, #tpu.memory_space<vmem>>, vector<16xf32>,
      %parallel_loop3A_1218 = arith.mulf %get3A_380, %parallel_loop3A_1214 : vector<16xf32>
      %parallel_loop3A_1219 = arith.addf %parallel_loop3A_1218, %get3A_384 : vector<16xf32>
      %parallel_loop3A_1220 = arith.index_cast %parallel_loop3A_1129 : i32 to index
      %parallel_loop3A_1221 = tpu.vector_load %arg10[%parallel_loop3A_1220] {strides = array<i32>} : memref<640xf32, #tpu.memory_space<vmem>>, vector<16xf32>,
      tpu.vector_store %arg10[%parallel_loop3A_1220], %parallel_loop3A_1219 {strides = array<i32>} : memref<640xf32, #tpu.memory_space<vmem>>, vector<16xf32>,
    } {sc.loop_unroll_factor = 2 : i64, sc.parallel_access}
    "tpu.region"() ({
      %run_scoped3A = tpu.sem_alloc : memref<!tpu.dma_semaphore, #tpu.memory_space<semaphore_mem>>
      %dma_start3A_1128 = tpu.memref_slice %arg16[%mul3A_2] : memref<10240xf32, #tpu.memory_space<vmem_shared>> -> memref<640xf32, #tpu.memory_space<vmem_shared>>
      %dma_start3A_1129 = tpu.memref_slice %arg16[%mul3A_2] : memref<10240xf32, #tpu.memory_space<vmem_shared>> -> memref<640xf32, #tpu.memory_space<vmem_shared>>
      tpu.enqueue_dma source(%arg11 : memref<640xf32, #tpu.memory_space<vmem>>) target(%dma_start3A_1129 : memref<640xf32, #tpu.memory_space<vmem_shared>>) target_semaphore(%run_scoped3A : memref<!tpu.dma_semaphore, #tpu.memory_space<semaphore_mem>>)
      %dma_wait3A_1130 = tpu.memref_slice %arg16[%mul3A_2] : memref<10240xf32, #tpu.memory_space<vmem_shared>> -> memref<640xf32, #tpu.memory_space<vmem_shared>>
      %dma_wait3A_1131 = tpu.memref_slice %arg16[%mul3A_2] : memref<10240xf32, #tpu.memory_space<vmem_shared>> -> memref<640xf32, #tpu.memory_space<vmem_shared>>
      tpu.wait_dma2 semaphore(%run_scoped3A : memref<!tpu.dma_semaphore, #tpu.memory_space<semaphore_mem>>) src(%arg11 : memref<640xf32, #tpu.memory_space<vmem>>) dst(%dma_wait3A_1131 : memref<640xf32, #tpu.memory_space<vmem_shared>>)
      tpu.yield
    }) : () -> ()
    %barrier3A_388 = arith.constant 0 : index
    tpu.barrier barrier_id(%barrier3A_388)
    tpu.enqueue_dma source(%arg16 : memref<10240xf32, #tpu.memory_space<vmem_shared>>) target(%arg8 : memref<10240xf32, #tpu.memory_space<vmem>>) target_semaphore(%arg17 : memref<!tpu.dma_semaphore, #tpu.memory_space<semaphore_mem>>)
    %parallel_loop3A_389 = arith.constant 0 : i32
    %parallel_loop3A_390 = arith.constant 10240 : i32
    %parallel_loop3A_391 = arith.constant 16 : i32
    scf.for %parallel_loop3A_1128 = %parallel_loop3A_389 to %parallel_loop3A_390 step %parallel_loop3A_391  : i32 {
      %parallel_loop3A_1129 = arith.constant 0.000000e+00 : f32
      %parallel_loop3A_1130 = vector.broadcast %parallel_loop3A_1129 : f32 to vector<16xf32>
      %parallel_loop3A_1131 = tpu.assume_multiple %parallel_loop3A_1128, 16 : i32
      %parallel_loop3A_1132 = arith.index_cast %parallel_loop3A_1131 : i32 to index
      %parallel_loop3A_1133 = tpu.vector_load %arg9[%parallel_loop3A_1132] {strides = array<i32>} : memref<10240xf32, #tpu.memory_space<vmem>>, vector<16xf32>,
      tpu.vector_store %arg9[%parallel_loop3A_1132], %parallel_loop3A_1130 {strides = array<i32>} : memref<10240xf32, #tpu.memory_space<vmem>>, vector<16xf32>,
    } {sc.loop_unroll_factor = 8 : i64, sc.parallel_access}
    tpu.wait_dma2 semaphore(%arg17 : memref<!tpu.dma_semaphore, #tpu.memory_space<semaphore_mem>>) src(%arg16 : memref<10240xf32, #tpu.memory_space<vmem_shared>>) dst(%arg8 : memref<10240xf32, #tpu.memory_space<vmem>>)
    %parallel_loop3A_392 = arith.constant 0 : i32
    %parallel_loop3A_393 = arith.constant 20000 : i32
    %parallel_loop3A_394 = arith.constant 16 : i32
    scf.for %parallel_loop3A_1128 = %parallel_loop3A_392 to %parallel_loop3A_393 step %parallel_loop3A_394  : i32 {
      %parallel_loop3A_1129 = tpu.assume_multiple %parallel_loop3A_1128, 16 : i32
      %parallel_loop3A_1130 = arith.index_cast %parallel_loop3A_1129 : i32 to index
      %parallel_loop3A_1131 = tpu.vector_load %arg7[%parallel_loop3A_1130] {strides = array<i32>} : memref<20000xi32, #tpu.memory_space<vmem>>, vector<16xi32>,
      %parallel_loop3A_1132 = arith.constant 65535 : i32
      %parallel_loop3A_1133 = vector.broadcast %parallel_loop3A_1132 : i32 to vector<16xi32>
      %parallel_loop3A_1134 = arith.andi %parallel_loop3A_1131, %parallel_loop3A_1133 : vector<16xi32>
      %parallel_loop3A_1135 = arith.constant 16 : i32
      %parallel_loop3A_1136 = vector.broadcast %parallel_loop3A_1135 : i32 to vector<16xi32>
      %parallel_loop3A_1137 = arith.shrsi %parallel_loop3A_1131, %parallel_loop3A_1136 : vector<16xi32>
      %parallel_loop3A_1138 = tpu.vector_load_idx %arg8[%parallel_loop3A_1134] : memref<10240xf32, #tpu.memory_space<vmem>>[vector<16xi32>], vector<16xf32>,
      tpu.vector_store_idx %arg9[%parallel_loop3A_1137], %parallel_loop3A_1138 {add = true} : memref<10240xf32, #tpu.memory_space<vmem>>[vector<16xi32>], vector<16xf32>,
    } {sc.loop_unroll_factor = 8 : i64, sc.parallel_access}
    %dma_start3A_395 = arith.constant 0 : i32
    %dma_start3A_396 = arith.constant 0 : i32
    %dma_start3A_397 = tpu.memref_slice %arg9[%dma_start3A_396] : memref<10240xf32, #tpu.memory_space<vmem>> -> memref<640xf32, #tpu.memory_space<vmem>>
    %dma_start3A_398 = arith.constant 0 : i32
    %dma_start3A_399 = tpu.memref_slice %arg15[%dma_start3A_395, %arg1, %dma_start3A_398] : memref<16x16x640xf32, #tpu.memory_space<vmem_shared>> -> memref<1x1x640xf32, #tpu.memory_space<vmem_shared>>
    %dma_start3A_400 = tpu.memref_squeeze %dma_start3A_399 : memref<1x1x640xf32, #tpu.memory_space<vmem_shared>> -> memref<640xf32, #tpu.memory_space<vmem_shared>>
    %dma_start3A_401 = arith.constant 0 : i32
    %dma_start3A_402 = tpu.memref_slice %arg15[%dma_start3A_395, %arg1, %dma_start3A_401] : memref<16x16x640xf32, #tpu.memory_space<vmem_shared>> -> memref<1x1x640xf32, #tpu.memory_space<vmem_shared>>
    %dma_start3A_403 = tpu.memref_squeeze %dma_start3A_402 : memref<1x1x640xf32, #tpu.memory_space<vmem_shared>> -> memref<640xf32, #tpu.memory_space<vmem_shared>>
    %dma_start3A_404 = arith.constant 0 : i32
    %dma_start3A_405 = tpu.memref_slice %arg9[%dma_start3A_404] : memref<10240xf32, #tpu.memory_space<vmem>> -> memref<640xf32, #tpu.memory_space<vmem>>
    tpu.enqueue_dma source(%dma_start3A_405 : memref<640xf32, #tpu.memory_space<vmem>>) target(%dma_start3A_403 : memref<640xf32, #tpu.memory_space<vmem_shared>>) target_semaphore(%arg17 : memref<!tpu.dma_semaphore, #tpu.memory_space<semaphore_mem>>)
    %dma_start3A_406 = arith.constant 1 : i32
    %dma_start3A_407 = arith.constant 640 : i32
    %dma_start3A_408 = tpu.memref_slice %arg9[%dma_start3A_407] : memref<10240xf32, #tpu.memory_space<vmem>> -> memref<640xf32, #tpu.memory_space<vmem>>
    %dma_start3A_409 = arith.constant 0 : i32
    %dma_start3A_410 = tpu.memref_slice %arg15[%dma_start3A_406, %arg1, %dma_start3A_409] : memref<16x16x640xf32, #tpu.memory_space<vmem_shared>> -> memref<1x1x640xf32, #tpu.memory_space<vmem_shared>>
    %dma_start3A_411 = tpu.memref_squeeze %dma_start3A_410 : memref<1x1x640xf32, #tpu.memory_space<vmem_shared>> -> memref<640xf32, #tpu.memory_space<vmem_shared>>
    %dma_start3A_412 = arith.constant 0 : i32
    %dma_start3A_413 = tpu.memref_slice %arg15[%dma_start3A_406, %arg1, %dma_start3A_412] : memref<16x16x640xf32, #tpu.memory_space<vmem_shared>> -> memref<1x1x640xf32, #tpu.memory_space<vmem_shared>>
    %dma_start3A_414 = tpu.memref_squeeze %dma_start3A_413 : memref<1x1x640xf32, #tpu.memory_space<vmem_shared>> -> memref<640xf32, #tpu.memory_space<vmem_shared>>
    %dma_start3A_415 = arith.constant 640 : i32
    %dma_start3A_416 = tpu.memref_slice %arg9[%dma_start3A_415] : memref<10240xf32, #tpu.memory_space<vmem>> -> memref<640xf32, #tpu.memory_space<vmem>>
    tpu.enqueue_dma source(%dma_start3A_416 : memref<640xf32, #tpu.memory_space<vmem>>) target(%dma_start3A_414 : memref<640xf32, #tpu.memory_space<vmem_shared>>) target_semaphore(%arg17 : memref<!tpu.dma_semaphore, #tpu.memory_space<semaphore_mem>>)
    %dma_start3A_417 = arith.constant 2 : i32
    %dma_start3A_418 = arith.constant 1280 : i32
    %dma_start3A_419 = tpu.memref_slice %arg9[%dma_start3A_418] : memref<10240xf32, #tpu.memory_space<vmem>> -> memref<640xf32, #tpu.memory_space<vmem>>
    %dma_start3A_420 = arith.constant 0 : i32
    %dma_start3A_421 = tpu.memref_slice %arg15[%dma_start3A_417, %arg1, %dma_start3A_420] : memref<16x16x640xf32, #tpu.memory_space<vmem_shared>> -> memref<1x1x640xf32, #tpu.memory_space<vmem_shared>>
    %dma_start3A_422 = tpu.memref_squeeze %dma_start3A_421 : memref<1x1x640xf32, #tpu.memory_space<vmem_shared>> -> memref<640xf32, #tpu.memory_space<vmem_shared>>
    %dma_start3A_423 = arith.constant 0 : i32
    %dma_start3A_424 = tpu.memref_slice %arg15[%dma_start3A_417, %arg1, %dma_start3A_423] : memref<16x16x640xf32, #tpu.memory_space<vmem_shared>> -> memref<1x1x640xf32, #tpu.memory_space<vmem_shared>>
    %dma_start3A_425 = tpu.memref_squeeze %dma_start3A_424 : memref<1x1x640xf32, #tpu.memory_space<vmem_shared>> -> memref<640xf32, #tpu.memory_space<vmem_shared>>
    %dma_start3A_426 = arith.constant 1280 : i32
    %dma_start3A_427 = tpu.memref_slice %arg9[%dma_start3A_426] : memref<10240xf32, #tpu.memory_space<vmem>> -> memref<640xf32, #tpu.memory_space<vmem>>
    tpu.enqueue_dma source(%dma_start3A_427 : memref<640xf32, #tpu.memory_space<vmem>>) target(%dma_start3A_425 : memref<640xf32, #tpu.memory_space<vmem_shared>>) target_semaphore(%arg17 : memref<!tpu.dma_semaphore, #tpu.memory_space<semaphore_mem>>)
    %dma_start3A_428 = arith.constant 3 : i32
    %dma_start3A_429 = arith.constant 1920 : i32
    %dma_start3A_430 = tpu.memref_slice %arg9[%dma_start3A_429] : memref<10240xf32, #tpu.memory_space<vmem>> -> memref<640xf32, #tpu.memory_space<vmem>>
    %dma_start3A_431 = arith.constant 0 : i32
    %dma_start3A_432 = tpu.memref_slice %arg15[%dma_start3A_428, %arg1, %dma_start3A_431] : memref<16x16x640xf32, #tpu.memory_space<vmem_shared>> -> memref<1x1x640xf32, #tpu.memory_space<vmem_shared>>
    %dma_start3A_433 = tpu.memref_squeeze %dma_start3A_432 : memref<1x1x640xf32, #tpu.memory_space<vmem_shared>> -> memref<640xf32, #tpu.memory_space<vmem_shared>>
    %dma_start3A_434 = arith.constant 0 : i32
    %dma_start3A_435 = tpu.memref_slice %arg15[%dma_start3A_428, %arg1, %dma_start3A_434] : memref<16x16x640xf32, #tpu.memory_space<vmem_shared>> -> memref<1x1x640xf32, #tpu.memory_space<vmem_shared>>
    %dma_start3A_436 = tpu.memref_squeeze %dma_start3A_435 : memref<1x1x640xf32, #tpu.memory_space<vmem_shared>> -> memref<640xf32, #tpu.memory_space<vmem_shared>>
    %dma_start3A_437 = arith.constant 1920 : i32
    %dma_start3A_438 = tpu.memref_slice %arg9[%dma_start3A_437] : memref<10240xf32, #tpu.memory_space<vmem>> -> memref<640xf32, #tpu.memory_space<vmem>>
    tpu.enqueue_dma source(%dma_start3A_438 : memref<640xf32, #tpu.memory_space<vmem>>) target(%dma_start3A_436 : memref<640xf32, #tpu.memory_space<vmem_shared>>) target_semaphore(%arg17 : memref<!tpu.dma_semaphore, #tpu.memory_space<semaphore_mem>>)
    %dma_start3A_439 = arith.constant 4 : i32
    %dma_start3A_440 = arith.constant 2560 : i32
    %dma_start3A_441 = tpu.memref_slice %arg9[%dma_start3A_440] : memref<10240xf32, #tpu.memory_space<vmem>> -> memref<640xf32, #tpu.memory_space<vmem>>
    %dma_start3A_442 = arith.constant 0 : i32
    %dma_start3A_443 = tpu.memref_slice %arg15[%dma_start3A_439, %arg1, %dma_start3A_442] : memref<16x16x640xf32, #tpu.memory_space<vmem_shared>> -> memref<1x1x640xf32, #tpu.memory_space<vmem_shared>>
    %dma_start3A_444 = tpu.memref_squeeze %dma_start3A_443 : memref<1x1x640xf32, #tpu.memory_space<vmem_shared>> -> memref<640xf32, #tpu.memory_space<vmem_shared>>
    %dma_start3A_445 = arith.constant 0 : i32
    %dma_start3A_446 = tpu.memref_slice %arg15[%dma_start3A_439, %arg1, %dma_start3A_445] : memref<16x16x640xf32, #tpu.memory_space<vmem_shared>> -> memref<1x1x640xf32, #tpu.memory_space<vmem_shared>>
    %dma_start3A_447 = tpu.memref_squeeze %dma_start3A_446 : memref<1x1x640xf32, #tpu.memory_space<vmem_shared>> -> memref<640xf32, #tpu.memory_space<vmem_shared>>
    %dma_start3A_448 = arith.constant 2560 : i32
    %dma_start3A_449 = tpu.memref_slice %arg9[%dma_start3A_448] : memref<10240xf32, #tpu.memory_space<vmem>> -> memref<640xf32, #tpu.memory_space<vmem>>
    tpu.enqueue_dma source(%dma_start3A_449 : memref<640xf32, #tpu.memory_space<vmem>>) target(%dma_start3A_447 : memref<640xf32, #tpu.memory_space<vmem_shared>>) target_semaphore(%arg17 : memref<!tpu.dma_semaphore, #tpu.memory_space<semaphore_mem>>)
    %dma_start3A_450 = arith.constant 5 : i32
    %dma_start3A_451 = arith.constant 3200 : i32
    %dma_start3A_452 = tpu.memref_slice %arg9[%dma_start3A_451] : memref<10240xf32, #tpu.memory_space<vmem>> -> memref<640xf32, #tpu.memory_space<vmem>>
    %dma_start3A_453 = arith.constant 0 : i32
    %dma_start3A_454 = tpu.memref_slice %arg15[%dma_start3A_450, %arg1, %dma_start3A_453] : memref<16x16x640xf32, #tpu.memory_space<vmem_shared>> -> memref<1x1x640xf32, #tpu.memory_space<vmem_shared>>
    %dma_start3A_455 = tpu.memref_squeeze %dma_start3A_454 : memref<1x1x640xf32, #tpu.memory_space<vmem_shared>> -> memref<640xf32, #tpu.memory_space<vmem_shared>>
    %dma_start3A_456 = arith.constant 0 : i32
    %dma_start3A_457 = tpu.memref_slice %arg15[%dma_start3A_450, %arg1, %dma_start3A_456] : memref<16x16x640xf32, #tpu.memory_space<vmem_shared>> -> memref<1x1x640xf32, #tpu.memory_space<vmem_shared>>
    %dma_start3A_458 = tpu.memref_squeeze %dma_start3A_457 : memref<1x1x640xf32, #tpu.memory_space<vmem_shared>> -> memref<640xf32, #tpu.memory_space<vmem_shared>>
    %dma_start3A_459 = arith.constant 3200 : i32
    %dma_start3A_460 = tpu.memref_slice %arg9[%dma_start3A_459] : memref<10240xf32, #tpu.memory_space<vmem>> -> memref<640xf32, #tpu.memory_space<vmem>>
    tpu.enqueue_dma source(%dma_start3A_460 : memref<640xf32, #tpu.memory_space<vmem>>) target(%dma_start3A_458 : memref<640xf32, #tpu.memory_space<vmem_shared>>) target_semaphore(%arg17 : memref<!tpu.dma_semaphore, #tpu.memory_space<semaphore_mem>>)
    %dma_start3A_461 = arith.constant 6 : i32
    %dma_start3A_462 = arith.constant 3840 : i32
    %dma_start3A_463 = tpu.memref_slice %arg9[%dma_start3A_462] : memref<10240xf32, #tpu.memory_space<vmem>> -> memref<640xf32, #tpu.memory_space<vmem>>
    %dma_start3A_464 = arith.constant 0 : i32
    %dma_start3A_465 = tpu.memref_slice %arg15[%dma_start3A_461, %arg1, %dma_start3A_464] : memref<16x16x640xf32, #tpu.memory_space<vmem_shared>> -> memref<1x1x640xf32, #tpu.memory_space<vmem_shared>>
    %dma_start3A_466 = tpu.memref_squeeze %dma_start3A_465 : memref<1x1x640xf32, #tpu.memory_space<vmem_shared>> -> memref<640xf32, #tpu.memory_space<vmem_shared>>
    %dma_start3A_467 = arith.constant 0 : i32
    %dma_start3A_468 = tpu.memref_slice %arg15[%dma_start3A_461, %arg1, %dma_start3A_467] : memref<16x16x640xf32, #tpu.memory_space<vmem_shared>> -> memref<1x1x640xf32, #tpu.memory_space<vmem_shared>>
    %dma_start3A_469 = tpu.memref_squeeze %dma_start3A_468 : memref<1x1x640xf32, #tpu.memory_space<vmem_shared>> -> memref<640xf32, #tpu.memory_space<vmem_shared>>
    %dma_start3A_470 = arith.constant 3840 : i32
    %dma_start3A_471 = tpu.memref_slice %arg9[%dma_start3A_470] : memref<10240xf32, #tpu.memory_space<vmem>> -> memref<640xf32, #tpu.memory_space<vmem>>
    tpu.enqueue_dma source(%dma_start3A_471 : memref<640xf32, #tpu.memory_space<vmem>>) target(%dma_start3A_469 : memref<640xf32, #tpu.memory_space<vmem_shared>>) target_semaphore(%arg17 : memref<!tpu.dma_semaphore, #tpu.memory_space<semaphore_mem>>)
    %dma_start3A_472 = arith.constant 7 : i32
    %dma_start3A_473 = arith.constant 4480 : i32
    %dma_start3A_474 = tpu.memref_slice %arg9[%dma_start3A_473] : memref<10240xf32, #tpu.memory_space<vmem>> -> memref<640xf32, #tpu.memory_space<vmem>>
    %dma_start3A_475 = arith.constant 0 : i32
    %dma_start3A_476 = tpu.memref_slice %arg15[%dma_start3A_472, %arg1, %dma_start3A_475] : memref<16x16x640xf32, #tpu.memory_space<vmem_shared>> -> memref<1x1x640xf32, #tpu.memory_space<vmem_shared>>
    %dma_start3A_477 = tpu.memref_squeeze %dma_start3A_476 : memref<1x1x640xf32, #tpu.memory_space<vmem_shared>> -> memref<640xf32, #tpu.memory_space<vmem_shared>>
    %dma_start3A_478 = arith.constant 0 : i32
    %dma_start3A_479 = tpu.memref_slice %arg15[%dma_start3A_472, %arg1, %dma_start3A_478] : memref<16x16x640xf32, #tpu.memory_space<vmem_shared>> -> memref<1x1x640xf32, #tpu.memory_space<vmem_shared>>
    %dma_start3A_480 = tpu.memref_squeeze %dma_start3A_479 : memref<1x1x640xf32, #tpu.memory_space<vmem_shared>> -> memref<640xf32, #tpu.memory_space<vmem_shared>>
    %dma_start3A_481 = arith.constant 4480 : i32
    %dma_start3A_482 = tpu.memref_slice %arg9[%dma_start3A_481] : memref<10240xf32, #tpu.memory_space<vmem>> -> memref<640xf32, #tpu.memory_space<vmem>>
    tpu.enqueue_dma source(%dma_start3A_482 : memref<640xf32, #tpu.memory_space<vmem>>) target(%dma_start3A_480 : memref<640xf32, #tpu.memory_space<vmem_shared>>) target_semaphore(%arg17 : memref<!tpu.dma_semaphore, #tpu.memory_space<semaphore_mem>>)
    %dma_start3A_483 = arith.constant 8 : i32
    %dma_start3A_484 = arith.constant 5120 : i32
    %dma_start3A_485 = tpu.memref_slice %arg9[%dma_start3A_484] : memref<10240xf32, #tpu.memory_space<vmem>> -> memref<640xf32, #tpu.memory_space<vmem>>
    %dma_start3A_486 = arith.constant 0 : i32
    %dma_start3A_487 = tpu.memref_slice %arg15[%dma_start3A_483, %arg1, %dma_start3A_486] : memref<16x16x640xf32, #tpu.memory_space<vmem_shared>> -> memref<1x1x640xf32, #tpu.memory_space<vmem_shared>>
    %dma_start3A_488 = tpu.memref_squeeze %dma_start3A_487 : memref<1x1x640xf32, #tpu.memory_space<vmem_shared>> -> memref<640xf32, #tpu.memory_space<vmem_shared>>
    %dma_start3A_489 = arith.constant 0 : i32
    %dma_start3A_490 = tpu.memref_slice %arg15[%dma_start3A_483, %arg1, %dma_start3A_489] : memref<16x16x640xf32, #tpu.memory_space<vmem_shared>> -> memref<1x1x640xf32, #tpu.memory_space<vmem_shared>>
    %dma_start3A_491 = tpu.memref_squeeze %dma_start3A_490 : memref<1x1x640xf32, #tpu.memory_space<vmem_shared>> -> memref<640xf32, #tpu.memory_space<vmem_shared>>
    %dma_start3A_492 = arith.constant 5120 : i32
    %dma_start3A_493 = tpu.memref_slice %arg9[%dma_start3A_492] : memref<10240xf32, #tpu.memory_space<vmem>> -> memref<640xf32, #tpu.memory_space<vmem>>
    tpu.enqueue_dma source(%dma_start3A_493 : memref<640xf32, #tpu.memory_space<vmem>>) target(%dma_start3A_491 : memref<640xf32, #tpu.memory_space<vmem_shared>>) target_semaphore(%arg17 : memref<!tpu.dma_semaphore, #tpu.memory_space<semaphore_mem>>)
    %dma_start3A_494 = arith.constant 9 : i32
    %dma_start3A_495 = arith.constant 5760 : i32
    %dma_start3A_496 = tpu.memref_slice %arg9[%dma_start3A_495] : memref<10240xf32, #tpu.memory_space<vmem>> -> memref<640xf32, #tpu.memory_space<vmem>>
    %dma_start3A_497 = arith.constant 0 : i32
    %dma_start3A_498 = tpu.memref_slice %arg15[%dma_start3A_494, %arg1, %dma_start3A_497] : memref<16x16x640xf32, #tpu.memory_space<vmem_shared>> -> memref<1x1x640xf32, #tpu.memory_space<vmem_shared>>
    %dma_start3A_499 = tpu.memref_squeeze %dma_start3A_498 : memref<1x1x640xf32, #tpu.memory_space<vmem_shared>> -> memref<640xf32, #tpu.memory_space<vmem_shared>>
    %dma_start3A_500 = arith.constant 0 : i32
    %dma_start3A_501 = tpu.memref_slice %arg15[%dma_start3A_494, %arg1, %dma_start3A_500] : memref<16x16x640xf32, #tpu.memory_space<vmem_shared>> -> memref<1x1x640xf32, #tpu.memory_space<vmem_shared>>
    %dma_start3A_502 = tpu.memref_squeeze %dma_start3A_501 : memref<1x1x640xf32, #tpu.memory_space<vmem_shared>> -> memref<640xf32, #tpu.memory_space<vmem_shared>>
    %dma_start3A_503 = arith.constant 5760 : i32
    %dma_start3A_504 = tpu.memref_slice %arg9[%dma_start3A_503] : memref<10240xf32, #tpu.memory_space<vmem>> -> memref<640xf32, #tpu.memory_space<vmem>>
    tpu.enqueue_dma source(%dma_start3A_504 : memref<640xf32, #tpu.memory_space<vmem>>) target(%dma_start3A_502 : memref<640xf32, #tpu.memory_space<vmem_shared>>) target_semaphore(%arg17 : memref<!tpu.dma_semaphore, #tpu.memory_space<semaphore_mem>>)
    %dma_start3A_505 = arith.constant 10 : i32
    %dma_start3A_506 = arith.constant 6400 : i32
    %dma_start3A_507 = tpu.memref_slice %arg9[%dma_start3A_506] : memref<10240xf32, #tpu.memory_space<vmem>> -> memref<640xf32, #tpu.memory_space<vmem>>
    %dma_start3A_508 = arith.constant 0 : i32
    %dma_start3A_509 = tpu.memref_slice %arg15[%dma_start3A_505, %arg1, %dma_start3A_508] : memref<16x16x640xf32, #tpu.memory_space<vmem_shared>> -> memref<1x1x640xf32, #tpu.memory_space<vmem_shared>>
    %dma_start3A_510 = tpu.memref_squeeze %dma_start3A_509 : memref<1x1x640xf32, #tpu.memory_space<vmem_shared>> -> memref<640xf32, #tpu.memory_space<vmem_shared>>
    %dma_start3A_511 = arith.constant 0 : i32
    %dma_start3A_512 = tpu.memref_slice %arg15[%dma_start3A_505, %arg1, %dma_start3A_511] : memref<16x16x640xf32, #tpu.memory_space<vmem_shared>> -> memref<1x1x640xf32, #tpu.memory_space<vmem_shared>>
    %dma_start3A_513 = tpu.memref_squeeze %dma_start3A_512 : memref<1x1x640xf32, #tpu.memory_space<vmem_shared>> -> memref<640xf32, #tpu.memory_space<vmem_shared>>
    %dma_start3A_514 = arith.constant 6400 : i32
    %dma_start3A_515 = tpu.memref_slice %arg9[%dma_start3A_514] : memref<10240xf32, #tpu.memory_space<vmem>> -> memref<640xf32, #tpu.memory_space<vmem>>
    tpu.enqueue_dma source(%dma_start3A_515 : memref<640xf32, #tpu.memory_space<vmem>>) target(%dma_start3A_513 : memref<640xf32, #tpu.memory_space<vmem_shared>>) target_semaphore(%arg17 : memref<!tpu.dma_semaphore, #tpu.memory_space<semaphore_mem>>)
    %dma_start3A_516 = arith.constant 11 : i32
    %dma_start3A_517 = arith.constant 7040 : i32
    %dma_start3A_518 = tpu.memref_slice %arg9[%dma_start3A_517] : memref<10240xf32, #tpu.memory_space<vmem>> -> memref<640xf32, #tpu.memory_space<vmem>>
    %dma_start3A_519 = arith.constant 0 : i32
    %dma_start3A_520 = tpu.memref_slice %arg15[%dma_start3A_516, %arg1, %dma_start3A_519] : memref<16x16x640xf32, #tpu.memory_space<vmem_shared>> -> memref<1x1x640xf32, #tpu.memory_space<vmem_shared>>
    %dma_start3A_521 = tpu.memref_squeeze %dma_start3A_520 : memref<1x1x640xf32, #tpu.memory_space<vmem_shared>> -> memref<640xf32, #tpu.memory_space<vmem_shared>>
    %dma_start3A_522 = arith.constant 0 : i32
    %dma_start3A_523 = tpu.memref_slice %arg15[%dma_start3A_516, %arg1, %dma_start3A_522] : memref<16x16x640xf32, #tpu.memory_space<vmem_shared>> -> memref<1x1x640xf32, #tpu.memory_space<vmem_shared>>
    %dma_start3A_524 = tpu.memref_squeeze %dma_start3A_523 : memref<1x1x640xf32, #tpu.memory_space<vmem_shared>> -> memref<640xf32, #tpu.memory_space<vmem_shared>>
    %dma_start3A_525 = arith.constant 7040 : i32
    %dma_start3A_526 = tpu.memref_slice %arg9[%dma_start3A_525] : memref<10240xf32, #tpu.memory_space<vmem>> -> memref<640xf32, #tpu.memory_space<vmem>>
    tpu.enqueue_dma source(%dma_start3A_526 : memref<640xf32, #tpu.memory_space<vmem>>) target(%dma_start3A_524 : memref<640xf32, #tpu.memory_space<vmem_shared>>) target_semaphore(%arg17 : memref<!tpu.dma_semaphore, #tpu.memory_space<semaphore_mem>>)
    %dma_start3A_527 = arith.constant 12 : i32
    %dma_start3A_528 = arith.constant 7680 : i32
    %dma_start3A_529 = tpu.memref_slice %arg9[%dma_start3A_528] : memref<10240xf32, #tpu.memory_space<vmem>> -> memref<640xf32, #tpu.memory_space<vmem>>
    %dma_start3A_530 = arith.constant 0 : i32
    %dma_start3A_531 = tpu.memref_slice %arg15[%dma_start3A_527, %arg1, %dma_start3A_530] : memref<16x16x640xf32, #tpu.memory_space<vmem_shared>> -> memref<1x1x640xf32, #tpu.memory_space<vmem_shared>>
    %dma_start3A_532 = tpu.memref_squeeze %dma_start3A_531 : memref<1x1x640xf32, #tpu.memory_space<vmem_shared>> -> memref<640xf32, #tpu.memory_space<vmem_shared>>
    %dma_start3A_533 = arith.constant 0 : i32
    %dma_start3A_534 = tpu.memref_slice %arg15[%dma_start3A_527, %arg1, %dma_start3A_533] : memref<16x16x640xf32, #tpu.memory_space<vmem_shared>> -> memref<1x1x640xf32, #tpu.memory_space<vmem_shared>>
    %dma_start3A_535 = tpu.memref_squeeze %dma_start3A_534 : memref<1x1x640xf32, #tpu.memory_space<vmem_shared>> -> memref<640xf32, #tpu.memory_space<vmem_shared>>
    %dma_start3A_536 = arith.constant 7680 : i32
    %dma_start3A_537 = tpu.memref_slice %arg9[%dma_start3A_536] : memref<10240xf32, #tpu.memory_space<vmem>> -> memref<640xf32, #tpu.memory_space<vmem>>
    tpu.enqueue_dma source(%dma_start3A_537 : memref<640xf32, #tpu.memory_space<vmem>>) target(%dma_start3A_535 : memref<640xf32, #tpu.memory_space<vmem_shared>>) target_semaphore(%arg17 : memref<!tpu.dma_semaphore, #tpu.memory_space<semaphore_mem>>)
    %dma_start3A_538 = arith.constant 13 : i32
    %dma_start3A_539 = arith.constant 8320 : i32
    %dma_start3A_540 = tpu.memref_slice %arg9[%dma_start3A_539] : memref<10240xf32, #tpu.memory_space<vmem>> -> memref<640xf32, #tpu.memory_space<vmem>>
    %dma_start3A_541 = arith.constant 0 : i32
    %dma_start3A_542 = tpu.memref_slice %arg15[%dma_start3A_538, %arg1, %dma_start3A_541] : memref<16x16x640xf32, #tpu.memory_space<vmem_shared>> -> memref<1x1x640xf32, #tpu.memory_space<vmem_shared>>
    %dma_start3A_543 = tpu.memref_squeeze %dma_start3A_542 : memref<1x1x640xf32, #tpu.memory_space<vmem_shared>> -> memref<640xf32, #tpu.memory_space<vmem_shared>>
    %dma_start3A_544 = arith.constant 0 : i32
    %dma_start3A_545 = tpu.memref_slice %arg15[%dma_start3A_538, %arg1, %dma_start3A_544] : memref<16x16x640xf32, #tpu.memory_space<vmem_shared>> -> memref<1x1x640xf32, #tpu.memory_space<vmem_shared>>
    %dma_start3A_546 = tpu.memref_squeeze %dma_start3A_545 : memref<1x1x640xf32, #tpu.memory_space<vmem_shared>> -> memref<640xf32, #tpu.memory_space<vmem_shared>>
    %dma_start3A_547 = arith.constant 8320 : i32
    %dma_start3A_548 = tpu.memref_slice %arg9[%dma_start3A_547] : memref<10240xf32, #tpu.memory_space<vmem>> -> memref<640xf32, #tpu.memory_space<vmem>>
    tpu.enqueue_dma source(%dma_start3A_548 : memref<640xf32, #tpu.memory_space<vmem>>) target(%dma_start3A_546 : memref<640xf32, #tpu.memory_space<vmem_shared>>) target_semaphore(%arg17 : memref<!tpu.dma_semaphore, #tpu.memory_space<semaphore_mem>>)
    %dma_start3A_549 = arith.constant 14 : i32
    %dma_start3A_550 = arith.constant 8960 : i32
    %dma_start3A_551 = tpu.memref_slice %arg9[%dma_start3A_550] : memref<10240xf32, #tpu.memory_space<vmem>> -> memref<640xf32, #tpu.memory_space<vmem>>
    %dma_start3A_552 = arith.constant 0 : i32
    %dma_start3A_553 = tpu.memref_slice %arg15[%dma_start3A_549, %arg1, %dma_start3A_552] : memref<16x16x640xf32, #tpu.memory_space<vmem_shared>> -> memref<1x1x640xf32, #tpu.memory_space<vmem_shared>>
    %dma_start3A_554 = tpu.memref_squeeze %dma_start3A_553 : memref<1x1x640xf32, #tpu.memory_space<vmem_shared>> -> memref<640xf32, #tpu.memory_space<vmem_shared>>
    %dma_start3A_555 = arith.constant 0 : i32
    %dma_start3A_556 = tpu.memref_slice %arg15[%dma_start3A_549, %arg1, %dma_start3A_555] : memref<16x16x640xf32, #tpu.memory_space<vmem_shared>> -> memref<1x1x640xf32, #tpu.memory_space<vmem_shared>>
    %dma_start3A_557 = tpu.memref_squeeze %dma_start3A_556 : memref<1x1x640xf32, #tpu.memory_space<vmem_shared>> -> memref<640xf32, #tpu.memory_space<vmem_shared>>
    %dma_start3A_558 = arith.constant 8960 : i32
    %dma_start3A_559 = tpu.memref_slice %arg9[%dma_start3A_558] : memref<10240xf32, #tpu.memory_space<vmem>> -> memref<640xf32, #tpu.memory_space<vmem>>
    tpu.enqueue_dma source(%dma_start3A_559 : memref<640xf32, #tpu.memory_space<vmem>>) target(%dma_start3A_557 : memref<640xf32, #tpu.memory_space<vmem_shared>>) target_semaphore(%arg17 : memref<!tpu.dma_semaphore, #tpu.memory_space<semaphore_mem>>)
    %dma_start3A_560 = arith.constant 15 : i32
    %dma_start3A_561 = arith.constant 9600 : i32
    %dma_start3A_562 = tpu.memref_slice %arg9[%dma_start3A_561] : memref<10240xf32, #tpu.memory_space<vmem>> -> memref<640xf32, #tpu.memory_space<vmem>>
    %dma_start3A_563 = arith.constant 0 : i32
    %dma_start3A_564 = tpu.memref_slice %arg15[%dma_start3A_560, %arg1, %dma_start3A_563] : memref<16x16x640xf32, #tpu.memory_space<vmem_shared>> -> memref<1x1x640xf32, #tpu.memory_space<vmem_shared>>
    %dma_start3A_565 = tpu.memref_squeeze %dma_start3A_564 : memref<1x1x640xf32, #tpu.memory_space<vmem_shared>> -> memref<640xf32, #tpu.memory_space<vmem_shared>>
    %dma_start3A_566 = arith.constant 0 : i32
    %dma_start3A_567 = tpu.memref_slice %arg15[%dma_start3A_560, %arg1, %dma_start3A_566] : memref<16x16x640xf32, #tpu.memory_space<vmem_shared>> -> memref<1x1x640xf32, #tpu.memory_space<vmem_shared>>
    %dma_start3A_568 = tpu.memref_squeeze %dma_start3A_567 : memref<1x1x640xf32, #tpu.memory_space<vmem_shared>> -> memref<640xf32, #tpu.memory_space<vmem_shared>>
    %dma_start3A_569 = arith.constant 9600 : i32
    %dma_start3A_570 = tpu.memref_slice %arg9[%dma_start3A_569] : memref<10240xf32, #tpu.memory_space<vmem>> -> memref<640xf32, #tpu.memory_space<vmem>>
    tpu.enqueue_dma source(%dma_start3A_570 : memref<640xf32, #tpu.memory_space<vmem>>) target(%dma_start3A_568 : memref<640xf32, #tpu.memory_space<vmem_shared>>) target_semaphore(%arg17 : memref<!tpu.dma_semaphore, #tpu.memory_space<semaphore_mem>>)
    %dma_wait3A_571 = arith.constant 0 : i32
    %dma_wait3A_572 = arith.constant 0 : i32
    %dma_wait3A_573 = tpu.memref_slice %arg9[%dma_wait3A_572] : memref<10240xf32, #tpu.memory_space<vmem>> -> memref<640xf32, #tpu.memory_space<vmem>>
    %dma_wait3A_574 = arith.constant 0 : i32
    %dma_wait3A_575 = tpu.memref_slice %arg15[%dma_wait3A_571, %arg1, %dma_wait3A_574] : memref<16x16x640xf32, #tpu.memory_space<vmem_shared>> -> memref<1x1x640xf32, #tpu.memory_space<vmem_shared>>
    %dma_wait3A_576 = tpu.memref_squeeze %dma_wait3A_575 : memref<1x1x640xf32, #tpu.memory_space<vmem_shared>> -> memref<640xf32, #tpu.memory_space<vmem_shared>>
    %dma_wait3A_577 = arith.constant 0 : i32
    %dma_wait3A_578 = tpu.memref_slice %arg15[%dma_wait3A_571, %arg1, %dma_wait3A_577] : memref<16x16x640xf32, #tpu.memory_space<vmem_shared>> -> memref<1x1x640xf32, #tpu.memory_space<vmem_shared>>
    %dma_wait3A_579 = tpu.memref_squeeze %dma_wait3A_578 : memref<1x1x640xf32, #tpu.memory_space<vmem_shared>> -> memref<640xf32, #tpu.memory_space<vmem_shared>>
    %dma_wait3A_580 = arith.constant 0 : i32
    %dma_wait3A_581 = tpu.memref_slice %arg9[%dma_wait3A_580] : memref<10240xf32, #tpu.memory_space<vmem>> -> memref<640xf32, #tpu.memory_space<vmem>>
    tpu.wait_dma2 semaphore(%arg17 : memref<!tpu.dma_semaphore, #tpu.memory_space<semaphore_mem>>) src(%dma_wait3A_581 : memref<640xf32, #tpu.memory_space<vmem>>) dst(%dma_wait3A_579 : memref<640xf32, #tpu.memory_space<vmem_shared>>)
    %dma_wait3A_582 = arith.constant 1 : i32
    %dma_wait3A_583 = arith.constant 640 : i32
    %dma_wait3A_584 = tpu.memref_slice %arg9[%dma_wait3A_583] : memref<10240xf32, #tpu.memory_space<vmem>> -> memref<640xf32, #tpu.memory_space<vmem>>
    %dma_wait3A_585 = arith.constant 0 : i32
    %dma_wait3A_586 = tpu.memref_slice %arg15[%dma_wait3A_582, %arg1, %dma_wait3A_585] : memref<16x16x640xf32, #tpu.memory_space<vmem_shared>> -> memref<1x1x640xf32, #tpu.memory_space<vmem_shared>>
    %dma_wait3A_587 = tpu.memref_squeeze %dma_wait3A_586 : memref<1x1x640xf32, #tpu.memory_space<vmem_shared>> -> memref<640xf32, #tpu.memory_space<vmem_shared>>
    %dma_wait3A_588 = arith.constant 0 : i32
    %dma_wait3A_589 = tpu.memref_slice %arg15[%dma_wait3A_582, %arg1, %dma_wait3A_588] : memref<16x16x640xf32, #tpu.memory_space<vmem_shared>> -> memref<1x1x640xf32, #tpu.memory_space<vmem_shared>>
    %dma_wait3A_590 = tpu.memref_squeeze %dma_wait3A_589 : memref<1x1x640xf32, #tpu.memory_space<vmem_shared>> -> memref<640xf32, #tpu.memory_space<vmem_shared>>
    %dma_wait3A_591 = arith.constant 640 : i32
    %dma_wait3A_592 = tpu.memref_slice %arg9[%dma_wait3A_591] : memref<10240xf32, #tpu.memory_space<vmem>> -> memref<640xf32, #tpu.memory_space<vmem>>
    tpu.wait_dma2 semaphore(%arg17 : memref<!tpu.dma_semaphore, #tpu.memory_space<semaphore_mem>>) src(%dma_wait3A_592 : memref<640xf32, #tpu.memory_space<vmem>>) dst(%dma_wait3A_590 : memref<640xf32, #tpu.memory_space<vmem_shared>>)
    %dma_wait3A_593 = arith.constant 2 : i32
    %dma_wait3A_594 = arith.constant 1280 : i32
    %dma_wait3A_595 = tpu.memref_slice %arg9[%dma_wait3A_594] : memref<10240xf32, #tpu.memory_space<vmem>> -> memref<640xf32, #tpu.memory_space<vmem>>
    %dma_wait3A_596 = arith.constant 0 : i32
    %dma_wait3A_597 = tpu.memref_slice %arg15[%dma_wait3A_593, %arg1, %dma_wait3A_596] : memref<16x16x640xf32, #tpu.memory_space<vmem_shared>> -> memref<1x1x640xf32, #tpu.memory_space<vmem_shared>>
    %dma_wait3A_598 = tpu.memref_squeeze %dma_wait3A_597 : memref<1x1x640xf32, #tpu.memory_space<vmem_shared>> -> memref<640xf32, #tpu.memory_space<vmem_shared>>
    %dma_wait3A_599 = arith.constant 0 : i32
    %dma_wait3A_600 = tpu.memref_slice %arg15[%dma_wait3A_593, %arg1, %dma_wait3A_599] : memref<16x16x640xf32, #tpu.memory_space<vmem_shared>> -> memref<1x1x640xf32, #tpu.memory_space<vmem_shared>>
    %dma_wait3A_601 = tpu.memref_squeeze %dma_wait3A_600 : memref<1x1x640xf32, #tpu.memory_space<vmem_shared>> -> memref<640xf32, #tpu.memory_space<vmem_shared>>
    %dma_wait3A_602 = arith.constant 1280 : i32
    %dma_wait3A_603 = tpu.memref_slice %arg9[%dma_wait3A_602] : memref<10240xf32, #tpu.memory_space<vmem>> -> memref<640xf32, #tpu.memory_space<vmem>>
    tpu.wait_dma2 semaphore(%arg17 : memref<!tpu.dma_semaphore, #tpu.memory_space<semaphore_mem>>) src(%dma_wait3A_603 : memref<640xf32, #tpu.memory_space<vmem>>) dst(%dma_wait3A_601 : memref<640xf32, #tpu.memory_space<vmem_shared>>)
    %dma_wait3A_604 = arith.constant 3 : i32
    %dma_wait3A_605 = arith.constant 1920 : i32
    %dma_wait3A_606 = tpu.memref_slice %arg9[%dma_wait3A_605] : memref<10240xf32, #tpu.memory_space<vmem>> -> memref<640xf32, #tpu.memory_space<vmem>>
    %dma_wait3A_607 = arith.constant 0 : i32
    %dma_wait3A_608 = tpu.memref_slice %arg15[%dma_wait3A_604, %arg1, %dma_wait3A_607] : memref<16x16x640xf32, #tpu.memory_space<vmem_shared>> -> memref<1x1x640xf32, #tpu.memory_space<vmem_shared>>
    %dma_wait3A_609 = tpu.memref_squeeze %dma_wait3A_608 : memref<1x1x640xf32, #tpu.memory_space<vmem_shared>> -> memref<640xf32, #tpu.memory_space<vmem_shared>>
    %dma_wait3A_610 = arith.constant 0 : i32
    %dma_wait3A_611 = tpu.memref_slice %arg15[%dma_wait3A_604, %arg1, %dma_wait3A_610] : memref<16x16x640xf32, #tpu.memory_space<vmem_shared>> -> memref<1x1x640xf32, #tpu.memory_space<vmem_shared>>
    %dma_wait3A_612 = tpu.memref_squeeze %dma_wait3A_611 : memref<1x1x640xf32, #tpu.memory_space<vmem_shared>> -> memref<640xf32, #tpu.memory_space<vmem_shared>>
    %dma_wait3A_613 = arith.constant 1920 : i32
    %dma_wait3A_614 = tpu.memref_slice %arg9[%dma_wait3A_613] : memref<10240xf32, #tpu.memory_space<vmem>> -> memref<640xf32, #tpu.memory_space<vmem>>
    tpu.wait_dma2 semaphore(%arg17 : memref<!tpu.dma_semaphore, #tpu.memory_space<semaphore_mem>>) src(%dma_wait3A_614 : memref<640xf32, #tpu.memory_space<vmem>>) dst(%dma_wait3A_612 : memref<640xf32, #tpu.memory_space<vmem_shared>>)
    %dma_wait3A_615 = arith.constant 4 : i32
    %dma_wait3A_616 = arith.constant 2560 : i32
    %dma_wait3A_617 = tpu.memref_slice %arg9[%dma_wait3A_616] : memref<10240xf32, #tpu.memory_space<vmem>> -> memref<640xf32, #tpu.memory_space<vmem>>
    %dma_wait3A_618 = arith.constant 0 : i32
    %dma_wait3A_619 = tpu.memref_slice %arg15[%dma_wait3A_615, %arg1, %dma_wait3A_618] : memref<16x16x640xf32, #tpu.memory_space<vmem_shared>> -> memref<1x1x640xf32, #tpu.memory_space<vmem_shared>>
    %dma_wait3A_620 = tpu.memref_squeeze %dma_wait3A_619 : memref<1x1x640xf32, #tpu.memory_space<vmem_shared>> -> memref<640xf32, #tpu.memory_space<vmem_shared>>
    %dma_wait3A_621 = arith.constant 0 : i32
    %dma_wait3A_622 = tpu.memref_slice %arg15[%dma_wait3A_615, %arg1, %dma_wait3A_621] : memref<16x16x640xf32, #tpu.memory_space<vmem_shared>> -> memref<1x1x640xf32, #tpu.memory_space<vmem_shared>>
    %dma_wait3A_623 = tpu.memref_squeeze %dma_wait3A_622 : memref<1x1x640xf32, #tpu.memory_space<vmem_shared>> -> memref<640xf32, #tpu.memory_space<vmem_shared>>
    %dma_wait3A_624 = arith.constant 2560 : i32
    %dma_wait3A_625 = tpu.memref_slice %arg9[%dma_wait3A_624] : memref<10240xf32, #tpu.memory_space<vmem>> -> memref<640xf32, #tpu.memory_space<vmem>>
    tpu.wait_dma2 semaphore(%arg17 : memref<!tpu.dma_semaphore, #tpu.memory_space<semaphore_mem>>) src(%dma_wait3A_625 : memref<640xf32, #tpu.memory_space<vmem>>) dst(%dma_wait3A_623 : memref<640xf32, #tpu.memory_space<vmem_shared>>)
    %dma_wait3A_626 = arith.constant 5 : i32
    %dma_wait3A_627 = arith.constant 3200 : i32
    %dma_wait3A_628 = tpu.memref_slice %arg9[%dma_wait3A_627] : memref<10240xf32, #tpu.memory_space<vmem>> -> memref<640xf32, #tpu.memory_space<vmem>>
    %dma_wait3A_629 = arith.constant 0 : i32
    %dma_wait3A_630 = tpu.memref_slice %arg15[%dma_wait3A_626, %arg1, %dma_wait3A_629] : memref<16x16x640xf32, #tpu.memory_space<vmem_shared>> -> memref<1x1x640xf32, #tpu.memory_space<vmem_shared>>
    %dma_wait3A_631 = tpu.memref_squeeze %dma_wait3A_630 : memref<1x1x640xf32, #tpu.memory_space<vmem_shared>> -> memref<640xf32, #tpu.memory_space<vmem_shared>>
    %dma_wait3A_632 = arith.constant 0 : i32
    %dma_wait3A_633 = tpu.memref_slice %arg15[%dma_wait3A_626, %arg1, %dma_wait3A_632] : memref<16x16x640xf32, #tpu.memory_space<vmem_shared>> -> memref<1x1x640xf32, #tpu.memory_space<vmem_shared>>
    %dma_wait3A_634 = tpu.memref_squeeze %dma_wait3A_633 : memref<1x1x640xf32, #tpu.memory_space<vmem_shared>> -> memref<640xf32, #tpu.memory_space<vmem_shared>>
    %dma_wait3A_635 = arith.constant 3200 : i32
    %dma_wait3A_636 = tpu.memref_slice %arg9[%dma_wait3A_635] : memref<10240xf32, #tpu.memory_space<vmem>> -> memref<640xf32, #tpu.memory_space<vmem>>
    tpu.wait_dma2 semaphore(%arg17 : memref<!tpu.dma_semaphore, #tpu.memory_space<semaphore_mem>>) src(%dma_wait3A_636 : memref<640xf32, #tpu.memory_space<vmem>>) dst(%dma_wait3A_634 : memref<640xf32, #tpu.memory_space<vmem_shared>>)
    %dma_wait3A_637 = arith.constant 6 : i32
    %dma_wait3A_638 = arith.constant 3840 : i32
    %dma_wait3A_639 = tpu.memref_slice %arg9[%dma_wait3A_638] : memref<10240xf32, #tpu.memory_space<vmem>> -> memref<640xf32, #tpu.memory_space<vmem>>
    %dma_wait3A_640 = arith.constant 0 : i32
    %dma_wait3A_641 = tpu.memref_slice %arg15[%dma_wait3A_637, %arg1, %dma_wait3A_640] : memref<16x16x640xf32, #tpu.memory_space<vmem_shared>> -> memref<1x1x640xf32, #tpu.memory_space<vmem_shared>>
    %dma_wait3A_642 = tpu.memref_squeeze %dma_wait3A_641 : memref<1x1x640xf32, #tpu.memory_space<vmem_shared>> -> memref<640xf32, #tpu.memory_space<vmem_shared>>
    %dma_wait3A_643 = arith.constant 0 : i32
    %dma_wait3A_644 = tpu.memref_slice %arg15[%dma_wait3A_637, %arg1, %dma_wait3A_643] : memref<16x16x640xf32, #tpu.memory_space<vmem_shared>> -> memref<1x1x640xf32, #tpu.memory_space<vmem_shared>>
    %dma_wait3A_645 = tpu.memref_squeeze %dma_wait3A_644 : memref<1x1x640xf32, #tpu.memory_space<vmem_shared>> -> memref<640xf32, #tpu.memory_space<vmem_shared>>
    %dma_wait3A_646 = arith.constant 3840 : i32
    %dma_wait3A_647 = tpu.memref_slice %arg9[%dma_wait3A_646] : memref<10240xf32, #tpu.memory_space<vmem>> -> memref<640xf32, #tpu.memory_space<vmem>>
    tpu.wait_dma2 semaphore(%arg17 : memref<!tpu.dma_semaphore, #tpu.memory_space<semaphore_mem>>) src(%dma_wait3A_647 : memref<640xf32, #tpu.memory_space<vmem>>) dst(%dma_wait3A_645 : memref<640xf32, #tpu.memory_space<vmem_shared>>)
    %dma_wait3A_648 = arith.constant 7 : i32
    %dma_wait3A_649 = arith.constant 4480 : i32
    %dma_wait3A_650 = tpu.memref_slice %arg9[%dma_wait3A_649] : memref<10240xf32, #tpu.memory_space<vmem>> -> memref<640xf32, #tpu.memory_space<vmem>>
    %dma_wait3A_651 = arith.constant 0 : i32
    %dma_wait3A_652 = tpu.memref_slice %arg15[%dma_wait3A_648, %arg1, %dma_wait3A_651] : memref<16x16x640xf32, #tpu.memory_space<vmem_shared>> -> memref<1x1x640xf32, #tpu.memory_space<vmem_shared>>
    %dma_wait3A_653 = tpu.memref_squeeze %dma_wait3A_652 : memref<1x1x640xf32, #tpu.memory_space<vmem_shared>> -> memref<640xf32, #tpu.memory_space<vmem_shared>>
    %dma_wait3A_654 = arith.constant 0 : i32
    %dma_wait3A_655 = tpu.memref_slice %arg15[%dma_wait3A_648, %arg1, %dma_wait3A_654] : memref<16x16x640xf32, #tpu.memory_space<vmem_shared>> -> memref<1x1x640xf32, #tpu.memory_space<vmem_shared>>
    %dma_wait3A_656 = tpu.memref_squeeze %dma_wait3A_655 : memref<1x1x640xf32, #tpu.memory_space<vmem_shared>> -> memref<640xf32, #tpu.memory_space<vmem_shared>>
    %dma_wait3A_657 = arith.constant 4480 : i32
    %dma_wait3A_658 = tpu.memref_slice %arg9[%dma_wait3A_657] : memref<10240xf32, #tpu.memory_space<vmem>> -> memref<640xf32, #tpu.memory_space<vmem>>
    tpu.wait_dma2 semaphore(%arg17 : memref<!tpu.dma_semaphore, #tpu.memory_space<semaphore_mem>>) src(%dma_wait3A_658 : memref<640xf32, #tpu.memory_space<vmem>>) dst(%dma_wait3A_656 : memref<640xf32, #tpu.memory_space<vmem_shared>>)
    %dma_wait3A_659 = arith.constant 8 : i32
    %dma_wait3A_660 = arith.constant 5120 : i32
    %dma_wait3A_661 = tpu.memref_slice %arg9[%dma_wait3A_660] : memref<10240xf32, #tpu.memory_space<vmem>> -> memref<640xf32, #tpu.memory_space<vmem>>
    %dma_wait3A_662 = arith.constant 0 : i32
    %dma_wait3A_663 = tpu.memref_slice %arg15[%dma_wait3A_659, %arg1, %dma_wait3A_662] : memref<16x16x640xf32, #tpu.memory_space<vmem_shared>> -> memref<1x1x640xf32, #tpu.memory_space<vmem_shared>>
    %dma_wait3A_664 = tpu.memref_squeeze %dma_wait3A_663 : memref<1x1x640xf32, #tpu.memory_space<vmem_shared>> -> memref<640xf32, #tpu.memory_space<vmem_shared>>
    %dma_wait3A_665 = arith.constant 0 : i32
    %dma_wait3A_666 = tpu.memref_slice %arg15[%dma_wait3A_659, %arg1, %dma_wait3A_665] : memref<16x16x640xf32, #tpu.memory_space<vmem_shared>> -> memref<1x1x640xf32, #tpu.memory_space<vmem_shared>>
    %dma_wait3A_667 = tpu.memref_squeeze %dma_wait3A_666 : memref<1x1x640xf32, #tpu.memory_space<vmem_shared>> -> memref<640xf32, #tpu.memory_space<vmem_shared>>
    %dma_wait3A_668 = arith.constant 5120 : i32
    %dma_wait3A_669 = tpu.memref_slice %arg9[%dma_wait3A_668] : memref<10240xf32, #tpu.memory_space<vmem>> -> memref<640xf32, #tpu.memory_space<vmem>>
    tpu.wait_dma2 semaphore(%arg17 : memref<!tpu.dma_semaphore, #tpu.memory_space<semaphore_mem>>) src(%dma_wait3A_669 : memref<640xf32, #tpu.memory_space<vmem>>) dst(%dma_wait3A_667 : memref<640xf32, #tpu.memory_space<vmem_shared>>)
    %dma_wait3A_670 = arith.constant 9 : i32
    %dma_wait3A_671 = arith.constant 5760 : i32
    %dma_wait3A_672 = tpu.memref_slice %arg9[%dma_wait3A_671] : memref<10240xf32, #tpu.memory_space<vmem>> -> memref<640xf32, #tpu.memory_space<vmem>>
    %dma_wait3A_673 = arith.constant 0 : i32
    %dma_wait3A_674 = tpu.memref_slice %arg15[%dma_wait3A_670, %arg1, %dma_wait3A_673] : memref<16x16x640xf32, #tpu.memory_space<vmem_shared>> -> memref<1x1x640xf32, #tpu.memory_space<vmem_shared>>
    %dma_wait3A_675 = tpu.memref_squeeze %dma_wait3A_674 : memref<1x1x640xf32, #tpu.memory_space<vmem_shared>> -> memref<640xf32, #tpu.memory_space<vmem_shared>>
    %dma_wait3A_676 = arith.constant 0 : i32
    %dma_wait3A_677 = tpu.memref_slice %arg15[%dma_wait3A_670, %arg1, %dma_wait3A_676] : memref<16x16x640xf32, #tpu.memory_space<vmem_shared>> -> memref<1x1x640xf32, #tpu.memory_space<vmem_shared>>
    %dma_wait3A_678 = tpu.memref_squeeze %dma_wait3A_677 : memref<1x1x640xf32, #tpu.memory_space<vmem_shared>> -> memref<640xf32, #tpu.memory_space<vmem_shared>>
    %dma_wait3A_679 = arith.constant 5760 : i32
    %dma_wait3A_680 = tpu.memref_slice %arg9[%dma_wait3A_679] : memref<10240xf32, #tpu.memory_space<vmem>> -> memref<640xf32, #tpu.memory_space<vmem>>
    tpu.wait_dma2 semaphore(%arg17 : memref<!tpu.dma_semaphore, #tpu.memory_space<semaphore_mem>>) src(%dma_wait3A_680 : memref<640xf32, #tpu.memory_space<vmem>>) dst(%dma_wait3A_678 : memref<640xf32, #tpu.memory_space<vmem_shared>>)
    %dma_wait3A_681 = arith.constant 10 : i32
    %dma_wait3A_682 = arith.constant 6400 : i32
    %dma_wait3A_683 = tpu.memref_slice %arg9[%dma_wait3A_682] : memref<10240xf32, #tpu.memory_space<vmem>> -> memref<640xf32, #tpu.memory_space<vmem>>
    %dma_wait3A_684 = arith.constant 0 : i32
    %dma_wait3A_685 = tpu.memref_slice %arg15[%dma_wait3A_681, %arg1, %dma_wait3A_684] : memref<16x16x640xf32, #tpu.memory_space<vmem_shared>> -> memref<1x1x640xf32, #tpu.memory_space<vmem_shared>>
    %dma_wait3A_686 = tpu.memref_squeeze %dma_wait3A_685 : memref<1x1x640xf32, #tpu.memory_space<vmem_shared>> -> memref<640xf32, #tpu.memory_space<vmem_shared>>
    %dma_wait3A_687 = arith.constant 0 : i32
    %dma_wait3A_688 = tpu.memref_slice %arg15[%dma_wait3A_681, %arg1, %dma_wait3A_687] : memref<16x16x640xf32, #tpu.memory_space<vmem_shared>> -> memref<1x1x640xf32, #tpu.memory_space<vmem_shared>>
    %dma_wait3A_689 = tpu.memref_squeeze %dma_wait3A_688 : memref<1x1x640xf32, #tpu.memory_space<vmem_shared>> -> memref<640xf32, #tpu.memory_space<vmem_shared>>
    %dma_wait3A_690 = arith.constant 6400 : i32
    %dma_wait3A_691 = tpu.memref_slice %arg9[%dma_wait3A_690] : memref<10240xf32, #tpu.memory_space<vmem>> -> memref<640xf32, #tpu.memory_space<vmem>>
    tpu.wait_dma2 semaphore(%arg17 : memref<!tpu.dma_semaphore, #tpu.memory_space<semaphore_mem>>) src(%dma_wait3A_691 : memref<640xf32, #tpu.memory_space<vmem>>) dst(%dma_wait3A_689 : memref<640xf32, #tpu.memory_space<vmem_shared>>)
    %dma_wait3A_692 = arith.constant 11 : i32
    %dma_wait3A_693 = arith.constant 7040 : i32
    %dma_wait3A_694 = tpu.memref_slice %arg9[%dma_wait3A_693] : memref<10240xf32, #tpu.memory_space<vmem>> -> memref<640xf32, #tpu.memory_space<vmem>>
    %dma_wait3A_695 = arith.constant 0 : i32
    %dma_wait3A_696 = tpu.memref_slice %arg15[%dma_wait3A_692, %arg1, %dma_wait3A_695] : memref<16x16x640xf32, #tpu.memory_space<vmem_shared>> -> memref<1x1x640xf32, #tpu.memory_space<vmem_shared>>
    %dma_wait3A_697 = tpu.memref_squeeze %dma_wait3A_696 : memref<1x1x640xf32, #tpu.memory_space<vmem_shared>> -> memref<640xf32, #tpu.memory_space<vmem_shared>>
    %dma_wait3A_698 = arith.constant 0 : i32
    %dma_wait3A_699 = tpu.memref_slice %arg15[%dma_wait3A_692, %arg1, %dma_wait3A_698] : memref<16x16x640xf32, #tpu.memory_space<vmem_shared>> -> memref<1x1x640xf32, #tpu.memory_space<vmem_shared>>
    %dma_wait3A_700 = tpu.memref_squeeze %dma_wait3A_699 : memref<1x1x640xf32, #tpu.memory_space<vmem_shared>> -> memref<640xf32, #tpu.memory_space<vmem_shared>>
    %dma_wait3A_701 = arith.constant 7040 : i32
    %dma_wait3A_702 = tpu.memref_slice %arg9[%dma_wait3A_701] : memref<10240xf32, #tpu.memory_space<vmem>> -> memref<640xf32, #tpu.memory_space<vmem>>
    tpu.wait_dma2 semaphore(%arg17 : memref<!tpu.dma_semaphore, #tpu.memory_space<semaphore_mem>>) src(%dma_wait3A_702 : memref<640xf32, #tpu.memory_space<vmem>>) dst(%dma_wait3A_700 : memref<640xf32, #tpu.memory_space<vmem_shared>>)
    %dma_wait3A_703 = arith.constant 12 : i32
    %dma_wait3A_704 = arith.constant 7680 : i32
    %dma_wait3A_705 = tpu.memref_slice %arg9[%dma_wait3A_704] : memref<10240xf32, #tpu.memory_space<vmem>> -> memref<640xf32, #tpu.memory_space<vmem>>
    %dma_wait3A_706 = arith.constant 0 : i32
    %dma_wait3A_707 = tpu.memref_slice %arg15[%dma_wait3A_703, %arg1, %dma_wait3A_706] : memref<16x16x640xf32, #tpu.memory_space<vmem_shared>> -> memref<1x1x640xf32, #tpu.memory_space<vmem_shared>>
    %dma_wait3A_708 = tpu.memref_squeeze %dma_wait3A_707 : memref<1x1x640xf32, #tpu.memory_space<vmem_shared>> -> memref<640xf32, #tpu.memory_space<vmem_shared>>
    %dma_wait3A_709 = arith.constant 0 : i32
    %dma_wait3A_710 = tpu.memref_slice %arg15[%dma_wait3A_703, %arg1, %dma_wait3A_709] : memref<16x16x640xf32, #tpu.memory_space<vmem_shared>> -> memref<1x1x640xf32, #tpu.memory_space<vmem_shared>>
    %dma_wait3A_711 = tpu.memref_squeeze %dma_wait3A_710 : memref<1x1x640xf32, #tpu.memory_space<vmem_shared>> -> memref<640xf32, #tpu.memory_space<vmem_shared>>
    %dma_wait3A_712 = arith.constant 7680 : i32
    %dma_wait3A_713 = tpu.memref_slice %arg9[%dma_wait3A_712] : memref<10240xf32, #tpu.memory_space<vmem>> -> memref<640xf32, #tpu.memory_space<vmem>>
    tpu.wait_dma2 semaphore(%arg17 : memref<!tpu.dma_semaphore, #tpu.memory_space<semaphore_mem>>) src(%dma_wait3A_713 : memref<640xf32, #tpu.memory_space<vmem>>) dst(%dma_wait3A_711 : memref<640xf32, #tpu.memory_space<vmem_shared>>)
    %dma_wait3A_714 = arith.constant 13 : i32
    %dma_wait3A_715 = arith.constant 8320 : i32
    %dma_wait3A_716 = tpu.memref_slice %arg9[%dma_wait3A_715] : memref<10240xf32, #tpu.memory_space<vmem>> -> memref<640xf32, #tpu.memory_space<vmem>>
    %dma_wait3A_717 = arith.constant 0 : i32
    %dma_wait3A_718 = tpu.memref_slice %arg15[%dma_wait3A_714, %arg1, %dma_wait3A_717] : memref<16x16x640xf32, #tpu.memory_space<vmem_shared>> -> memref<1x1x640xf32, #tpu.memory_space<vmem_shared>>
    %dma_wait3A_719 = tpu.memref_squeeze %dma_wait3A_718 : memref<1x1x640xf32, #tpu.memory_space<vmem_shared>> -> memref<640xf32, #tpu.memory_space<vmem_shared>>
    %dma_wait3A_720 = arith.constant 0 : i32
    %dma_wait3A_721 = tpu.memref_slice %arg15[%dma_wait3A_714, %arg1, %dma_wait3A_720] : memref<16x16x640xf32, #tpu.memory_space<vmem_shared>> -> memref<1x1x640xf32, #tpu.memory_space<vmem_shared>>
    %dma_wait3A_722 = tpu.memref_squeeze %dma_wait3A_721 : memref<1x1x640xf32, #tpu.memory_space<vmem_shared>> -> memref<640xf32, #tpu.memory_space<vmem_shared>>
    %dma_wait3A_723 = arith.constant 8320 : i32
    %dma_wait3A_724 = tpu.memref_slice %arg9[%dma_wait3A_723] : memref<10240xf32, #tpu.memory_space<vmem>> -> memref<640xf32, #tpu.memory_space<vmem>>
    tpu.wait_dma2 semaphore(%arg17 : memref<!tpu.dma_semaphore, #tpu.memory_space<semaphore_mem>>) src(%dma_wait3A_724 : memref<640xf32, #tpu.memory_space<vmem>>) dst(%dma_wait3A_722 : memref<640xf32, #tpu.memory_space<vmem_shared>>)
    %dma_wait3A_725 = arith.constant 14 : i32
    %dma_wait3A_726 = arith.constant 8960 : i32
    %dma_wait3A_727 = tpu.memref_slice %arg9[%dma_wait3A_726] : memref<10240xf32, #tpu.memory_space<vmem>> -> memref<640xf32, #tpu.memory_space<vmem>>
    %dma_wait3A_728 = arith.constant 0 : i32
    %dma_wait3A_729 = tpu.memref_slice %arg15[%dma_wait3A_725, %arg1, %dma_wait3A_728] : memref<16x16x640xf32, #tpu.memory_space<vmem_shared>> -> memref<1x1x640xf32, #tpu.memory_space<vmem_shared>>
    %dma_wait3A_730 = tpu.memref_squeeze %dma_wait3A_729 : memref<1x1x640xf32, #tpu.memory_space<vmem_shared>> -> memref<640xf32, #tpu.memory_space<vmem_shared>>
    %dma_wait3A_731 = arith.constant 0 : i32
    %dma_wait3A_732 = tpu.memref_slice %arg15[%dma_wait3A_725, %arg1, %dma_wait3A_731] : memref<16x16x640xf32, #tpu.memory_space<vmem_shared>> -> memref<1x1x640xf32, #tpu.memory_space<vmem_shared>>
    %dma_wait3A_733 = tpu.memref_squeeze %dma_wait3A_732 : memref<1x1x640xf32, #tpu.memory_space<vmem_shared>> -> memref<640xf32, #tpu.memory_space<vmem_shared>>
    %dma_wait3A_734 = arith.constant 8960 : i32
    %dma_wait3A_735 = tpu.memref_slice %arg9[%dma_wait3A_734] : memref<10240xf32, #tpu.memory_space<vmem>> -> memref<640xf32, #tpu.memory_space<vmem>>
    tpu.wait_dma2 semaphore(%arg17 : memref<!tpu.dma_semaphore, #tpu.memory_space<semaphore_mem>>) src(%dma_wait3A_735 : memref<640xf32, #tpu.memory_space<vmem>>) dst(%dma_wait3A_733 : memref<640xf32, #tpu.memory_space<vmem_shared>>)
    %dma_wait3A_736 = arith.constant 15 : i32
    %dma_wait3A_737 = arith.constant 9600 : i32
    %dma_wait3A_738 = tpu.memref_slice %arg9[%dma_wait3A_737] : memref<10240xf32, #tpu.memory_space<vmem>> -> memref<640xf32, #tpu.memory_space<vmem>>
    %dma_wait3A_739 = arith.constant 0 : i32
    %dma_wait3A_740 = tpu.memref_slice %arg15[%dma_wait3A_736, %arg1, %dma_wait3A_739] : memref<16x16x640xf32, #tpu.memory_space<vmem_shared>> -> memref<1x1x640xf32, #tpu.memory_space<vmem_shared>>
    %dma_wait3A_741 = tpu.memref_squeeze %dma_wait3A_740 : memref<1x1x640xf32, #tpu.memory_space<vmem_shared>> -> memref<640xf32, #tpu.memory_space<vmem_shared>>
    %dma_wait3A_742 = arith.constant 0 : i32
    %dma_wait3A_743 = tpu.memref_slice %arg15[%dma_wait3A_736, %arg1, %dma_wait3A_742] : memref<16x16x640xf32, #tpu.memory_space<vmem_shared>> -> memref<1x1x640xf32, #tpu.memory_space<vmem_shared>>
    %dma_wait3A_744 = tpu.memref_squeeze %dma_wait3A_743 : memref<1x1x640xf32, #tpu.memory_space<vmem_shared>> -> memref<640xf32, #tpu.memory_space<vmem_shared>>
    %dma_wait3A_745 = arith.constant 9600 : i32
    %dma_wait3A_746 = tpu.memref_slice %arg9[%dma_wait3A_745] : memref<10240xf32, #tpu.memory_space<vmem>> -> memref<640xf32, #tpu.memory_space<vmem>>
    tpu.wait_dma2 semaphore(%arg17 : memref<!tpu.dma_semaphore, #tpu.memory_space<semaphore_mem>>) src(%dma_wait3A_746 : memref<640xf32, #tpu.memory_space<vmem>>) dst(%dma_wait3A_744 : memref<640xf32, #tpu.memory_space<vmem_shared>>)
    %barrier3A_747 = arith.constant 0 : index
    tpu.barrier barrier_id(%barrier3A_747)
    "tpu.region"() ({
      %run_scoped3A = tpu.sem_alloc : memref<!tpu.dma_semaphore, #tpu.memory_space<semaphore_mem>>
      %dma_start3A_1128 = arith.constant 0 : i32
      %dma_start3A_1129 = arith.constant 0 : i32
      %dma_start3A_1130 = tpu.memref_slice %arg15[%arg1, %dma_start3A_1128, %dma_start3A_1129] : memref<16x16x640xf32, #tpu.memory_space<vmem_shared>> -> memref<1x16x640xf32, #tpu.memory_space<vmem_shared>>
      %dma_start3A_1131 = tpu.memref_squeeze %dma_start3A_1130 : memref<1x16x640xf32, #tpu.memory_space<vmem_shared>> -> memref<16x640xf32, #tpu.memory_space<vmem_shared>>
      %dma_start3A_1132 = arith.constant 0 : i32
      %dma_start3A_1133 = arith.constant 0 : i32
      %dma_start3A_1134 = tpu.memref_slice %arg15[%arg1, %dma_start3A_1132, %dma_start3A_1133] : memref<16x16x640xf32, #tpu.memory_space<vmem_shared>> -> memref<1x16x640xf32, #tpu.memory_space<vmem_shared>>
      %dma_start3A_1135 = tpu.memref_squeeze %dma_start3A_1134 : memref<1x16x640xf32, #tpu.memory_space<vmem_shared>> -> memref<16x640xf32, #tpu.memory_space<vmem_shared>>
      tpu.enqueue_dma source(%dma_start3A_1135 : memref<16x640xf32, #tpu.memory_space<vmem_shared>>) target(%arg12 : memref<16x640xf32, #tpu.memory_space<vmem>>) target_semaphore(%run_scoped3A : memref<!tpu.dma_semaphore, #tpu.memory_space<semaphore_mem>>)
      %dma_wait3A_1136 = arith.constant 0 : i32
      %dma_wait3A_1137 = arith.constant 0 : i32
      %dma_wait3A_1138 = tpu.memref_slice %arg15[%arg1, %dma_wait3A_1136, %dma_wait3A_1137] : memref<16x16x640xf32, #tpu.memory_space<vmem_shared>> -> memref<1x16x640xf32, #tpu.memory_space<vmem_shared>>
      %dma_wait3A_1139 = tpu.memref_squeeze %dma_wait3A_1138 : memref<1x16x640xf32, #tpu.memory_space<vmem_shared>> -> memref<16x640xf32, #tpu.memory_space<vmem_shared>>
      %dma_wait3A_1140 = arith.constant 0 : i32
      %dma_wait3A_1141 = arith.constant 0 : i32
      %dma_wait3A_1142 = tpu.memref_slice %arg15[%arg1, %dma_wait3A_1140, %dma_wait3A_1141] : memref<16x16x640xf32, #tpu.memory_space<vmem_shared>> -> memref<1x16x640xf32, #tpu.memory_space<vmem_shared>>
      %dma_wait3A_1143 = tpu.memref_squeeze %dma_wait3A_1142 : memref<1x16x640xf32, #tpu.memory_space<vmem_shared>> -> memref<16x640xf32, #tpu.memory_space<vmem_shared>>
      tpu.wait_dma2 semaphore(%run_scoped3A : memref<!tpu.dma_semaphore, #tpu.memory_space<semaphore_mem>>) src(%dma_wait3A_1143 : memref<16x640xf32, #tpu.memory_space<vmem_shared>>) dst(%arg12 : memref<16x640xf32, #tpu.memory_space<vmem>>)
      tpu.yield
    }) : () -> ()
    %get3A_748 = arith.constant 3 : i32
    %get3A_749 = arith.index_cast %get3A_748 : i32 to index
    %get3A_750 = arith.constant 0 : index
    %get3A_751 = tpu.vector_load %arg13[%get3A_749, %get3A_750] {strides = array<i32>} : memref<8x16xf32, #tpu.memory_space<vmem>>, vector<16xf32>,
    %get3A_752 = arith.constant 4 : i32
    %get3A_753 = arith.index_cast %get3A_752 : i32 to index
    %get3A_754 = arith.constant 0 : index
    %get3A_755 = tpu.vector_load %arg13[%get3A_753, %get3A_754] {strides = array<i32>} : memref<8x16xf32, #tpu.memory_space<vmem>>, vector<16xf32>,
    %get3A_756 = arith.constant 5 : i32
    %get3A_757 = arith.index_cast %get3A_756 : i32 to index
    %get3A_758 = arith.constant 0 : index
    %get3A_759 = tpu.vector_load %arg13[%get3A_757, %get3A_758] {strides = array<i32>} : memref<8x16xf32, #tpu.memory_space<vmem>>, vector<16xf32>,
    %parallel_loop3A_760 = arith.constant 0 : i32
    %parallel_loop3A_761 = arith.constant 640 : i32
    %parallel_loop3A_762 = arith.constant 16 : i32
    scf.for %parallel_loop3A_1128 = %parallel_loop3A_760 to %parallel_loop3A_761 step %parallel_loop3A_762  : i32 {
      %parallel_loop3A_1129 = tpu.assume_multiple %parallel_loop3A_1128, 16 : i32
      %parallel_loop3A_1130 = arith.constant 0 : i32
      %parallel_loop3A_1131 = arith.index_cast %parallel_loop3A_1130 : i32 to index
      %parallel_loop3A_1132 = arith.index_cast %parallel_loop3A_1129 : i32 to index
      %parallel_loop3A_1133 = tpu.vector_load %arg12[%parallel_loop3A_1131, %parallel_loop3A_1132] {strides = array<i32>} : memref<16x640xf32, #tpu.memory_space<vmem>>, vector<16xf32>,
      %parallel_loop3A_1134 = arith.constant 1 : i32
      %parallel_loop3A_1135 = arith.index_cast %parallel_loop3A_1134 : i32 to index
      %parallel_loop3A_1136 = arith.index_cast %parallel_loop3A_1129 : i32 to index
      %parallel_loop3A_1137 = tpu.vector_load %arg12[%parallel_loop3A_1135, %parallel_loop3A_1136] {strides = array<i32>} : memref<16x640xf32, #tpu.memory_space<vmem>>, vector<16xf32>,
      %parallel_loop3A_1138 = arith.addf %parallel_loop3A_1133, %parallel_loop3A_1137 : vector<16xf32>
      %parallel_loop3A_1139 = arith.constant 2 : i32
      %parallel_loop3A_1140 = arith.index_cast %parallel_loop3A_1139 : i32 to index
      %parallel_loop3A_1141 = arith.index_cast %parallel_loop3A_1129 : i32 to index
      %parallel_loop3A_1142 = tpu.vector_load %arg12[%parallel_loop3A_1140, %parallel_loop3A_1141] {strides = array<i32>} : memref<16x640xf32, #tpu.memory_space<vmem>>, vector<16xf32>,
      %parallel_loop3A_1143 = arith.addf %parallel_loop3A_1138, %parallel_loop3A_1142 : vector<16xf32>
      %parallel_loop3A_1144 = arith.constant 3 : i32
      %parallel_loop3A_1145 = arith.index_cast %parallel_loop3A_1144 : i32 to index
      %parallel_loop3A_1146 = arith.index_cast %parallel_loop3A_1129 : i32 to index
      %parallel_loop3A_1147 = tpu.vector_load %arg12[%parallel_loop3A_1145, %parallel_loop3A_1146] {strides = array<i32>} : memref<16x640xf32, #tpu.memory_space<vmem>>, vector<16xf32>,
      %parallel_loop3A_1148 = arith.addf %parallel_loop3A_1143, %parallel_loop3A_1147 : vector<16xf32>
      %parallel_loop3A_1149 = arith.constant 4 : i32
      %parallel_loop3A_1150 = arith.index_cast %parallel_loop3A_1149 : i32 to index
      %parallel_loop3A_1151 = arith.index_cast %parallel_loop3A_1129 : i32 to index
      %parallel_loop3A_1152 = tpu.vector_load %arg12[%parallel_loop3A_1150, %parallel_loop3A_1151] {strides = array<i32>} : memref<16x640xf32, #tpu.memory_space<vmem>>, vector<16xf32>,
      %parallel_loop3A_1153 = arith.addf %parallel_loop3A_1148, %parallel_loop3A_1152 : vector<16xf32>
      %parallel_loop3A_1154 = arith.constant 5 : i32
      %parallel_loop3A_1155 = arith.index_cast %parallel_loop3A_1154 : i32 to index
      %parallel_loop3A_1156 = arith.index_cast %parallel_loop3A_1129 : i32 to index
      %parallel_loop3A_1157 = tpu.vector_load %arg12[%parallel_loop3A_1155, %parallel_loop3A_1156] {strides = array<i32>} : memref<16x640xf32, #tpu.memory_space<vmem>>, vector<16xf32>,
      %parallel_loop3A_1158 = arith.addf %parallel_loop3A_1153, %parallel_loop3A_1157 : vector<16xf32>
      %parallel_loop3A_1159 = arith.constant 6 : i32
      %parallel_loop3A_1160 = arith.index_cast %parallel_loop3A_1159 : i32 to index
      %parallel_loop3A_1161 = arith.index_cast %parallel_loop3A_1129 : i32 to index
      %parallel_loop3A_1162 = tpu.vector_load %arg12[%parallel_loop3A_1160, %parallel_loop3A_1161] {strides = array<i32>} : memref<16x640xf32, #tpu.memory_space<vmem>>, vector<16xf32>,
      %parallel_loop3A_1163 = arith.addf %parallel_loop3A_1158, %parallel_loop3A_1162 : vector<16xf32>
      %parallel_loop3A_1164 = arith.constant 7 : i32
      %parallel_loop3A_1165 = arith.index_cast %parallel_loop3A_1164 : i32 to index
      %parallel_loop3A_1166 = arith.index_cast %parallel_loop3A_1129 : i32 to index
      %parallel_loop3A_1167 = tpu.vector_load %arg12[%parallel_loop3A_1165, %parallel_loop3A_1166] {strides = array<i32>} : memref<16x640xf32, #tpu.memory_space<vmem>>, vector<16xf32>,
      %parallel_loop3A_1168 = arith.addf %parallel_loop3A_1163, %parallel_loop3A_1167 : vector<16xf32>
      %parallel_loop3A_1169 = arith.constant 8 : i32
      %parallel_loop3A_1170 = arith.index_cast %parallel_loop3A_1169 : i32 to index
      %parallel_loop3A_1171 = arith.index_cast %parallel_loop3A_1129 : i32 to index
      %parallel_loop3A_1172 = tpu.vector_load %arg12[%parallel_loop3A_1170, %parallel_loop3A_1171] {strides = array<i32>} : memref<16x640xf32, #tpu.memory_space<vmem>>, vector<16xf32>,
      %parallel_loop3A_1173 = arith.addf %parallel_loop3A_1168, %parallel_loop3A_1172 : vector<16xf32>
      %parallel_loop3A_1174 = arith.constant 9 : i32
      %parallel_loop3A_1175 = arith.index_cast %parallel_loop3A_1174 : i32 to index
      %parallel_loop3A_1176 = arith.index_cast %parallel_loop3A_1129 : i32 to index
      %parallel_loop3A_1177 = tpu.vector_load %arg12[%parallel_loop3A_1175, %parallel_loop3A_1176] {strides = array<i32>} : memref<16x640xf32, #tpu.memory_space<vmem>>, vector<16xf32>,
      %parallel_loop3A_1178 = arith.addf %parallel_loop3A_1173, %parallel_loop3A_1177 : vector<16xf32>
      %parallel_loop3A_1179 = arith.constant 10 : i32
      %parallel_loop3A_1180 = arith.index_cast %parallel_loop3A_1179 : i32 to index
      %parallel_loop3A_1181 = arith.index_cast %parallel_loop3A_1129 : i32 to index
      %parallel_loop3A_1182 = tpu.vector_load %arg12[%parallel_loop3A_1180, %parallel_loop3A_1181] {strides = array<i32>} : memref<16x640xf32, #tpu.memory_space<vmem>>, vector<16xf32>,
      %parallel_loop3A_1183 = arith.addf %parallel_loop3A_1178, %parallel_loop3A_1182 : vector<16xf32>
      %parallel_loop3A_1184 = arith.constant 11 : i32
      %parallel_loop3A_1185 = arith.index_cast %parallel_loop3A_1184 : i32 to index
      %parallel_loop3A_1186 = arith.index_cast %parallel_loop3A_1129 : i32 to index
      %parallel_loop3A_1187 = tpu.vector_load %arg12[%parallel_loop3A_1185, %parallel_loop3A_1186] {strides = array<i32>} : memref<16x640xf32, #tpu.memory_space<vmem>>, vector<16xf32>,
      %parallel_loop3A_1188 = arith.addf %parallel_loop3A_1183, %parallel_loop3A_1187 : vector<16xf32>
      %parallel_loop3A_1189 = arith.constant 12 : i32
      %parallel_loop3A_1190 = arith.index_cast %parallel_loop3A_1189 : i32 to index
      %parallel_loop3A_1191 = arith.index_cast %parallel_loop3A_1129 : i32 to index
      %parallel_loop3A_1192 = tpu.vector_load %arg12[%parallel_loop3A_1190, %parallel_loop3A_1191] {strides = array<i32>} : memref<16x640xf32, #tpu.memory_space<vmem>>, vector<16xf32>,
      %parallel_loop3A_1193 = arith.addf %parallel_loop3A_1188, %parallel_loop3A_1192 : vector<16xf32>
      %parallel_loop3A_1194 = arith.constant 13 : i32
      %parallel_loop3A_1195 = arith.index_cast %parallel_loop3A_1194 : i32 to index
      %parallel_loop3A_1196 = arith.index_cast %parallel_loop3A_1129 : i32 to index
      %parallel_loop3A_1197 = tpu.vector_load %arg12[%parallel_loop3A_1195, %parallel_loop3A_1196] {strides = array<i32>} : memref<16x640xf32, #tpu.memory_space<vmem>>, vector<16xf32>,
      %parallel_loop3A_1198 = arith.addf %parallel_loop3A_1193, %parallel_loop3A_1197 : vector<16xf32>
      %parallel_loop3A_1199 = arith.constant 14 : i32
      %parallel_loop3A_1200 = arith.index_cast %parallel_loop3A_1199 : i32 to index
      %parallel_loop3A_1201 = arith.index_cast %parallel_loop3A_1129 : i32 to index
      %parallel_loop3A_1202 = tpu.vector_load %arg12[%parallel_loop3A_1200, %parallel_loop3A_1201] {strides = array<i32>} : memref<16x640xf32, #tpu.memory_space<vmem>>, vector<16xf32>,
      %parallel_loop3A_1203 = arith.addf %parallel_loop3A_1198, %parallel_loop3A_1202 : vector<16xf32>
      %parallel_loop3A_1204 = arith.constant 15 : i32
      %parallel_loop3A_1205 = arith.index_cast %parallel_loop3A_1204 : i32 to index
      %parallel_loop3A_1206 = arith.index_cast %parallel_loop3A_1129 : i32 to index
      %parallel_loop3A_1207 = tpu.vector_load %arg12[%parallel_loop3A_1205, %parallel_loop3A_1206] {strides = array<i32>} : memref<16x640xf32, #tpu.memory_space<vmem>>, vector<16xf32>,
      %parallel_loop3A_1208 = arith.addf %parallel_loop3A_1203, %parallel_loop3A_1207 : vector<16xf32>
      %parallel_loop3A_1209 = arith.index_cast %parallel_loop3A_1129 : i32 to index
      %parallel_loop3A_1210 = tpu.vector_load %arg10[%parallel_loop3A_1209] {strides = array<i32>} : memref<640xf32, #tpu.memory_space<vmem>>, vector<16xf32>,
      %parallel_loop3A_1211 = arith.addf %parallel_loop3A_1208, %parallel_loop3A_1210 : vector<16xf32>
      %parallel_loop3A_1212 = arith.constant 0.000000e+00 : f32
      %parallel_loop3A_1213 = vector.broadcast %parallel_loop3A_1212 : f32 to vector<16xf32>
      %parallel_loop3A_1214 = arith.maximumf %parallel_loop3A_1211, %parallel_loop3A_1213 : vector<16xf32>
      %parallel_loop3A_1215 = arith.mulf %get3A_751, %parallel_loop3A_1214 : vector<16xf32>
      %parallel_loop3A_1216 = arith.index_cast %parallel_loop3A_1129 : i32 to index
      %parallel_loop3A_1217 = tpu.vector_load %arg11[%parallel_loop3A_1216] {strides = array<i32>} : memref<640xf32, #tpu.memory_space<vmem>>, vector<16xf32>,
      tpu.vector_store %arg11[%parallel_loop3A_1216], %parallel_loop3A_1215 {strides = array<i32>} : memref<640xf32, #tpu.memory_space<vmem>>, vector<16xf32>,
      %parallel_loop3A_1218 = arith.mulf %get3A_755, %parallel_loop3A_1214 : vector<16xf32>
      %parallel_loop3A_1219 = arith.addf %parallel_loop3A_1218, %get3A_759 : vector<16xf32>
      %parallel_loop3A_1220 = arith.index_cast %parallel_loop3A_1129 : i32 to index
      %parallel_loop3A_1221 = tpu.vector_load %arg10[%parallel_loop3A_1220] {strides = array<i32>} : memref<640xf32, #tpu.memory_space<vmem>>, vector<16xf32>,
      tpu.vector_store %arg10[%parallel_loop3A_1220], %parallel_loop3A_1219 {strides = array<i32>} : memref<640xf32, #tpu.memory_space<vmem>>, vector<16xf32>,
    } {sc.loop_unroll_factor = 2 : i64, sc.parallel_access}
    "tpu.region"() ({
      %run_scoped3A = tpu.sem_alloc : memref<!tpu.dma_semaphore, #tpu.memory_space<semaphore_mem>>
      %dma_start3A_1128 = tpu.memref_slice %arg16[%mul3A_2] : memref<10240xf32, #tpu.memory_space<vmem_shared>> -> memref<640xf32, #tpu.memory_space<vmem_shared>>
      %dma_start3A_1129 = tpu.memref_slice %arg16[%mul3A_2] : memref<10240xf32, #tpu.memory_space<vmem_shared>> -> memref<640xf32, #tpu.memory_space<vmem_shared>>
      tpu.enqueue_dma source(%arg11 : memref<640xf32, #tpu.memory_space<vmem>>) target(%dma_start3A_1129 : memref<640xf32, #tpu.memory_space<vmem_shared>>) target_semaphore(%run_scoped3A : memref<!tpu.dma_semaphore, #tpu.memory_space<semaphore_mem>>)
      %dma_wait3A_1130 = tpu.memref_slice %arg16[%mul3A_2] : memref<10240xf32, #tpu.memory_space<vmem_shared>> -> memref<640xf32, #tpu.memory_space<vmem_shared>>
      %dma_wait3A_1131 = tpu.memref_slice %arg16[%mul3A_2] : memref<10240xf32, #tpu.memory_space<vmem_shared>> -> memref<640xf32, #tpu.memory_space<vmem_shared>>
      tpu.wait_dma2 semaphore(%run_scoped3A : memref<!tpu.dma_semaphore, #tpu.memory_space<semaphore_mem>>) src(%arg11 : memref<640xf32, #tpu.memory_space<vmem>>) dst(%dma_wait3A_1131 : memref<640xf32, #tpu.memory_space<vmem_shared>>)
      tpu.yield
    }) : () -> ()
    %barrier3A_763 = arith.constant 0 : index
    tpu.barrier barrier_id(%barrier3A_763)
    tpu.enqueue_dma source(%arg16 : memref<10240xf32, #tpu.memory_space<vmem_shared>>) target(%arg8 : memref<10240xf32, #tpu.memory_space<vmem>>) target_semaphore(%arg17 : memref<!tpu.dma_semaphore, #tpu.memory_space<semaphore_mem>>)
    %parallel_loop3A_764 = arith.constant 0 : i32
    %parallel_loop3A_765 = arith.constant 10240 : i32
    %parallel_loop3A_766 = arith.constant 16 : i32
    scf.for %parallel_loop3A_1128 = %parallel_loop3A_764 to %parallel_loop3A_765 step %parallel_loop3A_766  : i32 {
      %parallel_loop3A_1129 = arith.constant 0.000000e+00 : f32
      %parallel_loop3A_1130 = vector.broadcast %parallel_loop3A_1129 : f32 to vector<16xf32>
      %parallel_loop3A_1131 = tpu.assume_multiple %parallel_loop3A_1128, 16 : i32
      %parallel_loop3A_1132 = arith.index_cast %parallel_loop3A_1131 : i32 to index
      %parallel_loop3A_1133 = tpu.vector_load %arg9[%parallel_loop3A_1132] {strides = array<i32>} : memref<10240xf32, #tpu.memory_space<vmem>>, vector<16xf32>,
      tpu.vector_store %arg9[%parallel_loop3A_1132], %parallel_loop3A_1130 {strides = array<i32>} : memref<10240xf32, #tpu.memory_space<vmem>>, vector<16xf32>,
    } {sc.loop_unroll_factor = 8 : i64, sc.parallel_access}
    tpu.wait_dma2 semaphore(%arg17 : memref<!tpu.dma_semaphore, #tpu.memory_space<semaphore_mem>>) src(%arg16 : memref<10240xf32, #tpu.memory_space<vmem_shared>>) dst(%arg8 : memref<10240xf32, #tpu.memory_space<vmem>>)
    %parallel_loop3A_767 = arith.constant 0 : i32
    %parallel_loop3A_768 = arith.constant 20000 : i32
    %parallel_loop3A_769 = arith.constant 16 : i32
    scf.for %parallel_loop3A_1128 = %parallel_loop3A_767 to %parallel_loop3A_768 step %parallel_loop3A_769  : i32 {
      %parallel_loop3A_1129 = tpu.assume_multiple %parallel_loop3A_1128, 16 : i32
      %parallel_loop3A_1130 = arith.index_cast %parallel_loop3A_1129 : i32 to index
      %parallel_loop3A_1131 = tpu.vector_load %arg7[%parallel_loop3A_1130] {strides = array<i32>} : memref<20000xi32, #tpu.memory_space<vmem>>, vector<16xi32>,
      %parallel_loop3A_1132 = arith.constant 65535 : i32
      %parallel_loop3A_1133 = vector.broadcast %parallel_loop3A_1132 : i32 to vector<16xi32>
      %parallel_loop3A_1134 = arith.andi %parallel_loop3A_1131, %parallel_loop3A_1133 : vector<16xi32>
      %parallel_loop3A_1135 = arith.constant 16 : i32
      %parallel_loop3A_1136 = vector.broadcast %parallel_loop3A_1135 : i32 to vector<16xi32>
      %parallel_loop3A_1137 = arith.shrsi %parallel_loop3A_1131, %parallel_loop3A_1136 : vector<16xi32>
      %parallel_loop3A_1138 = tpu.vector_load_idx %arg8[%parallel_loop3A_1134] : memref<10240xf32, #tpu.memory_space<vmem>>[vector<16xi32>], vector<16xf32>,
      tpu.vector_store_idx %arg9[%parallel_loop3A_1137], %parallel_loop3A_1138 {add = true} : memref<10240xf32, #tpu.memory_space<vmem>>[vector<16xi32>], vector<16xf32>,
    } {sc.loop_unroll_factor = 8 : i64, sc.parallel_access}
    %dma_start3A_770 = arith.constant 0 : i32
    %dma_start3A_771 = arith.constant 0 : i32
    %dma_start3A_772 = tpu.memref_slice %arg9[%dma_start3A_771] : memref<10240xf32, #tpu.memory_space<vmem>> -> memref<640xf32, #tpu.memory_space<vmem>>
    %dma_start3A_773 = arith.constant 0 : i32
    %dma_start3A_774 = tpu.memref_slice %arg15[%dma_start3A_770, %arg1, %dma_start3A_773] : memref<16x16x640xf32, #tpu.memory_space<vmem_shared>> -> memref<1x1x640xf32, #tpu.memory_space<vmem_shared>>
    %dma_start3A_775 = tpu.memref_squeeze %dma_start3A_774 : memref<1x1x640xf32, #tpu.memory_space<vmem_shared>> -> memref<640xf32, #tpu.memory_space<vmem_shared>>
    %dma_start3A_776 = arith.constant 0 : i32
    %dma_start3A_777 = tpu.memref_slice %arg15[%dma_start3A_770, %arg1, %dma_start3A_776] : memref<16x16x640xf32, #tpu.memory_space<vmem_shared>> -> memref<1x1x640xf32, #tpu.memory_space<vmem_shared>>
    %dma_start3A_778 = tpu.memref_squeeze %dma_start3A_777 : memref<1x1x640xf32, #tpu.memory_space<vmem_shared>> -> memref<640xf32, #tpu.memory_space<vmem_shared>>
    %dma_start3A_779 = arith.constant 0 : i32
    %dma_start3A_780 = tpu.memref_slice %arg9[%dma_start3A_779] : memref<10240xf32, #tpu.memory_space<vmem>> -> memref<640xf32, #tpu.memory_space<vmem>>
    tpu.enqueue_dma source(%dma_start3A_780 : memref<640xf32, #tpu.memory_space<vmem>>) target(%dma_start3A_778 : memref<640xf32, #tpu.memory_space<vmem_shared>>) target_semaphore(%arg17 : memref<!tpu.dma_semaphore, #tpu.memory_space<semaphore_mem>>)
    %dma_start3A_781 = arith.constant 1 : i32
    %dma_start3A_782 = arith.constant 640 : i32
    %dma_start3A_783 = tpu.memref_slice %arg9[%dma_start3A_782] : memref<10240xf32, #tpu.memory_space<vmem>> -> memref<640xf32, #tpu.memory_space<vmem>>
    %dma_start3A_784 = arith.constant 0 : i32
    %dma_start3A_785 = tpu.memref_slice %arg15[%dma_start3A_781, %arg1, %dma_start3A_784] : memref<16x16x640xf32, #tpu.memory_space<vmem_shared>> -> memref<1x1x640xf32, #tpu.memory_space<vmem_shared>>
    %dma_start3A_786 = tpu.memref_squeeze %dma_start3A_785 : memref<1x1x640xf32, #tpu.memory_space<vmem_shared>> -> memref<640xf32, #tpu.memory_space<vmem_shared>>
    %dma_start3A_787 = arith.constant 0 : i32
    %dma_start3A_788 = tpu.memref_slice %arg15[%dma_start3A_781, %arg1, %dma_start3A_787] : memref<16x16x640xf32, #tpu.memory_space<vmem_shared>> -> memref<1x1x640xf32, #tpu.memory_space<vmem_shared>>
    %dma_start3A_789 = tpu.memref_squeeze %dma_start3A_788 : memref<1x1x640xf32, #tpu.memory_space<vmem_shared>> -> memref<640xf32, #tpu.memory_space<vmem_shared>>
    %dma_start3A_790 = arith.constant 640 : i32
    %dma_start3A_791 = tpu.memref_slice %arg9[%dma_start3A_790] : memref<10240xf32, #tpu.memory_space<vmem>> -> memref<640xf32, #tpu.memory_space<vmem>>
    tpu.enqueue_dma source(%dma_start3A_791 : memref<640xf32, #tpu.memory_space<vmem>>) target(%dma_start3A_789 : memref<640xf32, #tpu.memory_space<vmem_shared>>) target_semaphore(%arg17 : memref<!tpu.dma_semaphore, #tpu.memory_space<semaphore_mem>>)
    %dma_start3A_792 = arith.constant 2 : i32
    %dma_start3A_793 = arith.constant 1280 : i32
    %dma_start3A_794 = tpu.memref_slice %arg9[%dma_start3A_793] : memref<10240xf32, #tpu.memory_space<vmem>> -> memref<640xf32, #tpu.memory_space<vmem>>
    %dma_start3A_795 = arith.constant 0 : i32
    %dma_start3A_796 = tpu.memref_slice %arg15[%dma_start3A_792, %arg1, %dma_start3A_795] : memref<16x16x640xf32, #tpu.memory_space<vmem_shared>> -> memref<1x1x640xf32, #tpu.memory_space<vmem_shared>>
    %dma_start3A_797 = tpu.memref_squeeze %dma_start3A_796 : memref<1x1x640xf32, #tpu.memory_space<vmem_shared>> -> memref<640xf32, #tpu.memory_space<vmem_shared>>
    %dma_start3A_798 = arith.constant 0 : i32
    %dma_start3A_799 = tpu.memref_slice %arg15[%dma_start3A_792, %arg1, %dma_start3A_798] : memref<16x16x640xf32, #tpu.memory_space<vmem_shared>> -> memref<1x1x640xf32, #tpu.memory_space<vmem_shared>>
    %dma_start3A_800 = tpu.memref_squeeze %dma_start3A_799 : memref<1x1x640xf32, #tpu.memory_space<vmem_shared>> -> memref<640xf32, #tpu.memory_space<vmem_shared>>
    %dma_start3A_801 = arith.constant 1280 : i32
    %dma_start3A_802 = tpu.memref_slice %arg9[%dma_start3A_801] : memref<10240xf32, #tpu.memory_space<vmem>> -> memref<640xf32, #tpu.memory_space<vmem>>
    tpu.enqueue_dma source(%dma_start3A_802 : memref<640xf32, #tpu.memory_space<vmem>>) target(%dma_start3A_800 : memref<640xf32, #tpu.memory_space<vmem_shared>>) target_semaphore(%arg17 : memref<!tpu.dma_semaphore, #tpu.memory_space<semaphore_mem>>)
    %dma_start3A_803 = arith.constant 3 : i32
    %dma_start3A_804 = arith.constant 1920 : i32
    %dma_start3A_805 = tpu.memref_slice %arg9[%dma_start3A_804] : memref<10240xf32, #tpu.memory_space<vmem>> -> memref<640xf32, #tpu.memory_space<vmem>>
    %dma_start3A_806 = arith.constant 0 : i32
    %dma_start3A_807 = tpu.memref_slice %arg15[%dma_start3A_803, %arg1, %dma_start3A_806] : memref<16x16x640xf32, #tpu.memory_space<vmem_shared>> -> memref<1x1x640xf32, #tpu.memory_space<vmem_shared>>
    %dma_start3A_808 = tpu.memref_squeeze %dma_start3A_807 : memref<1x1x640xf32, #tpu.memory_space<vmem_shared>> -> memref<640xf32, #tpu.memory_space<vmem_shared>>
    %dma_start3A_809 = arith.constant 0 : i32
    %dma_start3A_810 = tpu.memref_slice %arg15[%dma_start3A_803, %arg1, %dma_start3A_809] : memref<16x16x640xf32, #tpu.memory_space<vmem_shared>> -> memref<1x1x640xf32, #tpu.memory_space<vmem_shared>>
    %dma_start3A_811 = tpu.memref_squeeze %dma_start3A_810 : memref<1x1x640xf32, #tpu.memory_space<vmem_shared>> -> memref<640xf32, #tpu.memory_space<vmem_shared>>
    %dma_start3A_812 = arith.constant 1920 : i32
    %dma_start3A_813 = tpu.memref_slice %arg9[%dma_start3A_812] : memref<10240xf32, #tpu.memory_space<vmem>> -> memref<640xf32, #tpu.memory_space<vmem>>
    tpu.enqueue_dma source(%dma_start3A_813 : memref<640xf32, #tpu.memory_space<vmem>>) target(%dma_start3A_811 : memref<640xf32, #tpu.memory_space<vmem_shared>>) target_semaphore(%arg17 : memref<!tpu.dma_semaphore, #tpu.memory_space<semaphore_mem>>)
    %dma_start3A_814 = arith.constant 4 : i32
    %dma_start3A_815 = arith.constant 2560 : i32
    %dma_start3A_816 = tpu.memref_slice %arg9[%dma_start3A_815] : memref<10240xf32, #tpu.memory_space<vmem>> -> memref<640xf32, #tpu.memory_space<vmem>>
    %dma_start3A_817 = arith.constant 0 : i32
    %dma_start3A_818 = tpu.memref_slice %arg15[%dma_start3A_814, %arg1, %dma_start3A_817] : memref<16x16x640xf32, #tpu.memory_space<vmem_shared>> -> memref<1x1x640xf32, #tpu.memory_space<vmem_shared>>
    %dma_start3A_819 = tpu.memref_squeeze %dma_start3A_818 : memref<1x1x640xf32, #tpu.memory_space<vmem_shared>> -> memref<640xf32, #tpu.memory_space<vmem_shared>>
    %dma_start3A_820 = arith.constant 0 : i32
    %dma_start3A_821 = tpu.memref_slice %arg15[%dma_start3A_814, %arg1, %dma_start3A_820] : memref<16x16x640xf32, #tpu.memory_space<vmem_shared>> -> memref<1x1x640xf32, #tpu.memory_space<vmem_shared>>
    %dma_start3A_822 = tpu.memref_squeeze %dma_start3A_821 : memref<1x1x640xf32, #tpu.memory_space<vmem_shared>> -> memref<640xf32, #tpu.memory_space<vmem_shared>>
    %dma_start3A_823 = arith.constant 2560 : i32
    %dma_start3A_824 = tpu.memref_slice %arg9[%dma_start3A_823] : memref<10240xf32, #tpu.memory_space<vmem>> -> memref<640xf32, #tpu.memory_space<vmem>>
    tpu.enqueue_dma source(%dma_start3A_824 : memref<640xf32, #tpu.memory_space<vmem>>) target(%dma_start3A_822 : memref<640xf32, #tpu.memory_space<vmem_shared>>) target_semaphore(%arg17 : memref<!tpu.dma_semaphore, #tpu.memory_space<semaphore_mem>>)
    %dma_start3A_825 = arith.constant 5 : i32
    %dma_start3A_826 = arith.constant 3200 : i32
    %dma_start3A_827 = tpu.memref_slice %arg9[%dma_start3A_826] : memref<10240xf32, #tpu.memory_space<vmem>> -> memref<640xf32, #tpu.memory_space<vmem>>
    %dma_start3A_828 = arith.constant 0 : i32
    %dma_start3A_829 = tpu.memref_slice %arg15[%dma_start3A_825, %arg1, %dma_start3A_828] : memref<16x16x640xf32, #tpu.memory_space<vmem_shared>> -> memref<1x1x640xf32, #tpu.memory_space<vmem_shared>>
    %dma_start3A_830 = tpu.memref_squeeze %dma_start3A_829 : memref<1x1x640xf32, #tpu.memory_space<vmem_shared>> -> memref<640xf32, #tpu.memory_space<vmem_shared>>
    %dma_start3A_831 = arith.constant 0 : i32
    %dma_start3A_832 = tpu.memref_slice %arg15[%dma_start3A_825, %arg1, %dma_start3A_831] : memref<16x16x640xf32, #tpu.memory_space<vmem_shared>> -> memref<1x1x640xf32, #tpu.memory_space<vmem_shared>>
    %dma_start3A_833 = tpu.memref_squeeze %dma_start3A_832 : memref<1x1x640xf32, #tpu.memory_space<vmem_shared>> -> memref<640xf32, #tpu.memory_space<vmem_shared>>
    %dma_start3A_834 = arith.constant 3200 : i32
    %dma_start3A_835 = tpu.memref_slice %arg9[%dma_start3A_834] : memref<10240xf32, #tpu.memory_space<vmem>> -> memref<640xf32, #tpu.memory_space<vmem>>
    tpu.enqueue_dma source(%dma_start3A_835 : memref<640xf32, #tpu.memory_space<vmem>>) target(%dma_start3A_833 : memref<640xf32, #tpu.memory_space<vmem_shared>>) target_semaphore(%arg17 : memref<!tpu.dma_semaphore, #tpu.memory_space<semaphore_mem>>)
    %dma_start3A_836 = arith.constant 6 : i32
    %dma_start3A_837 = arith.constant 3840 : i32
    %dma_start3A_838 = tpu.memref_slice %arg9[%dma_start3A_837] : memref<10240xf32, #tpu.memory_space<vmem>> -> memref<640xf32, #tpu.memory_space<vmem>>
    %dma_start3A_839 = arith.constant 0 : i32
    %dma_start3A_840 = tpu.memref_slice %arg15[%dma_start3A_836, %arg1, %dma_start3A_839] : memref<16x16x640xf32, #tpu.memory_space<vmem_shared>> -> memref<1x1x640xf32, #tpu.memory_space<vmem_shared>>
    %dma_start3A_841 = tpu.memref_squeeze %dma_start3A_840 : memref<1x1x640xf32, #tpu.memory_space<vmem_shared>> -> memref<640xf32, #tpu.memory_space<vmem_shared>>
    %dma_start3A_842 = arith.constant 0 : i32
    %dma_start3A_843 = tpu.memref_slice %arg15[%dma_start3A_836, %arg1, %dma_start3A_842] : memref<16x16x640xf32, #tpu.memory_space<vmem_shared>> -> memref<1x1x640xf32, #tpu.memory_space<vmem_shared>>
    %dma_start3A_844 = tpu.memref_squeeze %dma_start3A_843 : memref<1x1x640xf32, #tpu.memory_space<vmem_shared>> -> memref<640xf32, #tpu.memory_space<vmem_shared>>
    %dma_start3A_845 = arith.constant 3840 : i32
    %dma_start3A_846 = tpu.memref_slice %arg9[%dma_start3A_845] : memref<10240xf32, #tpu.memory_space<vmem>> -> memref<640xf32, #tpu.memory_space<vmem>>
    tpu.enqueue_dma source(%dma_start3A_846 : memref<640xf32, #tpu.memory_space<vmem>>) target(%dma_start3A_844 : memref<640xf32, #tpu.memory_space<vmem_shared>>) target_semaphore(%arg17 : memref<!tpu.dma_semaphore, #tpu.memory_space<semaphore_mem>>)
    %dma_start3A_847 = arith.constant 7 : i32
    %dma_start3A_848 = arith.constant 4480 : i32
    %dma_start3A_849 = tpu.memref_slice %arg9[%dma_start3A_848] : memref<10240xf32, #tpu.memory_space<vmem>> -> memref<640xf32, #tpu.memory_space<vmem>>
    %dma_start3A_850 = arith.constant 0 : i32
    %dma_start3A_851 = tpu.memref_slice %arg15[%dma_start3A_847, %arg1, %dma_start3A_850] : memref<16x16x640xf32, #tpu.memory_space<vmem_shared>> -> memref<1x1x640xf32, #tpu.memory_space<vmem_shared>>
    %dma_start3A_852 = tpu.memref_squeeze %dma_start3A_851 : memref<1x1x640xf32, #tpu.memory_space<vmem_shared>> -> memref<640xf32, #tpu.memory_space<vmem_shared>>
    %dma_start3A_853 = arith.constant 0 : i32
    %dma_start3A_854 = tpu.memref_slice %arg15[%dma_start3A_847, %arg1, %dma_start3A_853] : memref<16x16x640xf32, #tpu.memory_space<vmem_shared>> -> memref<1x1x640xf32, #tpu.memory_space<vmem_shared>>
    %dma_start3A_855 = tpu.memref_squeeze %dma_start3A_854 : memref<1x1x640xf32, #tpu.memory_space<vmem_shared>> -> memref<640xf32, #tpu.memory_space<vmem_shared>>
    %dma_start3A_856 = arith.constant 4480 : i32
    %dma_start3A_857 = tpu.memref_slice %arg9[%dma_start3A_856] : memref<10240xf32, #tpu.memory_space<vmem>> -> memref<640xf32, #tpu.memory_space<vmem>>
    tpu.enqueue_dma source(%dma_start3A_857 : memref<640xf32, #tpu.memory_space<vmem>>) target(%dma_start3A_855 : memref<640xf32, #tpu.memory_space<vmem_shared>>) target_semaphore(%arg17 : memref<!tpu.dma_semaphore, #tpu.memory_space<semaphore_mem>>)
    %dma_start3A_858 = arith.constant 8 : i32
    %dma_start3A_859 = arith.constant 5120 : i32
    %dma_start3A_860 = tpu.memref_slice %arg9[%dma_start3A_859] : memref<10240xf32, #tpu.memory_space<vmem>> -> memref<640xf32, #tpu.memory_space<vmem>>
    %dma_start3A_861 = arith.constant 0 : i32
    %dma_start3A_862 = tpu.memref_slice %arg15[%dma_start3A_858, %arg1, %dma_start3A_861] : memref<16x16x640xf32, #tpu.memory_space<vmem_shared>> -> memref<1x1x640xf32, #tpu.memory_space<vmem_shared>>
    %dma_start3A_863 = tpu.memref_squeeze %dma_start3A_862 : memref<1x1x640xf32, #tpu.memory_space<vmem_shared>> -> memref<640xf32, #tpu.memory_space<vmem_shared>>
    %dma_start3A_864 = arith.constant 0 : i32
    %dma_start3A_865 = tpu.memref_slice %arg15[%dma_start3A_858, %arg1, %dma_start3A_864] : memref<16x16x640xf32, #tpu.memory_space<vmem_shared>> -> memref<1x1x640xf32, #tpu.memory_space<vmem_shared>>
    %dma_start3A_866 = tpu.memref_squeeze %dma_start3A_865 : memref<1x1x640xf32, #tpu.memory_space<vmem_shared>> -> memref<640xf32, #tpu.memory_space<vmem_shared>>
    %dma_start3A_867 = arith.constant 5120 : i32
    %dma_start3A_868 = tpu.memref_slice %arg9[%dma_start3A_867] : memref<10240xf32, #tpu.memory_space<vmem>> -> memref<640xf32, #tpu.memory_space<vmem>>
    tpu.enqueue_dma source(%dma_start3A_868 : memref<640xf32, #tpu.memory_space<vmem>>) target(%dma_start3A_866 : memref<640xf32, #tpu.memory_space<vmem_shared>>) target_semaphore(%arg17 : memref<!tpu.dma_semaphore, #tpu.memory_space<semaphore_mem>>)
    %dma_start3A_869 = arith.constant 9 : i32
    %dma_start3A_870 = arith.constant 5760 : i32
    %dma_start3A_871 = tpu.memref_slice %arg9[%dma_start3A_870] : memref<10240xf32, #tpu.memory_space<vmem>> -> memref<640xf32, #tpu.memory_space<vmem>>
    %dma_start3A_872 = arith.constant 0 : i32
    %dma_start3A_873 = tpu.memref_slice %arg15[%dma_start3A_869, %arg1, %dma_start3A_872] : memref<16x16x640xf32, #tpu.memory_space<vmem_shared>> -> memref<1x1x640xf32, #tpu.memory_space<vmem_shared>>
    %dma_start3A_874 = tpu.memref_squeeze %dma_start3A_873 : memref<1x1x640xf32, #tpu.memory_space<vmem_shared>> -> memref<640xf32, #tpu.memory_space<vmem_shared>>
    %dma_start3A_875 = arith.constant 0 : i32
    %dma_start3A_876 = tpu.memref_slice %arg15[%dma_start3A_869, %arg1, %dma_start3A_875] : memref<16x16x640xf32, #tpu.memory_space<vmem_shared>> -> memref<1x1x640xf32, #tpu.memory_space<vmem_shared>>
    %dma_start3A_877 = tpu.memref_squeeze %dma_start3A_876 : memref<1x1x640xf32, #tpu.memory_space<vmem_shared>> -> memref<640xf32, #tpu.memory_space<vmem_shared>>
    %dma_start3A_878 = arith.constant 5760 : i32
    %dma_start3A_879 = tpu.memref_slice %arg9[%dma_start3A_878] : memref<10240xf32, #tpu.memory_space<vmem>> -> memref<640xf32, #tpu.memory_space<vmem>>
    tpu.enqueue_dma source(%dma_start3A_879 : memref<640xf32, #tpu.memory_space<vmem>>) target(%dma_start3A_877 : memref<640xf32, #tpu.memory_space<vmem_shared>>) target_semaphore(%arg17 : memref<!tpu.dma_semaphore, #tpu.memory_space<semaphore_mem>>)
    %dma_start3A_880 = arith.constant 10 : i32
    %dma_start3A_881 = arith.constant 6400 : i32
    %dma_start3A_882 = tpu.memref_slice %arg9[%dma_start3A_881] : memref<10240xf32, #tpu.memory_space<vmem>> -> memref<640xf32, #tpu.memory_space<vmem>>
    %dma_start3A_883 = arith.constant 0 : i32
    %dma_start3A_884 = tpu.memref_slice %arg15[%dma_start3A_880, %arg1, %dma_start3A_883] : memref<16x16x640xf32, #tpu.memory_space<vmem_shared>> -> memref<1x1x640xf32, #tpu.memory_space<vmem_shared>>
    %dma_start3A_885 = tpu.memref_squeeze %dma_start3A_884 : memref<1x1x640xf32, #tpu.memory_space<vmem_shared>> -> memref<640xf32, #tpu.memory_space<vmem_shared>>
    %dma_start3A_886 = arith.constant 0 : i32
    %dma_start3A_887 = tpu.memref_slice %arg15[%dma_start3A_880, %arg1, %dma_start3A_886] : memref<16x16x640xf32, #tpu.memory_space<vmem_shared>> -> memref<1x1x640xf32, #tpu.memory_space<vmem_shared>>
    %dma_start3A_888 = tpu.memref_squeeze %dma_start3A_887 : memref<1x1x640xf32, #tpu.memory_space<vmem_shared>> -> memref<640xf32, #tpu.memory_space<vmem_shared>>
    %dma_start3A_889 = arith.constant 6400 : i32
    %dma_start3A_890 = tpu.memref_slice %arg9[%dma_start3A_889] : memref<10240xf32, #tpu.memory_space<vmem>> -> memref<640xf32, #tpu.memory_space<vmem>>
    tpu.enqueue_dma source(%dma_start3A_890 : memref<640xf32, #tpu.memory_space<vmem>>) target(%dma_start3A_888 : memref<640xf32, #tpu.memory_space<vmem_shared>>) target_semaphore(%arg17 : memref<!tpu.dma_semaphore, #tpu.memory_space<semaphore_mem>>)
    %dma_start3A_891 = arith.constant 11 : i32
    %dma_start3A_892 = arith.constant 7040 : i32
    %dma_start3A_893 = tpu.memref_slice %arg9[%dma_start3A_892] : memref<10240xf32, #tpu.memory_space<vmem>> -> memref<640xf32, #tpu.memory_space<vmem>>
    %dma_start3A_894 = arith.constant 0 : i32
    %dma_start3A_895 = tpu.memref_slice %arg15[%dma_start3A_891, %arg1, %dma_start3A_894] : memref<16x16x640xf32, #tpu.memory_space<vmem_shared>> -> memref<1x1x640xf32, #tpu.memory_space<vmem_shared>>
    %dma_start3A_896 = tpu.memref_squeeze %dma_start3A_895 : memref<1x1x640xf32, #tpu.memory_space<vmem_shared>> -> memref<640xf32, #tpu.memory_space<vmem_shared>>
    %dma_start3A_897 = arith.constant 0 : i32
    %dma_start3A_898 = tpu.memref_slice %arg15[%dma_start3A_891, %arg1, %dma_start3A_897] : memref<16x16x640xf32, #tpu.memory_space<vmem_shared>> -> memref<1x1x640xf32, #tpu.memory_space<vmem_shared>>
    %dma_start3A_899 = tpu.memref_squeeze %dma_start3A_898 : memref<1x1x640xf32, #tpu.memory_space<vmem_shared>> -> memref<640xf32, #tpu.memory_space<vmem_shared>>
    %dma_start3A_900 = arith.constant 7040 : i32
    %dma_start3A_901 = tpu.memref_slice %arg9[%dma_start3A_900] : memref<10240xf32, #tpu.memory_space<vmem>> -> memref<640xf32, #tpu.memory_space<vmem>>
    tpu.enqueue_dma source(%dma_start3A_901 : memref<640xf32, #tpu.memory_space<vmem>>) target(%dma_start3A_899 : memref<640xf32, #tpu.memory_space<vmem_shared>>) target_semaphore(%arg17 : memref<!tpu.dma_semaphore, #tpu.memory_space<semaphore_mem>>)
    %dma_start3A_902 = arith.constant 12 : i32
    %dma_start3A_903 = arith.constant 7680 : i32
    %dma_start3A_904 = tpu.memref_slice %arg9[%dma_start3A_903] : memref<10240xf32, #tpu.memory_space<vmem>> -> memref<640xf32, #tpu.memory_space<vmem>>
    %dma_start3A_905 = arith.constant 0 : i32
    %dma_start3A_906 = tpu.memref_slice %arg15[%dma_start3A_902, %arg1, %dma_start3A_905] : memref<16x16x640xf32, #tpu.memory_space<vmem_shared>> -> memref<1x1x640xf32, #tpu.memory_space<vmem_shared>>
    %dma_start3A_907 = tpu.memref_squeeze %dma_start3A_906 : memref<1x1x640xf32, #tpu.memory_space<vmem_shared>> -> memref<640xf32, #tpu.memory_space<vmem_shared>>
    %dma_start3A_908 = arith.constant 0 : i32
    %dma_start3A_909 = tpu.memref_slice %arg15[%dma_start3A_902, %arg1, %dma_start3A_908] : memref<16x16x640xf32, #tpu.memory_space<vmem_shared>> -> memref<1x1x640xf32, #tpu.memory_space<vmem_shared>>
    %dma_start3A_910 = tpu.memref_squeeze %dma_start3A_909 : memref<1x1x640xf32, #tpu.memory_space<vmem_shared>> -> memref<640xf32, #tpu.memory_space<vmem_shared>>
    %dma_start3A_911 = arith.constant 7680 : i32
    %dma_start3A_912 = tpu.memref_slice %arg9[%dma_start3A_911] : memref<10240xf32, #tpu.memory_space<vmem>> -> memref<640xf32, #tpu.memory_space<vmem>>
    tpu.enqueue_dma source(%dma_start3A_912 : memref<640xf32, #tpu.memory_space<vmem>>) target(%dma_start3A_910 : memref<640xf32, #tpu.memory_space<vmem_shared>>) target_semaphore(%arg17 : memref<!tpu.dma_semaphore, #tpu.memory_space<semaphore_mem>>)
    %dma_start3A_913 = arith.constant 13 : i32
    %dma_start3A_914 = arith.constant 8320 : i32
    %dma_start3A_915 = tpu.memref_slice %arg9[%dma_start3A_914] : memref<10240xf32, #tpu.memory_space<vmem>> -> memref<640xf32, #tpu.memory_space<vmem>>
    %dma_start3A_916 = arith.constant 0 : i32
    %dma_start3A_917 = tpu.memref_slice %arg15[%dma_start3A_913, %arg1, %dma_start3A_916] : memref<16x16x640xf32, #tpu.memory_space<vmem_shared>> -> memref<1x1x640xf32, #tpu.memory_space<vmem_shared>>
    %dma_start3A_918 = tpu.memref_squeeze %dma_start3A_917 : memref<1x1x640xf32, #tpu.memory_space<vmem_shared>> -> memref<640xf32, #tpu.memory_space<vmem_shared>>
    %dma_start3A_919 = arith.constant 0 : i32
    %dma_start3A_920 = tpu.memref_slice %arg15[%dma_start3A_913, %arg1, %dma_start3A_919] : memref<16x16x640xf32, #tpu.memory_space<vmem_shared>> -> memref<1x1x640xf32, #tpu.memory_space<vmem_shared>>
    %dma_start3A_921 = tpu.memref_squeeze %dma_start3A_920 : memref<1x1x640xf32, #tpu.memory_space<vmem_shared>> -> memref<640xf32, #tpu.memory_space<vmem_shared>>
    %dma_start3A_922 = arith.constant 8320 : i32
    %dma_start3A_923 = tpu.memref_slice %arg9[%dma_start3A_922] : memref<10240xf32, #tpu.memory_space<vmem>> -> memref<640xf32, #tpu.memory_space<vmem>>
    tpu.enqueue_dma source(%dma_start3A_923 : memref<640xf32, #tpu.memory_space<vmem>>) target(%dma_start3A_921 : memref<640xf32, #tpu.memory_space<vmem_shared>>) target_semaphore(%arg17 : memref<!tpu.dma_semaphore, #tpu.memory_space<semaphore_mem>>)
    %dma_start3A_924 = arith.constant 14 : i32
    %dma_start3A_925 = arith.constant 8960 : i32
    %dma_start3A_926 = tpu.memref_slice %arg9[%dma_start3A_925] : memref<10240xf32, #tpu.memory_space<vmem>> -> memref<640xf32, #tpu.memory_space<vmem>>
    %dma_start3A_927 = arith.constant 0 : i32
    %dma_start3A_928 = tpu.memref_slice %arg15[%dma_start3A_924, %arg1, %dma_start3A_927] : memref<16x16x640xf32, #tpu.memory_space<vmem_shared>> -> memref<1x1x640xf32, #tpu.memory_space<vmem_shared>>
    %dma_start3A_929 = tpu.memref_squeeze %dma_start3A_928 : memref<1x1x640xf32, #tpu.memory_space<vmem_shared>> -> memref<640xf32, #tpu.memory_space<vmem_shared>>
    %dma_start3A_930 = arith.constant 0 : i32
    %dma_start3A_931 = tpu.memref_slice %arg15[%dma_start3A_924, %arg1, %dma_start3A_930] : memref<16x16x640xf32, #tpu.memory_space<vmem_shared>> -> memref<1x1x640xf32, #tpu.memory_space<vmem_shared>>
    %dma_start3A_932 = tpu.memref_squeeze %dma_start3A_931 : memref<1x1x640xf32, #tpu.memory_space<vmem_shared>> -> memref<640xf32, #tpu.memory_space<vmem_shared>>
    %dma_start3A_933 = arith.constant 8960 : i32
    %dma_start3A_934 = tpu.memref_slice %arg9[%dma_start3A_933] : memref<10240xf32, #tpu.memory_space<vmem>> -> memref<640xf32, #tpu.memory_space<vmem>>
    tpu.enqueue_dma source(%dma_start3A_934 : memref<640xf32, #tpu.memory_space<vmem>>) target(%dma_start3A_932 : memref<640xf32, #tpu.memory_space<vmem_shared>>) target_semaphore(%arg17 : memref<!tpu.dma_semaphore, #tpu.memory_space<semaphore_mem>>)
    %dma_start3A_935 = arith.constant 15 : i32
    %dma_start3A_936 = arith.constant 9600 : i32
    %dma_start3A_937 = tpu.memref_slice %arg9[%dma_start3A_936] : memref<10240xf32, #tpu.memory_space<vmem>> -> memref<640xf32, #tpu.memory_space<vmem>>
    %dma_start3A_938 = arith.constant 0 : i32
    %dma_start3A_939 = tpu.memref_slice %arg15[%dma_start3A_935, %arg1, %dma_start3A_938] : memref<16x16x640xf32, #tpu.memory_space<vmem_shared>> -> memref<1x1x640xf32, #tpu.memory_space<vmem_shared>>
    %dma_start3A_940 = tpu.memref_squeeze %dma_start3A_939 : memref<1x1x640xf32, #tpu.memory_space<vmem_shared>> -> memref<640xf32, #tpu.memory_space<vmem_shared>>
    %dma_start3A_941 = arith.constant 0 : i32
    %dma_start3A_942 = tpu.memref_slice %arg15[%dma_start3A_935, %arg1, %dma_start3A_941] : memref<16x16x640xf32, #tpu.memory_space<vmem_shared>> -> memref<1x1x640xf32, #tpu.memory_space<vmem_shared>>
    %dma_start3A_943 = tpu.memref_squeeze %dma_start3A_942 : memref<1x1x640xf32, #tpu.memory_space<vmem_shared>> -> memref<640xf32, #tpu.memory_space<vmem_shared>>
    %dma_start3A_944 = arith.constant 9600 : i32
    %dma_start3A_945 = tpu.memref_slice %arg9[%dma_start3A_944] : memref<10240xf32, #tpu.memory_space<vmem>> -> memref<640xf32, #tpu.memory_space<vmem>>
    tpu.enqueue_dma source(%dma_start3A_945 : memref<640xf32, #tpu.memory_space<vmem>>) target(%dma_start3A_943 : memref<640xf32, #tpu.memory_space<vmem_shared>>) target_semaphore(%arg17 : memref<!tpu.dma_semaphore, #tpu.memory_space<semaphore_mem>>)
    %dma_wait3A_946 = arith.constant 0 : i32
    %dma_wait3A_947 = arith.constant 0 : i32
    %dma_wait3A_948 = tpu.memref_slice %arg9[%dma_wait3A_947] : memref<10240xf32, #tpu.memory_space<vmem>> -> memref<640xf32, #tpu.memory_space<vmem>>
    %dma_wait3A_949 = arith.constant 0 : i32
    %dma_wait3A_950 = tpu.memref_slice %arg15[%dma_wait3A_946, %arg1, %dma_wait3A_949] : memref<16x16x640xf32, #tpu.memory_space<vmem_shared>> -> memref<1x1x640xf32, #tpu.memory_space<vmem_shared>>
    %dma_wait3A_951 = tpu.memref_squeeze %dma_wait3A_950 : memref<1x1x640xf32, #tpu.memory_space<vmem_shared>> -> memref<640xf32, #tpu.memory_space<vmem_shared>>
    %dma_wait3A_952 = arith.constant 0 : i32
    %dma_wait3A_953 = tpu.memref_slice %arg15[%dma_wait3A_946, %arg1, %dma_wait3A_952] : memref<16x16x640xf32, #tpu.memory_space<vmem_shared>> -> memref<1x1x640xf32, #tpu.memory_space<vmem_shared>>
    %dma_wait3A_954 = tpu.memref_squeeze %dma_wait3A_953 : memref<1x1x640xf32, #tpu.memory_space<vmem_shared>> -> memref<640xf32, #tpu.memory_space<vmem_shared>>
    %dma_wait3A_955 = arith.constant 0 : i32
    %dma_wait3A_956 = tpu.memref_slice %arg9[%dma_wait3A_955] : memref<10240xf32, #tpu.memory_space<vmem>> -> memref<640xf32, #tpu.memory_space<vmem>>
    tpu.wait_dma2 semaphore(%arg17 : memref<!tpu.dma_semaphore, #tpu.memory_space<semaphore_mem>>) src(%dma_wait3A_956 : memref<640xf32, #tpu.memory_space<vmem>>) dst(%dma_wait3A_954 : memref<640xf32, #tpu.memory_space<vmem_shared>>)
    %dma_wait3A_957 = arith.constant 1 : i32
    %dma_wait3A_958 = arith.constant 640 : i32
    %dma_wait3A_959 = tpu.memref_slice %arg9[%dma_wait3A_958] : memref<10240xf32, #tpu.memory_space<vmem>> -> memref<640xf32, #tpu.memory_space<vmem>>
    %dma_wait3A_960 = arith.constant 0 : i32
    %dma_wait3A_961 = tpu.memref_slice %arg15[%dma_wait3A_957, %arg1, %dma_wait3A_960] : memref<16x16x640xf32, #tpu.memory_space<vmem_shared>> -> memref<1x1x640xf32, #tpu.memory_space<vmem_shared>>
    %dma_wait3A_962 = tpu.memref_squeeze %dma_wait3A_961 : memref<1x1x640xf32, #tpu.memory_space<vmem_shared>> -> memref<640xf32, #tpu.memory_space<vmem_shared>>
    %dma_wait3A_963 = arith.constant 0 : i32
    %dma_wait3A_964 = tpu.memref_slice %arg15[%dma_wait3A_957, %arg1, %dma_wait3A_963] : memref<16x16x640xf32, #tpu.memory_space<vmem_shared>> -> memref<1x1x640xf32, #tpu.memory_space<vmem_shared>>
    %dma_wait3A_965 = tpu.memref_squeeze %dma_wait3A_964 : memref<1x1x640xf32, #tpu.memory_space<vmem_shared>> -> memref<640xf32, #tpu.memory_space<vmem_shared>>
    %dma_wait3A_966 = arith.constant 640 : i32
    %dma_wait3A_967 = tpu.memref_slice %arg9[%dma_wait3A_966] : memref<10240xf32, #tpu.memory_space<vmem>> -> memref<640xf32, #tpu.memory_space<vmem>>
    tpu.wait_dma2 semaphore(%arg17 : memref<!tpu.dma_semaphore, #tpu.memory_space<semaphore_mem>>) src(%dma_wait3A_967 : memref<640xf32, #tpu.memory_space<vmem>>) dst(%dma_wait3A_965 : memref<640xf32, #tpu.memory_space<vmem_shared>>)
    %dma_wait3A_968 = arith.constant 2 : i32
    %dma_wait3A_969 = arith.constant 1280 : i32
    %dma_wait3A_970 = tpu.memref_slice %arg9[%dma_wait3A_969] : memref<10240xf32, #tpu.memory_space<vmem>> -> memref<640xf32, #tpu.memory_space<vmem>>
    %dma_wait3A_971 = arith.constant 0 : i32
    %dma_wait3A_972 = tpu.memref_slice %arg15[%dma_wait3A_968, %arg1, %dma_wait3A_971] : memref<16x16x640xf32, #tpu.memory_space<vmem_shared>> -> memref<1x1x640xf32, #tpu.memory_space<vmem_shared>>
    %dma_wait3A_973 = tpu.memref_squeeze %dma_wait3A_972 : memref<1x1x640xf32, #tpu.memory_space<vmem_shared>> -> memref<640xf32, #tpu.memory_space<vmem_shared>>
    %dma_wait3A_974 = arith.constant 0 : i32
    %dma_wait3A_975 = tpu.memref_slice %arg15[%dma_wait3A_968, %arg1, %dma_wait3A_974] : memref<16x16x640xf32, #tpu.memory_space<vmem_shared>> -> memref<1x1x640xf32, #tpu.memory_space<vmem_shared>>
    %dma_wait3A_976 = tpu.memref_squeeze %dma_wait3A_975 : memref<1x1x640xf32, #tpu.memory_space<vmem_shared>> -> memref<640xf32, #tpu.memory_space<vmem_shared>>
    %dma_wait3A_977 = arith.constant 1280 : i32
    %dma_wait3A_978 = tpu.memref_slice %arg9[%dma_wait3A_977] : memref<10240xf32, #tpu.memory_space<vmem>> -> memref<640xf32, #tpu.memory_space<vmem>>
    tpu.wait_dma2 semaphore(%arg17 : memref<!tpu.dma_semaphore, #tpu.memory_space<semaphore_mem>>) src(%dma_wait3A_978 : memref<640xf32, #tpu.memory_space<vmem>>) dst(%dma_wait3A_976 : memref<640xf32, #tpu.memory_space<vmem_shared>>)
    %dma_wait3A_979 = arith.constant 3 : i32
    %dma_wait3A_980 = arith.constant 1920 : i32
    %dma_wait3A_981 = tpu.memref_slice %arg9[%dma_wait3A_980] : memref<10240xf32, #tpu.memory_space<vmem>> -> memref<640xf32, #tpu.memory_space<vmem>>
    %dma_wait3A_982 = arith.constant 0 : i32
    %dma_wait3A_983 = tpu.memref_slice %arg15[%dma_wait3A_979, %arg1, %dma_wait3A_982] : memref<16x16x640xf32, #tpu.memory_space<vmem_shared>> -> memref<1x1x640xf32, #tpu.memory_space<vmem_shared>>
    %dma_wait3A_984 = tpu.memref_squeeze %dma_wait3A_983 : memref<1x1x640xf32, #tpu.memory_space<vmem_shared>> -> memref<640xf32, #tpu.memory_space<vmem_shared>>
    %dma_wait3A_985 = arith.constant 0 : i32
    %dma_wait3A_986 = tpu.memref_slice %arg15[%dma_wait3A_979, %arg1, %dma_wait3A_985] : memref<16x16x640xf32, #tpu.memory_space<vmem_shared>> -> memref<1x1x640xf32, #tpu.memory_space<vmem_shared>>
    %dma_wait3A_987 = tpu.memref_squeeze %dma_wait3A_986 : memref<1x1x640xf32, #tpu.memory_space<vmem_shared>> -> memref<640xf32, #tpu.memory_space<vmem_shared>>
    %dma_wait3A_988 = arith.constant 1920 : i32
    %dma_wait3A_989 = tpu.memref_slice %arg9[%dma_wait3A_988] : memref<10240xf32, #tpu.memory_space<vmem>> -> memref<640xf32, #tpu.memory_space<vmem>>
    tpu.wait_dma2 semaphore(%arg17 : memref<!tpu.dma_semaphore, #tpu.memory_space<semaphore_mem>>) src(%dma_wait3A_989 : memref<640xf32, #tpu.memory_space<vmem>>) dst(%dma_wait3A_987 : memref<640xf32, #tpu.memory_space<vmem_shared>>)
    %dma_wait3A_990 = arith.constant 4 : i32
    %dma_wait3A_991 = arith.constant 2560 : i32
    %dma_wait3A_992 = tpu.memref_slice %arg9[%dma_wait3A_991] : memref<10240xf32, #tpu.memory_space<vmem>> -> memref<640xf32, #tpu.memory_space<vmem>>
    %dma_wait3A_993 = arith.constant 0 : i32
    %dma_wait3A_994 = tpu.memref_slice %arg15[%dma_wait3A_990, %arg1, %dma_wait3A_993] : memref<16x16x640xf32, #tpu.memory_space<vmem_shared>> -> memref<1x1x640xf32, #tpu.memory_space<vmem_shared>>
    %dma_wait3A_995 = tpu.memref_squeeze %dma_wait3A_994 : memref<1x1x640xf32, #tpu.memory_space<vmem_shared>> -> memref<640xf32, #tpu.memory_space<vmem_shared>>
    %dma_wait3A_996 = arith.constant 0 : i32
    %dma_wait3A_997 = tpu.memref_slice %arg15[%dma_wait3A_990, %arg1, %dma_wait3A_996] : memref<16x16x640xf32, #tpu.memory_space<vmem_shared>> -> memref<1x1x640xf32, #tpu.memory_space<vmem_shared>>
    %dma_wait3A_998 = tpu.memref_squeeze %dma_wait3A_997 : memref<1x1x640xf32, #tpu.memory_space<vmem_shared>> -> memref<640xf32, #tpu.memory_space<vmem_shared>>
    %dma_wait3A_999 = arith.constant 2560 : i32
    %dma_wait3A_1000 = tpu.memref_slice %arg9[%dma_wait3A_999] : memref<10240xf32, #tpu.memory_space<vmem>> -> memref<640xf32, #tpu.memory_space<vmem>>
    tpu.wait_dma2 semaphore(%arg17 : memref<!tpu.dma_semaphore, #tpu.memory_space<semaphore_mem>>) src(%dma_wait3A_1000 : memref<640xf32, #tpu.memory_space<vmem>>) dst(%dma_wait3A_998 : memref<640xf32, #tpu.memory_space<vmem_shared>>)
    %dma_wait3A_1001 = arith.constant 5 : i32
    %dma_wait3A_1002 = arith.constant 3200 : i32
    %dma_wait3A_1003 = tpu.memref_slice %arg9[%dma_wait3A_1002] : memref<10240xf32, #tpu.memory_space<vmem>> -> memref<640xf32, #tpu.memory_space<vmem>>
    %dma_wait3A_1004 = arith.constant 0 : i32
    %dma_wait3A_1005 = tpu.memref_slice %arg15[%dma_wait3A_1001, %arg1, %dma_wait3A_1004] : memref<16x16x640xf32, #tpu.memory_space<vmem_shared>> -> memref<1x1x640xf32, #tpu.memory_space<vmem_shared>>
    %dma_wait3A_1006 = tpu.memref_squeeze %dma_wait3A_1005 : memref<1x1x640xf32, #tpu.memory_space<vmem_shared>> -> memref<640xf32, #tpu.memory_space<vmem_shared>>
    %dma_wait3A_1007 = arith.constant 0 : i32
    %dma_wait3A_1008 = tpu.memref_slice %arg15[%dma_wait3A_1001, %arg1, %dma_wait3A_1007] : memref<16x16x640xf32, #tpu.memory_space<vmem_shared>> -> memref<1x1x640xf32, #tpu.memory_space<vmem_shared>>
    %dma_wait3A_1009 = tpu.memref_squeeze %dma_wait3A_1008 : memref<1x1x640xf32, #tpu.memory_space<vmem_shared>> -> memref<640xf32, #tpu.memory_space<vmem_shared>>
    %dma_wait3A_1010 = arith.constant 3200 : i32
    %dma_wait3A_1011 = tpu.memref_slice %arg9[%dma_wait3A_1010] : memref<10240xf32, #tpu.memory_space<vmem>> -> memref<640xf32, #tpu.memory_space<vmem>>
    tpu.wait_dma2 semaphore(%arg17 : memref<!tpu.dma_semaphore, #tpu.memory_space<semaphore_mem>>) src(%dma_wait3A_1011 : memref<640xf32, #tpu.memory_space<vmem>>) dst(%dma_wait3A_1009 : memref<640xf32, #tpu.memory_space<vmem_shared>>)
    %dma_wait3A_1012 = arith.constant 6 : i32
    %dma_wait3A_1013 = arith.constant 3840 : i32
    %dma_wait3A_1014 = tpu.memref_slice %arg9[%dma_wait3A_1013] : memref<10240xf32, #tpu.memory_space<vmem>> -> memref<640xf32, #tpu.memory_space<vmem>>
    %dma_wait3A_1015 = arith.constant 0 : i32
    %dma_wait3A_1016 = tpu.memref_slice %arg15[%dma_wait3A_1012, %arg1, %dma_wait3A_1015] : memref<16x16x640xf32, #tpu.memory_space<vmem_shared>> -> memref<1x1x640xf32, #tpu.memory_space<vmem_shared>>
    %dma_wait3A_1017 = tpu.memref_squeeze %dma_wait3A_1016 : memref<1x1x640xf32, #tpu.memory_space<vmem_shared>> -> memref<640xf32, #tpu.memory_space<vmem_shared>>
    %dma_wait3A_1018 = arith.constant 0 : i32
    %dma_wait3A_1019 = tpu.memref_slice %arg15[%dma_wait3A_1012, %arg1, %dma_wait3A_1018] : memref<16x16x640xf32, #tpu.memory_space<vmem_shared>> -> memref<1x1x640xf32, #tpu.memory_space<vmem_shared>>
    %dma_wait3A_1020 = tpu.memref_squeeze %dma_wait3A_1019 : memref<1x1x640xf32, #tpu.memory_space<vmem_shared>> -> memref<640xf32, #tpu.memory_space<vmem_shared>>
    %dma_wait3A_1021 = arith.constant 3840 : i32
    %dma_wait3A_1022 = tpu.memref_slice %arg9[%dma_wait3A_1021] : memref<10240xf32, #tpu.memory_space<vmem>> -> memref<640xf32, #tpu.memory_space<vmem>>
    tpu.wait_dma2 semaphore(%arg17 : memref<!tpu.dma_semaphore, #tpu.memory_space<semaphore_mem>>) src(%dma_wait3A_1022 : memref<640xf32, #tpu.memory_space<vmem>>) dst(%dma_wait3A_1020 : memref<640xf32, #tpu.memory_space<vmem_shared>>)
    %dma_wait3A_1023 = arith.constant 7 : i32
    %dma_wait3A_1024 = arith.constant 4480 : i32
    %dma_wait3A_1025 = tpu.memref_slice %arg9[%dma_wait3A_1024] : memref<10240xf32, #tpu.memory_space<vmem>> -> memref<640xf32, #tpu.memory_space<vmem>>
    %dma_wait3A_1026 = arith.constant 0 : i32
    %dma_wait3A_1027 = tpu.memref_slice %arg15[%dma_wait3A_1023, %arg1, %dma_wait3A_1026] : memref<16x16x640xf32, #tpu.memory_space<vmem_shared>> -> memref<1x1x640xf32, #tpu.memory_space<vmem_shared>>
    %dma_wait3A_1028 = tpu.memref_squeeze %dma_wait3A_1027 : memref<1x1x640xf32, #tpu.memory_space<vmem_shared>> -> memref<640xf32, #tpu.memory_space<vmem_shared>>
    %dma_wait3A_1029 = arith.constant 0 : i32
    %dma_wait3A_1030 = tpu.memref_slice %arg15[%dma_wait3A_1023, %arg1, %dma_wait3A_1029] : memref<16x16x640xf32, #tpu.memory_space<vmem_shared>> -> memref<1x1x640xf32, #tpu.memory_space<vmem_shared>>
    %dma_wait3A_1031 = tpu.memref_squeeze %dma_wait3A_1030 : memref<1x1x640xf32, #tpu.memory_space<vmem_shared>> -> memref<640xf32, #tpu.memory_space<vmem_shared>>
    %dma_wait3A_1032 = arith.constant 4480 : i32
    %dma_wait3A_1033 = tpu.memref_slice %arg9[%dma_wait3A_1032] : memref<10240xf32, #tpu.memory_space<vmem>> -> memref<640xf32, #tpu.memory_space<vmem>>
    tpu.wait_dma2 semaphore(%arg17 : memref<!tpu.dma_semaphore, #tpu.memory_space<semaphore_mem>>) src(%dma_wait3A_1033 : memref<640xf32, #tpu.memory_space<vmem>>) dst(%dma_wait3A_1031 : memref<640xf32, #tpu.memory_space<vmem_shared>>)
    %dma_wait3A_1034 = arith.constant 8 : i32
    %dma_wait3A_1035 = arith.constant 5120 : i32
    %dma_wait3A_1036 = tpu.memref_slice %arg9[%dma_wait3A_1035] : memref<10240xf32, #tpu.memory_space<vmem>> -> memref<640xf32, #tpu.memory_space<vmem>>
    %dma_wait3A_1037 = arith.constant 0 : i32
    %dma_wait3A_1038 = tpu.memref_slice %arg15[%dma_wait3A_1034, %arg1, %dma_wait3A_1037] : memref<16x16x640xf32, #tpu.memory_space<vmem_shared>> -> memref<1x1x640xf32, #tpu.memory_space<vmem_shared>>
    %dma_wait3A_1039 = tpu.memref_squeeze %dma_wait3A_1038 : memref<1x1x640xf32, #tpu.memory_space<vmem_shared>> -> memref<640xf32, #tpu.memory_space<vmem_shared>>
    %dma_wait3A_1040 = arith.constant 0 : i32
    %dma_wait3A_1041 = tpu.memref_slice %arg15[%dma_wait3A_1034, %arg1, %dma_wait3A_1040] : memref<16x16x640xf32, #tpu.memory_space<vmem_shared>> -> memref<1x1x640xf32, #tpu.memory_space<vmem_shared>>
    %dma_wait3A_1042 = tpu.memref_squeeze %dma_wait3A_1041 : memref<1x1x640xf32, #tpu.memory_space<vmem_shared>> -> memref<640xf32, #tpu.memory_space<vmem_shared>>
    %dma_wait3A_1043 = arith.constant 5120 : i32
    %dma_wait3A_1044 = tpu.memref_slice %arg9[%dma_wait3A_1043] : memref<10240xf32, #tpu.memory_space<vmem>> -> memref<640xf32, #tpu.memory_space<vmem>>
    tpu.wait_dma2 semaphore(%arg17 : memref<!tpu.dma_semaphore, #tpu.memory_space<semaphore_mem>>) src(%dma_wait3A_1044 : memref<640xf32, #tpu.memory_space<vmem>>) dst(%dma_wait3A_1042 : memref<640xf32, #tpu.memory_space<vmem_shared>>)
    %dma_wait3A_1045 = arith.constant 9 : i32
    %dma_wait3A_1046 = arith.constant 5760 : i32
    %dma_wait3A_1047 = tpu.memref_slice %arg9[%dma_wait3A_1046] : memref<10240xf32, #tpu.memory_space<vmem>> -> memref<640xf32, #tpu.memory_space<vmem>>
    %dma_wait3A_1048 = arith.constant 0 : i32
    %dma_wait3A_1049 = tpu.memref_slice %arg15[%dma_wait3A_1045, %arg1, %dma_wait3A_1048] : memref<16x16x640xf32, #tpu.memory_space<vmem_shared>> -> memref<1x1x640xf32, #tpu.memory_space<vmem_shared>>
    %dma_wait3A_1050 = tpu.memref_squeeze %dma_wait3A_1049 : memref<1x1x640xf32, #tpu.memory_space<vmem_shared>> -> memref<640xf32, #tpu.memory_space<vmem_shared>>
    %dma_wait3A_1051 = arith.constant 0 : i32
    %dma_wait3A_1052 = tpu.memref_slice %arg15[%dma_wait3A_1045, %arg1, %dma_wait3A_1051] : memref<16x16x640xf32, #tpu.memory_space<vmem_shared>> -> memref<1x1x640xf32, #tpu.memory_space<vmem_shared>>
    %dma_wait3A_1053 = tpu.memref_squeeze %dma_wait3A_1052 : memref<1x1x640xf32, #tpu.memory_space<vmem_shared>> -> memref<640xf32, #tpu.memory_space<vmem_shared>>
    %dma_wait3A_1054 = arith.constant 5760 : i32
    %dma_wait3A_1055 = tpu.memref_slice %arg9[%dma_wait3A_1054] : memref<10240xf32, #tpu.memory_space<vmem>> -> memref<640xf32, #tpu.memory_space<vmem>>
    tpu.wait_dma2 semaphore(%arg17 : memref<!tpu.dma_semaphore, #tpu.memory_space<semaphore_mem>>) src(%dma_wait3A_1055 : memref<640xf32, #tpu.memory_space<vmem>>) dst(%dma_wait3A_1053 : memref<640xf32, #tpu.memory_space<vmem_shared>>)
    %dma_wait3A_1056 = arith.constant 10 : i32
    %dma_wait3A_1057 = arith.constant 6400 : i32
    %dma_wait3A_1058 = tpu.memref_slice %arg9[%dma_wait3A_1057] : memref<10240xf32, #tpu.memory_space<vmem>> -> memref<640xf32, #tpu.memory_space<vmem>>
    %dma_wait3A_1059 = arith.constant 0 : i32
    %dma_wait3A_1060 = tpu.memref_slice %arg15[%dma_wait3A_1056, %arg1, %dma_wait3A_1059] : memref<16x16x640xf32, #tpu.memory_space<vmem_shared>> -> memref<1x1x640xf32, #tpu.memory_space<vmem_shared>>
    %dma_wait3A_1061 = tpu.memref_squeeze %dma_wait3A_1060 : memref<1x1x640xf32, #tpu.memory_space<vmem_shared>> -> memref<640xf32, #tpu.memory_space<vmem_shared>>
    %dma_wait3A_1062 = arith.constant 0 : i32
    %dma_wait3A_1063 = tpu.memref_slice %arg15[%dma_wait3A_1056, %arg1, %dma_wait3A_1062] : memref<16x16x640xf32, #tpu.memory_space<vmem_shared>> -> memref<1x1x640xf32, #tpu.memory_space<vmem_shared>>
    %dma_wait3A_1064 = tpu.memref_squeeze %dma_wait3A_1063 : memref<1x1x640xf32, #tpu.memory_space<vmem_shared>> -> memref<640xf32, #tpu.memory_space<vmem_shared>>
    %dma_wait3A_1065 = arith.constant 6400 : i32
    %dma_wait3A_1066 = tpu.memref_slice %arg9[%dma_wait3A_1065] : memref<10240xf32, #tpu.memory_space<vmem>> -> memref<640xf32, #tpu.memory_space<vmem>>
    tpu.wait_dma2 semaphore(%arg17 : memref<!tpu.dma_semaphore, #tpu.memory_space<semaphore_mem>>) src(%dma_wait3A_1066 : memref<640xf32, #tpu.memory_space<vmem>>) dst(%dma_wait3A_1064 : memref<640xf32, #tpu.memory_space<vmem_shared>>)
    %dma_wait3A_1067 = arith.constant 11 : i32
    %dma_wait3A_1068 = arith.constant 7040 : i32
    %dma_wait3A_1069 = tpu.memref_slice %arg9[%dma_wait3A_1068] : memref<10240xf32, #tpu.memory_space<vmem>> -> memref<640xf32, #tpu.memory_space<vmem>>
    %dma_wait3A_1070 = arith.constant 0 : i32
    %dma_wait3A_1071 = tpu.memref_slice %arg15[%dma_wait3A_1067, %arg1, %dma_wait3A_1070] : memref<16x16x640xf32, #tpu.memory_space<vmem_shared>> -> memref<1x1x640xf32, #tpu.memory_space<vmem_shared>>
    %dma_wait3A_1072 = tpu.memref_squeeze %dma_wait3A_1071 : memref<1x1x640xf32, #tpu.memory_space<vmem_shared>> -> memref<640xf32, #tpu.memory_space<vmem_shared>>
    %dma_wait3A_1073 = arith.constant 0 : i32
    %dma_wait3A_1074 = tpu.memref_slice %arg15[%dma_wait3A_1067, %arg1, %dma_wait3A_1073] : memref<16x16x640xf32, #tpu.memory_space<vmem_shared>> -> memref<1x1x640xf32, #tpu.memory_space<vmem_shared>>
    %dma_wait3A_1075 = tpu.memref_squeeze %dma_wait3A_1074 : memref<1x1x640xf32, #tpu.memory_space<vmem_shared>> -> memref<640xf32, #tpu.memory_space<vmem_shared>>
    %dma_wait3A_1076 = arith.constant 7040 : i32
    %dma_wait3A_1077 = tpu.memref_slice %arg9[%dma_wait3A_1076] : memref<10240xf32, #tpu.memory_space<vmem>> -> memref<640xf32, #tpu.memory_space<vmem>>
    tpu.wait_dma2 semaphore(%arg17 : memref<!tpu.dma_semaphore, #tpu.memory_space<semaphore_mem>>) src(%dma_wait3A_1077 : memref<640xf32, #tpu.memory_space<vmem>>) dst(%dma_wait3A_1075 : memref<640xf32, #tpu.memory_space<vmem_shared>>)
    %dma_wait3A_1078 = arith.constant 12 : i32
    %dma_wait3A_1079 = arith.constant 7680 : i32
    %dma_wait3A_1080 = tpu.memref_slice %arg9[%dma_wait3A_1079] : memref<10240xf32, #tpu.memory_space<vmem>> -> memref<640xf32, #tpu.memory_space<vmem>>
    %dma_wait3A_1081 = arith.constant 0 : i32
    %dma_wait3A_1082 = tpu.memref_slice %arg15[%dma_wait3A_1078, %arg1, %dma_wait3A_1081] : memref<16x16x640xf32, #tpu.memory_space<vmem_shared>> -> memref<1x1x640xf32, #tpu.memory_space<vmem_shared>>
    %dma_wait3A_1083 = tpu.memref_squeeze %dma_wait3A_1082 : memref<1x1x640xf32, #tpu.memory_space<vmem_shared>> -> memref<640xf32, #tpu.memory_space<vmem_shared>>
    %dma_wait3A_1084 = arith.constant 0 : i32
    %dma_wait3A_1085 = tpu.memref_slice %arg15[%dma_wait3A_1078, %arg1, %dma_wait3A_1084] : memref<16x16x640xf32, #tpu.memory_space<vmem_shared>> -> memref<1x1x640xf32, #tpu.memory_space<vmem_shared>>
    %dma_wait3A_1086 = tpu.memref_squeeze %dma_wait3A_1085 : memref<1x1x640xf32, #tpu.memory_space<vmem_shared>> -> memref<640xf32, #tpu.memory_space<vmem_shared>>
    %dma_wait3A_1087 = arith.constant 7680 : i32
    %dma_wait3A_1088 = tpu.memref_slice %arg9[%dma_wait3A_1087] : memref<10240xf32, #tpu.memory_space<vmem>> -> memref<640xf32, #tpu.memory_space<vmem>>
    tpu.wait_dma2 semaphore(%arg17 : memref<!tpu.dma_semaphore, #tpu.memory_space<semaphore_mem>>) src(%dma_wait3A_1088 : memref<640xf32, #tpu.memory_space<vmem>>) dst(%dma_wait3A_1086 : memref<640xf32, #tpu.memory_space<vmem_shared>>)
    %dma_wait3A_1089 = arith.constant 13 : i32
    %dma_wait3A_1090 = arith.constant 8320 : i32
    %dma_wait3A_1091 = tpu.memref_slice %arg9[%dma_wait3A_1090] : memref<10240xf32, #tpu.memory_space<vmem>> -> memref<640xf32, #tpu.memory_space<vmem>>
    %dma_wait3A_1092 = arith.constant 0 : i32
    %dma_wait3A_1093 = tpu.memref_slice %arg15[%dma_wait3A_1089, %arg1, %dma_wait3A_1092] : memref<16x16x640xf32, #tpu.memory_space<vmem_shared>> -> memref<1x1x640xf32, #tpu.memory_space<vmem_shared>>
    %dma_wait3A_1094 = tpu.memref_squeeze %dma_wait3A_1093 : memref<1x1x640xf32, #tpu.memory_space<vmem_shared>> -> memref<640xf32, #tpu.memory_space<vmem_shared>>
    %dma_wait3A_1095 = arith.constant 0 : i32
    %dma_wait3A_1096 = tpu.memref_slice %arg15[%dma_wait3A_1089, %arg1, %dma_wait3A_1095] : memref<16x16x640xf32, #tpu.memory_space<vmem_shared>> -> memref<1x1x640xf32, #tpu.memory_space<vmem_shared>>
    %dma_wait3A_1097 = tpu.memref_squeeze %dma_wait3A_1096 : memref<1x1x640xf32, #tpu.memory_space<vmem_shared>> -> memref<640xf32, #tpu.memory_space<vmem_shared>>
    %dma_wait3A_1098 = arith.constant 8320 : i32
    %dma_wait3A_1099 = tpu.memref_slice %arg9[%dma_wait3A_1098] : memref<10240xf32, #tpu.memory_space<vmem>> -> memref<640xf32, #tpu.memory_space<vmem>>
    tpu.wait_dma2 semaphore(%arg17 : memref<!tpu.dma_semaphore, #tpu.memory_space<semaphore_mem>>) src(%dma_wait3A_1099 : memref<640xf32, #tpu.memory_space<vmem>>) dst(%dma_wait3A_1097 : memref<640xf32, #tpu.memory_space<vmem_shared>>)
    %dma_wait3A_1100 = arith.constant 14 : i32
    %dma_wait3A_1101 = arith.constant 8960 : i32
    %dma_wait3A_1102 = tpu.memref_slice %arg9[%dma_wait3A_1101] : memref<10240xf32, #tpu.memory_space<vmem>> -> memref<640xf32, #tpu.memory_space<vmem>>
    %dma_wait3A_1103 = arith.constant 0 : i32
    %dma_wait3A_1104 = tpu.memref_slice %arg15[%dma_wait3A_1100, %arg1, %dma_wait3A_1103] : memref<16x16x640xf32, #tpu.memory_space<vmem_shared>> -> memref<1x1x640xf32, #tpu.memory_space<vmem_shared>>
    %dma_wait3A_1105 = tpu.memref_squeeze %dma_wait3A_1104 : memref<1x1x640xf32, #tpu.memory_space<vmem_shared>> -> memref<640xf32, #tpu.memory_space<vmem_shared>>
    %dma_wait3A_1106 = arith.constant 0 : i32
    %dma_wait3A_1107 = tpu.memref_slice %arg15[%dma_wait3A_1100, %arg1, %dma_wait3A_1106] : memref<16x16x640xf32, #tpu.memory_space<vmem_shared>> -> memref<1x1x640xf32, #tpu.memory_space<vmem_shared>>
    %dma_wait3A_1108 = tpu.memref_squeeze %dma_wait3A_1107 : memref<1x1x640xf32, #tpu.memory_space<vmem_shared>> -> memref<640xf32, #tpu.memory_space<vmem_shared>>
    %dma_wait3A_1109 = arith.constant 8960 : i32
    %dma_wait3A_1110 = tpu.memref_slice %arg9[%dma_wait3A_1109] : memref<10240xf32, #tpu.memory_space<vmem>> -> memref<640xf32, #tpu.memory_space<vmem>>
    tpu.wait_dma2 semaphore(%arg17 : memref<!tpu.dma_semaphore, #tpu.memory_space<semaphore_mem>>) src(%dma_wait3A_1110 : memref<640xf32, #tpu.memory_space<vmem>>) dst(%dma_wait3A_1108 : memref<640xf32, #tpu.memory_space<vmem_shared>>)
    %dma_wait3A_1111 = arith.constant 15 : i32
    %dma_wait3A_1112 = arith.constant 9600 : i32
    %dma_wait3A_1113 = tpu.memref_slice %arg9[%dma_wait3A_1112] : memref<10240xf32, #tpu.memory_space<vmem>> -> memref<640xf32, #tpu.memory_space<vmem>>
    %dma_wait3A_1114 = arith.constant 0 : i32
    %dma_wait3A_1115 = tpu.memref_slice %arg15[%dma_wait3A_1111, %arg1, %dma_wait3A_1114] : memref<16x16x640xf32, #tpu.memory_space<vmem_shared>> -> memref<1x1x640xf32, #tpu.memory_space<vmem_shared>>
    %dma_wait3A_1116 = tpu.memref_squeeze %dma_wait3A_1115 : memref<1x1x640xf32, #tpu.memory_space<vmem_shared>> -> memref<640xf32, #tpu.memory_space<vmem_shared>>
    %dma_wait3A_1117 = arith.constant 0 : i32
    %dma_wait3A_1118 = tpu.memref_slice %arg15[%dma_wait3A_1111, %arg1, %dma_wait3A_1117] : memref<16x16x640xf32, #tpu.memory_space<vmem_shared>> -> memref<1x1x640xf32, #tpu.memory_space<vmem_shared>>
    %dma_wait3A_1119 = tpu.memref_squeeze %dma_wait3A_1118 : memref<1x1x640xf32, #tpu.memory_space<vmem_shared>> -> memref<640xf32, #tpu.memory_space<vmem_shared>>
    %dma_wait3A_1120 = arith.constant 9600 : i32
    %dma_wait3A_1121 = tpu.memref_slice %arg9[%dma_wait3A_1120] : memref<10240xf32, #tpu.memory_space<vmem>> -> memref<640xf32, #tpu.memory_space<vmem>>
    tpu.wait_dma2 semaphore(%arg17 : memref<!tpu.dma_semaphore, #tpu.memory_space<semaphore_mem>>) src(%dma_wait3A_1121 : memref<640xf32, #tpu.memory_space<vmem>>) dst(%dma_wait3A_1119 : memref<640xf32, #tpu.memory_space<vmem_shared>>)
    %barrier3A_1122 = arith.constant 0 : index
    tpu.barrier barrier_id(%barrier3A_1122)
    "tpu.region"() ({
      %run_scoped3A = tpu.sem_alloc : memref<!tpu.dma_semaphore, #tpu.memory_space<semaphore_mem>>
      %dma_start3A_1128 = arith.constant 0 : i32
      %dma_start3A_1129 = arith.constant 0 : i32
      %dma_start3A_1130 = tpu.memref_slice %arg15[%arg1, %dma_start3A_1128, %dma_start3A_1129] : memref<16x16x640xf32, #tpu.memory_space<vmem_shared>> -> memref<1x16x640xf32, #tpu.memory_space<vmem_shared>>
      %dma_start3A_1131 = tpu.memref_squeeze %dma_start3A_1130 : memref<1x16x640xf32, #tpu.memory_space<vmem_shared>> -> memref<16x640xf32, #tpu.memory_space<vmem_shared>>
      %dma_start3A_1132 = arith.constant 0 : i32
      %dma_start3A_1133 = arith.constant 0 : i32
      %dma_start3A_1134 = tpu.memref_slice %arg15[%arg1, %dma_start3A_1132, %dma_start3A_1133] : memref<16x16x640xf32, #tpu.memory_space<vmem_shared>> -> memref<1x16x640xf32, #tpu.memory_space<vmem_shared>>
      %dma_start3A_1135 = tpu.memref_squeeze %dma_start3A_1134 : memref<1x16x640xf32, #tpu.memory_space<vmem_shared>> -> memref<16x640xf32, #tpu.memory_space<vmem_shared>>
      tpu.enqueue_dma source(%dma_start3A_1135 : memref<16x640xf32, #tpu.memory_space<vmem_shared>>) target(%arg12 : memref<16x640xf32, #tpu.memory_space<vmem>>) target_semaphore(%run_scoped3A : memref<!tpu.dma_semaphore, #tpu.memory_space<semaphore_mem>>)
      %dma_wait3A_1136 = arith.constant 0 : i32
      %dma_wait3A_1137 = arith.constant 0 : i32
      %dma_wait3A_1138 = tpu.memref_slice %arg15[%arg1, %dma_wait3A_1136, %dma_wait3A_1137] : memref<16x16x640xf32, #tpu.memory_space<vmem_shared>> -> memref<1x16x640xf32, #tpu.memory_space<vmem_shared>>
      %dma_wait3A_1139 = tpu.memref_squeeze %dma_wait3A_1138 : memref<1x16x640xf32, #tpu.memory_space<vmem_shared>> -> memref<16x640xf32, #tpu.memory_space<vmem_shared>>
      %dma_wait3A_1140 = arith.constant 0 : i32
      %dma_wait3A_1141 = arith.constant 0 : i32
      %dma_wait3A_1142 = tpu.memref_slice %arg15[%arg1, %dma_wait3A_1140, %dma_wait3A_1141] : memref<16x16x640xf32, #tpu.memory_space<vmem_shared>> -> memref<1x16x640xf32, #tpu.memory_space<vmem_shared>>
      %dma_wait3A_1143 = tpu.memref_squeeze %dma_wait3A_1142 : memref<1x16x640xf32, #tpu.memory_space<vmem_shared>> -> memref<16x640xf32, #tpu.memory_space<vmem_shared>>
      tpu.wait_dma2 semaphore(%run_scoped3A : memref<!tpu.dma_semaphore, #tpu.memory_space<semaphore_mem>>) src(%dma_wait3A_1143 : memref<16x640xf32, #tpu.memory_space<vmem_shared>>) dst(%arg12 : memref<16x640xf32, #tpu.memory_space<vmem>>)
      tpu.yield
    }) : () -> ()
    %parallel_loop3A_1123 = arith.constant 0 : i32
    %parallel_loop3A_1124 = arith.constant 640 : i32
    %parallel_loop3A_1125 = arith.constant 16 : i32
    %parallel_loop3A_1126 = scf.for %parallel_loop3A_1128 = %parallel_loop3A_1123 to %parallel_loop3A_1124 step %parallel_loop3A_1125 iter_args(%parallel_loop3A_1129 = %broadcast_in_dim3A_14) -> (vector<16xf32>)  : i32 {
      %parallel_loop3A_1130 = tpu.assume_multiple %parallel_loop3A_1128, 16 : i32
      %parallel_loop3A_1131 = arith.constant 0 : i32
      %parallel_loop3A_1132 = arith.index_cast %parallel_loop3A_1131 : i32 to index
      %parallel_loop3A_1133 = arith.index_cast %parallel_loop3A_1130 : i32 to index
      %parallel_loop3A_1134 = tpu.vector_load %arg12[%parallel_loop3A_1132, %parallel_loop3A_1133] {strides = array<i32>} : memref<16x640xf32, #tpu.memory_space<vmem>>, vector<16xf32>,
      %parallel_loop3A_1135 = arith.constant 1 : i32
      %parallel_loop3A_1136 = arith.index_cast %parallel_loop3A_1135 : i32 to index
      %parallel_loop3A_1137 = arith.index_cast %parallel_loop3A_1130 : i32 to index
      %parallel_loop3A_1138 = tpu.vector_load %arg12[%parallel_loop3A_1136, %parallel_loop3A_1137] {strides = array<i32>} : memref<16x640xf32, #tpu.memory_space<vmem>>, vector<16xf32>,
      %parallel_loop3A_1139 = arith.addf %parallel_loop3A_1134, %parallel_loop3A_1138 : vector<16xf32>
      %parallel_loop3A_1140 = arith.constant 2 : i32
      %parallel_loop3A_1141 = arith.index_cast %parallel_loop3A_1140 : i32 to index
      %parallel_loop3A_1142 = arith.index_cast %parallel_loop3A_1130 : i32 to index
      %parallel_loop3A_1143 = tpu.vector_load %arg12[%parallel_loop3A_1141, %parallel_loop3A_1142] {strides = array<i32>} : memref<16x640xf32, #tpu.memory_space<vmem>>, vector<16xf32>,
      %parallel_loop3A_1144 = arith.addf %parallel_loop3A_1139, %parallel_loop3A_1143 : vector<16xf32>
      %parallel_loop3A_1145 = arith.constant 3 : i32
      %parallel_loop3A_1146 = arith.index_cast %parallel_loop3A_1145 : i32 to index
      %parallel_loop3A_1147 = arith.index_cast %parallel_loop3A_1130 : i32 to index
      %parallel_loop3A_1148 = tpu.vector_load %arg12[%parallel_loop3A_1146, %parallel_loop3A_1147] {strides = array<i32>} : memref<16x640xf32, #tpu.memory_space<vmem>>, vector<16xf32>,
      %parallel_loop3A_1149 = arith.addf %parallel_loop3A_1144, %parallel_loop3A_1148 : vector<16xf32>
      %parallel_loop3A_1150 = arith.constant 4 : i32
      %parallel_loop3A_1151 = arith.index_cast %parallel_loop3A_1150 : i32 to index
      %parallel_loop3A_1152 = arith.index_cast %parallel_loop3A_1130 : i32 to index
      %parallel_loop3A_1153 = tpu.vector_load %arg12[%parallel_loop3A_1151, %parallel_loop3A_1152] {strides = array<i32>} : memref<16x640xf32, #tpu.memory_space<vmem>>, vector<16xf32>,
      %parallel_loop3A_1154 = arith.addf %parallel_loop3A_1149, %parallel_loop3A_1153 : vector<16xf32>
      %parallel_loop3A_1155 = arith.constant 5 : i32
      %parallel_loop3A_1156 = arith.index_cast %parallel_loop3A_1155 : i32 to index
      %parallel_loop3A_1157 = arith.index_cast %parallel_loop3A_1130 : i32 to index
      %parallel_loop3A_1158 = tpu.vector_load %arg12[%parallel_loop3A_1156, %parallel_loop3A_1157] {strides = array<i32>} : memref<16x640xf32, #tpu.memory_space<vmem>>, vector<16xf32>,
      %parallel_loop3A_1159 = arith.addf %parallel_loop3A_1154, %parallel_loop3A_1158 : vector<16xf32>
      %parallel_loop3A_1160 = arith.constant 6 : i32
      %parallel_loop3A_1161 = arith.index_cast %parallel_loop3A_1160 : i32 to index
      %parallel_loop3A_1162 = arith.index_cast %parallel_loop3A_1130 : i32 to index
      %parallel_loop3A_1163 = tpu.vector_load %arg12[%parallel_loop3A_1161, %parallel_loop3A_1162] {strides = array<i32>} : memref<16x640xf32, #tpu.memory_space<vmem>>, vector<16xf32>,
      %parallel_loop3A_1164 = arith.addf %parallel_loop3A_1159, %parallel_loop3A_1163 : vector<16xf32>
      %parallel_loop3A_1165 = arith.constant 7 : i32
      %parallel_loop3A_1166 = arith.index_cast %parallel_loop3A_1165 : i32 to index
      %parallel_loop3A_1167 = arith.index_cast %parallel_loop3A_1130 : i32 to index
      %parallel_loop3A_1168 = tpu.vector_load %arg12[%parallel_loop3A_1166, %parallel_loop3A_1167] {strides = array<i32>} : memref<16x640xf32, #tpu.memory_space<vmem>>, vector<16xf32>,
      %parallel_loop3A_1169 = arith.addf %parallel_loop3A_1164, %parallel_loop3A_1168 : vector<16xf32>
      %parallel_loop3A_1170 = arith.constant 8 : i32
      %parallel_loop3A_1171 = arith.index_cast %parallel_loop3A_1170 : i32 to index
      %parallel_loop3A_1172 = arith.index_cast %parallel_loop3A_1130 : i32 to index
      %parallel_loop3A_1173 = tpu.vector_load %arg12[%parallel_loop3A_1171, %parallel_loop3A_1172] {strides = array<i32>} : memref<16x640xf32, #tpu.memory_space<vmem>>, vector<16xf32>,
      %parallel_loop3A_1174 = arith.addf %parallel_loop3A_1169, %parallel_loop3A_1173 : vector<16xf32>
      %parallel_loop3A_1175 = arith.constant 9 : i32
      %parallel_loop3A_1176 = arith.index_cast %parallel_loop3A_1175 : i32 to index
      %parallel_loop3A_1177 = arith.index_cast %parallel_loop3A_1130 : i32 to index
      %parallel_loop3A_1178 = tpu.vector_load %arg12[%parallel_loop3A_1176, %parallel_loop3A_1177] {strides = array<i32>} : memref<16x640xf32, #tpu.memory_space<vmem>>, vector<16xf32>,
      %parallel_loop3A_1179 = arith.addf %parallel_loop3A_1174, %parallel_loop3A_1178 : vector<16xf32>
      %parallel_loop3A_1180 = arith.constant 10 : i32
      %parallel_loop3A_1181 = arith.index_cast %parallel_loop3A_1180 : i32 to index
      %parallel_loop3A_1182 = arith.index_cast %parallel_loop3A_1130 : i32 to index
      %parallel_loop3A_1183 = tpu.vector_load %arg12[%parallel_loop3A_1181, %parallel_loop3A_1182] {strides = array<i32>} : memref<16x640xf32, #tpu.memory_space<vmem>>, vector<16xf32>,
      %parallel_loop3A_1184 = arith.addf %parallel_loop3A_1179, %parallel_loop3A_1183 : vector<16xf32>
      %parallel_loop3A_1185 = arith.constant 11 : i32
      %parallel_loop3A_1186 = arith.index_cast %parallel_loop3A_1185 : i32 to index
      %parallel_loop3A_1187 = arith.index_cast %parallel_loop3A_1130 : i32 to index
      %parallel_loop3A_1188 = tpu.vector_load %arg12[%parallel_loop3A_1186, %parallel_loop3A_1187] {strides = array<i32>} : memref<16x640xf32, #tpu.memory_space<vmem>>, vector<16xf32>,
      %parallel_loop3A_1189 = arith.addf %parallel_loop3A_1184, %parallel_loop3A_1188 : vector<16xf32>
      %parallel_loop3A_1190 = arith.constant 12 : i32
      %parallel_loop3A_1191 = arith.index_cast %parallel_loop3A_1190 : i32 to index
      %parallel_loop3A_1192 = arith.index_cast %parallel_loop3A_1130 : i32 to index
      %parallel_loop3A_1193 = tpu.vector_load %arg12[%parallel_loop3A_1191, %parallel_loop3A_1192] {strides = array<i32>} : memref<16x640xf32, #tpu.memory_space<vmem>>, vector<16xf32>,
      %parallel_loop3A_1194 = arith.addf %parallel_loop3A_1189, %parallel_loop3A_1193 : vector<16xf32>
      %parallel_loop3A_1195 = arith.constant 13 : i32
      %parallel_loop3A_1196 = arith.index_cast %parallel_loop3A_1195 : i32 to index
      %parallel_loop3A_1197 = arith.index_cast %parallel_loop3A_1130 : i32 to index
      %parallel_loop3A_1198 = tpu.vector_load %arg12[%parallel_loop3A_1196, %parallel_loop3A_1197] {strides = array<i32>} : memref<16x640xf32, #tpu.memory_space<vmem>>, vector<16xf32>,
      %parallel_loop3A_1199 = arith.addf %parallel_loop3A_1194, %parallel_loop3A_1198 : vector<16xf32>
      %parallel_loop3A_1200 = arith.constant 14 : i32
      %parallel_loop3A_1201 = arith.index_cast %parallel_loop3A_1200 : i32 to index
      %parallel_loop3A_1202 = arith.index_cast %parallel_loop3A_1130 : i32 to index
      %parallel_loop3A_1203 = tpu.vector_load %arg12[%parallel_loop3A_1201, %parallel_loop3A_1202] {strides = array<i32>} : memref<16x640xf32, #tpu.memory_space<vmem>>, vector<16xf32>,
      %parallel_loop3A_1204 = arith.addf %parallel_loop3A_1199, %parallel_loop3A_1203 : vector<16xf32>
      %parallel_loop3A_1205 = arith.constant 15 : i32
      %parallel_loop3A_1206 = arith.index_cast %parallel_loop3A_1205 : i32 to index
      %parallel_loop3A_1207 = arith.index_cast %parallel_loop3A_1130 : i32 to index
      %parallel_loop3A_1208 = tpu.vector_load %arg12[%parallel_loop3A_1206, %parallel_loop3A_1207] {strides = array<i32>} : memref<16x640xf32, #tpu.memory_space<vmem>>, vector<16xf32>,
      %parallel_loop3A_1209 = arith.addf %parallel_loop3A_1204, %parallel_loop3A_1208 : vector<16xf32>
      %parallel_loop3A_1210 = arith.index_cast %parallel_loop3A_1130 : i32 to index
      %parallel_loop3A_1211 = tpu.vector_load %arg10[%parallel_loop3A_1210] {strides = array<i32>} : memref<640xf32, #tpu.memory_space<vmem>>, vector<16xf32>,
      %parallel_loop3A_1212 = arith.addf %parallel_loop3A_1209, %parallel_loop3A_1211 : vector<16xf32>
      %parallel_loop3A_1213 = arith.constant 0.000000e+00 : f32
      %parallel_loop3A_1214 = vector.broadcast %parallel_loop3A_1213 : f32 to vector<16xf32>
      %parallel_loop3A_1215 = arith.maximumf %parallel_loop3A_1212, %parallel_loop3A_1214 : vector<16xf32>
      %parallel_loop3A_1216 = arith.addi %mul3A_2, %parallel_loop3A_1130 : i32
      %parallel_loop3A_1217 = vector.broadcast %parallel_loop3A_1216 : i32 to vector<16xi32>
      %parallel_loop3A_1218 = arith.addi %iota3A, %parallel_loop3A_1217 : vector<16xi32>
      %parallel_loop3A_1219 = arith.constant 10000 : i32
      %parallel_loop3A_1220 = vector.broadcast %parallel_loop3A_1219 : i32 to vector<16xi32>
      %parallel_loop3A_1221 = arith.cmpi slt, %parallel_loop3A_1218, %parallel_loop3A_1220 : vector<16xi32>
      %parallel_loop3A_1222 = arith.constant 0.000000e+00 : f32
      %parallel_loop3A_1223 = vector.broadcast %parallel_loop3A_1222 : f32 to vector<16xf32>
      %parallel_loop3A_1224 = arith.select %parallel_loop3A_1221, %parallel_loop3A_1215, %parallel_loop3A_1223 : vector<16xi1>, vector<16xf32>
      %parallel_loop3A_1225 = arith.addf %parallel_loop3A_1129, %parallel_loop3A_1224 : vector<16xf32>
      scf.yield %parallel_loop3A_1225 : vector<16xf32>
    } {sc.loop_unroll_factor = 2 : i64, sc.parallel_access}
    %swap3A = arith.constant 0 : index
    %swap3A_1127 = tpu.vector_load %arg14[%swap3A] {strides = array<i32>} : memref<16xf32, #tpu.memory_space<vmem>>, vector<16xf32>,
    tpu.vector_store %arg14[%swap3A], %parallel_loop3A_1126 {strides = array<i32>} : memref<16xf32, #tpu.memory_space<vmem>>, vector<16xf32>,
    "tpu.region"() ({
      %run_scoped3A = tpu.sem_alloc : memref<!tpu.dma_semaphore, #tpu.memory_space<semaphore_mem>>
      %dma_start3A_1128 = arith.constant 0 : i32
      %dma_start3A_1129 = tpu.memref_slice %arg6[%arg1, %dma_start3A_1128] : memref<16x16xf32, #tpu.memory_space<hbm>> -> memref<1x16xf32, #tpu.memory_space<hbm>>
      %dma_start3A_1130 = tpu.memref_squeeze %dma_start3A_1129 : memref<1x16xf32, #tpu.memory_space<hbm>> -> memref<16xf32, #tpu.memory_space<hbm>>
      %dma_start3A_1131 = arith.constant 0 : i32
      %dma_start3A_1132 = tpu.memref_slice %arg6[%arg1, %dma_start3A_1131] : memref<16x16xf32, #tpu.memory_space<hbm>> -> memref<1x16xf32, #tpu.memory_space<hbm>>
      %dma_start3A_1133 = tpu.memref_squeeze %dma_start3A_1132 : memref<1x16xf32, #tpu.memory_space<hbm>> -> memref<16xf32, #tpu.memory_space<hbm>>
      tpu.enqueue_dma source(%arg14 : memref<16xf32, #tpu.memory_space<vmem>>) target(%dma_start3A_1133 : memref<16xf32, #tpu.memory_space<hbm>>) target_semaphore(%run_scoped3A : memref<!tpu.dma_semaphore, #tpu.memory_space<semaphore_mem>>)
      %dma_wait3A_1134 = arith.constant 0 : i32
      %dma_wait3A_1135 = tpu.memref_slice %arg6[%arg1, %dma_wait3A_1134] : memref<16x16xf32, #tpu.memory_space<hbm>> -> memref<1x16xf32, #tpu.memory_space<hbm>>
      %dma_wait3A_1136 = tpu.memref_squeeze %dma_wait3A_1135 : memref<1x16xf32, #tpu.memory_space<hbm>> -> memref<16xf32, #tpu.memory_space<hbm>>
      %dma_wait3A_1137 = arith.constant 0 : i32
      %dma_wait3A_1138 = tpu.memref_slice %arg6[%arg1, %dma_wait3A_1137] : memref<16x16xf32, #tpu.memory_space<hbm>> -> memref<1x16xf32, #tpu.memory_space<hbm>>
      %dma_wait3A_1139 = tpu.memref_squeeze %dma_wait3A_1138 : memref<1x16xf32, #tpu.memory_space<hbm>> -> memref<16xf32, #tpu.memory_space<hbm>>
      tpu.wait_dma2 semaphore(%run_scoped3A : memref<!tpu.dma_semaphore, #tpu.memory_space<semaphore_mem>>) src(%arg14 : memref<16xf32, #tpu.memory_space<vmem>>) dst(%dma_wait3A_1139 : memref<16xf32, #tpu.memory_space<hbm>>)
      tpu.yield
    }) : () -> ()
    return
  }
}

module attributes {stable_mosaic.version = 14 : i64} {
  func.func @_proj_body(%arg0: i32, %arg1: memref<8x128xf32, #tpu.memory_space<vmem>>, %arg2: memref<2048x128xf32, #tpu.memory_space<vmem>>, %arg3: memref<2x65536xi32, #tpu.memory_space<vmem>>, %arg4: memref<2048xf32, #tpu.memory_space<vmem>>, %arg5: memref<2048xf32, #tpu.memory_space<vmem>>, %arg6: memref<65536xi32, #tpu.memory_space<vmem>>) attributes {dimension_semantics = [#tpu.dimension_semantics<arbitrary>], iteration_bounds = array<i64: 5>, scalar_prefetch = 0 : i64, scratch_operands = 0 : i64, tpu.core_type = #tpu.core_type<tc>, window_params = [{pipeline_mode = #tpu.pipeline_mode<synchronous>, transform_indices = @transform_0, window_bounds = array<i64: 8, 128>}, {transform_indices = @transform_1, window_bounds = array<i64: 2048, 128>}, {transform_indices = @transform_2, window_bounds = array<i64: 2, 65536>}, {transform_indices = @transform_3, window_bounds = array<i64: 2048>}, {transform_indices = @transform_4, window_bounds = array<i64: 2048>}, {transform_indices = @transform_5, window_bounds = array<i64: 65536>}]} {
    %get3A = arith.constant 0 : index
    %get3A_0 = arith.constant 0 : index
    %get3A_1 = vector.load %arg1[%get3A, %get3A_0] : memref<8x128xf32, #tpu.memory_space<vmem>>, vector<8x128xf32>
    %get3A_2 = arith.constant 0 : index
    %get3A_3 = arith.constant 0 : index
    %get3A_4 = vector.load %arg2[%get3A_2, %get3A_3] : memref<2048x128xf32, #tpu.memory_space<vmem>>, vector<2048x128xf32>
    %dot_general3A = arith.constant dense<0.000000e+00> : vector<8x2048xf32>
    %dot_general3A_5 = tpu.matmul %get3A_1, %get3A_4, %dot_general3A {dimension_numbers = #tpu.dot_dimension_numbers<[1], [1], [0], [0], [0, 0, 1, 0], [], []>, transpose_lhs_hint = false} : vector<8x128xf32>, vector<2048x128xf32>, vector<8x2048xf32> -> vector<8x2048xf32>
    %slice3A = vector.extract_strided_slice %dot_general3A_5 {offsets = [0, 0], sizes = [1, 2048], strides = [1, 1]} : vector<8x2048xf32> to vector<1x2048xf32>
    %squeeze3A = vector.shape_cast %slice3A : vector<1x2048xf32> to vector<2048xf32>
    %swap3A = arith.constant 0 : index
    %swap3A_6 = vector.load %arg4[%swap3A] : memref<2048xf32, #tpu.memory_space<vmem>>, vector<2048xf32>
    tpu.vector_store %arg4[%swap3A], %squeeze3A {strides = array<i32>} : memref<2048xf32, #tpu.memory_space<vmem>>, vector<2048xf32>,
    %slice3A_7 = vector.extract_strided_slice %dot_general3A_5 {offsets = [1, 0], sizes = [1, 2048], strides = [1, 1]} : vector<8x2048xf32> to vector<1x2048xf32>
    %squeeze3A_8 = vector.shape_cast %slice3A_7 : vector<1x2048xf32> to vector<2048xf32>
    %swap3A_9 = arith.constant 0 : index
    %swap3A_10 = vector.load %arg5[%swap3A_9] : memref<2048xf32, #tpu.memory_space<vmem>>, vector<2048xf32>
    tpu.vector_store %arg5[%swap3A_9], %squeeze3A_8 {strides = array<i32>} : memref<2048xf32, #tpu.memory_space<vmem>>, vector<2048xf32>,
    %get3A_11 = arith.constant 0 : index
    %get3A_12 = arith.constant 0 : index
    %get3A_13 = vector.load %arg3[%get3A_11, %get3A_12] : memref<2x65536xi32, #tpu.memory_space<vmem>>, vector<2x65536xi32>
    %slice3A_14 = vector.extract_strided_slice %get3A_13 {offsets = [1, 0], sizes = [1, 65536], strides = [1, 1]} : vector<2x65536xi32> to vector<1x65536xi32>
    %squeeze3A_15 = vector.shape_cast %slice3A_14 : vector<1x65536xi32> to vector<65536xi32>
    %shift_left3A = arith.constant 16 : i32
    %shift_left3A_16 = vector.broadcast %shift_left3A : i32 to vector<65536xi32>
    %shift_left3A_17 = arith.shli %squeeze3A_15, %shift_left3A_16 : vector<65536xi32>
    %slice3A_18 = vector.extract_strided_slice %get3A_13 {offsets = [0, 0], sizes = [1, 65536], strides = [1, 1]} : vector<2x65536xi32> to vector<1x65536xi32>
    %squeeze3A_19 = vector.shape_cast %slice3A_18 : vector<1x65536xi32> to vector<65536xi32>
    %or3A = arith.ori %shift_left3A_17, %squeeze3A_19 : vector<65536xi32>
    %swap3A_20 = arith.constant 0 : index
    %swap3A_21 = vector.load %arg6[%swap3A_20] : memref<65536xi32, #tpu.memory_space<vmem>>, vector<65536xi32>
    tpu.vector_store %arg6[%swap3A_20], %or3A {strides = array<i32>} : memref<65536xi32, #tpu.memory_space<vmem>>, vector<65536xi32>,
    return
  }
  func.func @transform_0(%arg0: i32) -> (i32, i32) {
    %c0_i32 = arith.constant 0 : i32
    %c0_i32_0 = arith.constant 0 : i32
    %c0_i32_1 = arith.constant 0 : i32
    return %c0_i32, %c0_i32_0 : i32, i32
  }
  func.func @transform_1(%arg0: i32) -> (i32, i32) {
    %c0_i32 = arith.constant 0 : i32
    %c0_i32_0 = arith.constant 0 : i32
    return %arg0, %c0_i32 : i32, i32
  }
  func.func @transform_2(%arg0: i32) -> (i32, i32) {
    %c0_i32 = arith.constant 0 : i32
    %c0_i32_0 = arith.constant 0 : i32
    return %c0_i32, %arg0 : i32, i32
  }
  func.func @transform_3(%arg0: i32) -> i32 {
    %c0_i32 = arith.constant 0 : i32
    return %arg0 : i32
  }
  func.func @transform_4(%arg0: i32) -> i32 {
    %c0_i32 = arith.constant 0 : i32
    return %arg0 : i32
  }
  func.func @transform_5(%arg0: i32) -> i32 {
    %c0_i32 = arith.constant 0 : i32
    return %arg0 : i32
  }
}

module attributes {stable_mosaic.version = 14 : i64} {
  func.func @_readout_body(%arg0: memref<16x16xf32, #tpu.memory_space<vmem>>, %arg1: memref<1x8xf32, #tpu.memory_space<vmem>>, %arg2: memref<1x8xf32, #tpu.memory_space<vmem>>, %arg3: memref<4x8xf32, #tpu.memory_space<vmem>>, %arg4: memref<1x4xf32, #tpu.memory_space<vmem>>, %arg5: memref<1x4xf32, #tpu.memory_space<vmem>>) attributes {dimension_semantics = [], scalar_prefetch = 0 : i64, scratch_operands = 0 : i64, tpu.core_type = #tpu.core_type<tc>} {
    %get3A = arith.constant 0 : index
    %get3A_0 = arith.constant 0 : index
    %get3A_1 = vector.load %arg0[%get3A, %get3A_0] : memref<16x16xf32, #tpu.memory_space<vmem>>, vector<16x16xf32>
    %reduce_sum3A = vector.shape_cast %get3A_1 : vector<16x16xf32> to vector<1x16x16xf32>
    %reduce_sum3A_2 = arith.constant dense<0.000000e+00> : vector<1xf32>
    %reduce_sum3A_3 = vector.multi_reduction <add>, %reduce_sum3A, %reduce_sum3A_2 [1, 2] : vector<1x16x16xf32> to vector<1xf32>
    %reduce_sum3A_4 = vector.shape_cast %reduce_sum3A_3 : vector<1xf32> to vector<1x1x1xf32>
    %reduce_sum3A_5 = vector.extract %reduce_sum3A_4[0, 0, 0] : f32 from vector<1x1x1xf32>
    %get3A_6 = arith.constant 0 : index
    %get3A_7 = arith.constant 0 : index
    %get3A_8 = vector.load %arg1[%get3A_6, %get3A_7] : memref<1x8xf32, #tpu.memory_space<vmem>>, vector<1x8xf32>
    %mul3A = vector.broadcast %reduce_sum3A_5 : f32 to vector<1x8xf32>
    %mul3A_9 = arith.mulf %mul3A, %get3A_8 : vector<1x8xf32>
    %get3A_10 = arith.constant 0 : index
    %get3A_11 = arith.constant 0 : index
    %get3A_12 = vector.load %arg2[%get3A_10, %get3A_11] : memref<1x8xf32, #tpu.memory_space<vmem>>, vector<1x8xf32>
    %add3A = arith.addf %mul3A_9, %get3A_12 : vector<1x8xf32>
    %mul3A_13 = arith.constant 1.000000e+03 : f32
    %mul3A_14 = vector.broadcast %mul3A_13 : f32 to vector<1x8xf32>
    %mul3A_15 = arith.mulf %add3A, %mul3A_14 : vector<1x8xf32>
    %neg3A = arith.constant 0.000000e+00 : f32
    %neg3A_16 = vector.broadcast %neg3A : f32 to vector<1x8xf32>
    %neg3A_17 = arith.subf %neg3A_16, %mul3A_15 : vector<1x8xf32>
    %exp3A = math.exp %neg3A_17 : vector<1x8xf32>
    %add3A_18 = arith.constant 1.000000e+00 : f32
    %add3A_19 = vector.broadcast %add3A_18 : f32 to vector<1x8xf32>
    %add3A_20 = arith.addf %add3A_19, %exp3A : vector<1x8xf32>
    %div3A = arith.constant 1.000000e+00 : f32
    %div3A_21 = vector.broadcast %div3A : f32 to vector<1x8xf32>
    %div3A_22 = arith.divf %div3A_21, %add3A_20 : vector<1x8xf32>
    %get3A_23 = arith.constant 0 : index
    %get3A_24 = arith.constant 0 : index
    %get3A_25 = vector.load %arg3[%get3A_23, %get3A_24] : memref<4x8xf32, #tpu.memory_space<vmem>>, vector<4x8xf32>
    %mul3A_26 = vector.broadcast %div3A_22 : vector<1x8xf32> to vector<4x8xf32>
    %mul3A_27 = arith.mulf %get3A_25, %mul3A_26 : vector<4x8xf32>
    %reduce_sum3A_28 = arith.constant dense<0.000000e+00> : vector<4xf32>
    %reduce_sum3A_29 = vector.multi_reduction <add>, %mul3A_27, %reduce_sum3A_28 [1] : vector<4x8xf32> to vector<4xf32>
    %reshape3A = vector.shape_cast %reduce_sum3A_29 : vector<4xf32> to vector<1x4xf32>
    %get3A_30 = arith.constant 0 : index
    %get3A_31 = arith.constant 0 : index
    %get3A_32 = vector.load %arg4[%get3A_30, %get3A_31] : memref<1x4xf32, #tpu.memory_space<vmem>>, vector<1x4xf32>
    %add3A_33 = arith.addf %reshape3A, %get3A_32 : vector<1x4xf32>
    %max3A = arith.constant 0.000000e+00 : f32
    %max3A_34 = vector.broadcast %max3A : f32 to vector<1x4xf32>
    %max3A_35 = arith.maximumf %add3A_33, %max3A_34 : vector<1x4xf32>
    %reduce_max3A = arith.constant dense<0xFF800000> : vector<1xf32>
    %reduce_max3A_36 = vector.multi_reduction <maximumf>, %max3A_35, %reduce_max3A [1] : vector<1x4xf32> to vector<1xf32>
    %broadcast_in_dim3A = vector.shape_cast %reduce_max3A_36 : vector<1xf32> to vector<1x1xf32>
    %sub3A = vector.broadcast %broadcast_in_dim3A : vector<1x1xf32> to vector<1x4xf32>
    %sub3A_37 = arith.subf %max3A_35, %sub3A : vector<1x4xf32>
    %exp3A_38 = math.exp %sub3A_37 : vector<1x4xf32>
    %reduce_sum3A_39 = arith.constant dense<0.000000e+00> : vector<1xf32>
    %reduce_sum3A_40 = vector.multi_reduction <add>, %exp3A_38, %reduce_sum3A_39 [1] : vector<1x4xf32> to vector<1xf32>
    %broadcast_in_dim3A_41 = vector.shape_cast %reduce_sum3A_40 : vector<1xf32> to vector<1x1xf32>
    %log3A = math.log %broadcast_in_dim3A_41 : vector<1x1xf32>
    %add3A_42 = arith.addf %log3A, %broadcast_in_dim3A : vector<1x1xf32>
    %sub3A_43 = vector.broadcast %add3A_42 : vector<1x1xf32> to vector<1x4xf32>
    %sub3A_44 = arith.subf %max3A_35, %sub3A_43 : vector<1x4xf32>
    %swap3A = arith.constant 0 : index
    %swap3A_45 = arith.constant 0 : index
    %swap3A_46 = vector.load %arg5[%swap3A, %swap3A_45] : memref<1x4xf32, #tpu.memory_space<vmem>>, vector<1x4xf32>
    tpu.vector_store %arg5[%swap3A, %swap3A_45], %sub3A_44 {strides = array<i32>} : memref<1x4xf32, #tpu.memory_space<vmem>>, vector<1x4xf32>,
    return
  }
}

</mosaic_0001>

<sc_bundles>
// kernel: kernel.5.cloned.1.call-start
scs
__scs_entry_jumppad:
0x0: {  	(pc) =	sbr.rel $0x88, $3  }
0x1: {  	(tag) =	ssettag $0x0;
	lr =	simm.s32 $0x1  }
0x2: {  	[smem:$0x3F92] =	sst lr;
	_ =	strace $0xD0000000  }
0x3: {  	_ = 	snop  }
0x4: {  	_ = 	snop  }
0x5: {  	_ = 	snop  }
0x6: {  	_ = 	snop  }
0x7: {  	_ = 	snop  }
__scs_overlays_trampoline_lowered:
0x8: {  	[smem:$0x3FA1] =	sst s0  }
0x9: {  	[smem:$0x3FA2] =	sst s1  }
0xa: {  	[smem:$0x3FA3] =	sst s2  }
0xb: {  	[smem:$0x3FA4] =	sst s3  }
0xc: {  	[smem:$0x3FA5] =	sst s4  }
0xd: {  	[smem:$0x3FA6] =	sst s5  }
0xe: {  	[smem:$0x3FA7] =	sst s6  }
0xf: {  	[smem:$0x3FA8] =	sst s7  }
0x10: {  	[smem:$0x3FA9] =	sst s8  }
0x11: {  	[smem:$0x3FAA] =	sst s9;
	s0 =	simm.s32 @!p0 $0x0  }
0x12: {  	s1 =	sld [smem:$0x3F90];
	s0 =	simm.s32 @p0 $0x1  }
0x13: {  	[smem:$0x3FAB] =	sst s0;
	s0 =	simm.s32 @!p1 $0x0  }
0x14: {  	s2 =	sld [smem:$0x3F8F];
	s0 =	simm.s32 @p1 $0x1  }
0x15: {  	[smem:$0x3FAC] =	sst s0;
	s0 =	simm.s32 @!p2 $0x0  }
0x16: {  	s3 =	sld [smem:$0x3FDB];
	s0 =	simm.s32 @p2 $0x1  }
0x17: {  	s4 =	simm.s32 $0x1BF5;
	[smem:$0x3FAE] =	sst s0  }
0x18: {  	s0 =	sld [smem:$0x3F91];
	_ =	swait.ge [sflag:s4], $0x0  }
0x19: {  	s7 =	sld [smem:$0x3F92]  }
0x1a: {  	s8 =	sadd.s32 $0xFFFFE003, lr  }
0x1b: {  	s9 =	sadd.s32 $0xFFFFFEF7, lr;
	s5 =	simm.s32 $0xFFFFFFFF;
	p2 =	slt.u32 s8, $0xFFFFF086  }
0x1c: {  	p1 =	slt.u32 s9, $0xF7A;
	s5 =	simm.s32 @!p2 $0x0  }
0x1d: {  	s5 =	simm.s32 @p1 $0x1;
	p0 =	seq.s32 s7, s2  }
0x1e: {  	s7 =	smul.u32 @!p0 $0xF7A, s2;
	p2 =	seq.s32 @!p0 s5, $0x0  }
0x1f: {  	s9 =	smul.u32 $0xF7A, s1;
	s8 =	simm.s32 @!p0 $0x1BF5;
	p2 =	por !p2, p0  }
0x20: {  	[sflag:s8] =	ssyncset.s32 @!p0 $0xFFFFF086;
	s6 =	sadd.s32 @!p0 s3, s7;
	s7 =	simm.s32 @!p0 $0x108  }
0x21: {  	s3 =	sadd.s32 s3, s9;
	s6 =	sadd.s32 @!p0 $0x88, s6;
	s7 =	simm.s32 @p2 $0x1082  }
0x22: {  	[simem:s7], [sflag:s8] =	dma.local @!p0 [hbm:s6], $0xF7A  }
0x23: {  	s9 =	sor.u32 $0xD0000000, s2;
	s6 =	simm.s32 $0x108;
	_ =	swait.ge @!p0 [sflag:s8], $0x0  }
0x24: {  	s3 =	sadd.s32 $0x88, s3;
	s6 =	simm.s32 @!p1 $0x1082;
	[sflag:s4] =	ssyncset.s32 $0xFFFFF086  }
0x25: {  	[simem:s6], [sflag:s4] =	dma.local [hbm:s3], $0xF7A  }
0x26: {  	[smem:$0x3F92] =	sst s1;
	(tag) =	ssettag s2;
	_ =	strace s9  }
0x27: {  	s1 =	sld [smem:$0x3FA2]  }
0x28: {  	s2 =	sld [smem:$0x3FA3]  }
0x29: {  	s4 =	sld [smem:$0x3FA5]  }
0x2a: {  	p0 =	seq.s32 s5, $0x0;
	s5 =	sld [smem:$0x3FA6]  }
0x2b: {  	s6 =	sld [smem:$0x3FA7]  }
0x2c: {  	s7 =	sld [smem:$0x3FA8]  }
0x2d: {  	s3 =	simm.s32 $0x108;
	s8 =	sld [smem:$0x3FA9]  }
0x2e: {  	s3 =	simm.s32 @!p0 $0x1082;
	s9 =	sld [smem:$0x3FAA]  }
0x2f: {  	lr =	sadd.s32 s0, s3;
	s0 =	sld [smem:$0x3FA1]  }
0x30: {  	s3 =	sld [smem:$0x3FA4]  }
0x31: {  	[smem:$0x3FAD] =	sst s10  }
0x32: {  	s10 =	sld [smem:$0x3FAB];
	_ =	sdelay $0x3  }
0x33: {  	p0 =	seq.s32 s10, $0x1;
	s10 =	sld [smem:$0x3FAD];
	_ =	sdelay $0x3  }
0x34: {  	[smem:$0x3FAD] =	sst s10  }
0x35: {  	s10 =	sld [smem:$0x3FAC];
	_ =	sdelay $0x3  }
0x36: {  	p1 =	seq.s32 s10, $0x1;
	s10 =	sld [smem:$0x3FAD];
	_ =	sdelay $0x3  }
0x37: {  	[smem:$0x3FAD] =	sst s10  }
0x38: {  	s10 =	sld [smem:$0x3FAE]  }
0x39: {  	_ = 	snop;
	(pc) =	sbr.ind lr, $3  }
0x3a: {  	_ = 	snop  }
0x3b: {  	_ = 	snop  }
0x3c: {  	p2 =	seq.s32 s10, $0x1;
	s10 =	sld [smem:$0x3FAD]  }
0x3d: {  	_ =	shalt  }
0x3e: {  	_ =	shalt  }
0x3f: {  	_ =	shalt  }
0x40: {  	_ =	shalt  }
0x41: {  	_ =	shalt  }
0x42: {  	_ =	shalt  }
0x43: {  	_ =	shalt  }
0x44: {  	_ =	shalt  }
0x45: {  	_ =	shalt  }
0x46: {  	_ =	shalt  }
0x47: {  	_ =	shalt  }
0x48: {  	_ =	shalt  }
0x49: {  	_ =	shalt  }
0x4a: {  	_ =	shalt  }
0x4b: {  	_ =	shalt  }
0x4c: {  	_ =	shalt  }
0x4d: {  	_ =	shalt  }
0x4e: {  	_ =	shalt  }
0x4f: {  	_ =	shalt  }
0x50: {  	_ =	shalt  }
0x51: {  	_ =	shalt  }
0x52: {  	_ =	shalt  }
0x53: {  	_ =	shalt  }
0x54: {  	_ =	shalt  }
0x55: {  	_ =	shalt  }
0x56: {  	_ =	shalt  }
0x57: {  	_ =	shalt  }
0x58: {  	_ =	shalt  }
0x59: {  	_ =	shalt  }
0x5a: {  	_ =	shalt  }
0x5b: {  	_ =	shalt  }
0x5c: {  	_ =	shalt  }
0x5d: {  	_ =	shalt  }
0x5e: {  	_ =	shalt  }
0x5f: {  	_ =	shalt  }
0x60: {  	_ =	shalt  }
0x61: {  	_ =	shalt  }
0x62: {  	_ =	shalt  }
0x63: {  	_ =	shalt  }
0x64: {  	_ =	shalt  }
0x65: {  	_ =	shalt  }
0x66: {  	_ =	shalt  }
0x67: {  	_ =	shalt  }
0x68: {  	_ =	shalt  }
0x69: {  	_ =	shalt  }
0x6a: {  	_ =	shalt  }
0x6b: {  	_ =	shalt  }
0x6c: {  	_ =	shalt  }
0x6d: {  	_ =	shalt  }
0x6e: {  	_ =	shalt  }
0x6f: {  	_ =	shalt  }
0x70: {  	_ =	shalt  }
0x71: {  	_ =	shalt  }
0x72: {  	_ =	shalt  }
0x73: {  	_ =	shalt  }
0x74: {  	_ =	shalt  }
0x75: {  	_ =	shalt  }
0x76: {  	_ =	shalt  }
0x77: {  	_ =	shalt  }
0x78: {  	_ =	shalt  }
0x79: {  	_ =	shalt  }
0x7a: {  	_ =	shalt  }
0x7b: {  	_ =	shalt  }
0x7c: {  	_ =	shalt  }
0x7d: {  	_ =	shalt  }
0x7e: {  	_ =	shalt  }
0x7f: {  	_ =	shalt  }
0x80: {  	_ =	shalt  }
0x81: {  	_ =	shalt  }
0x82: {  	_ =	shalt  }
0x83: {  	_ =	shalt  }
0x84: {  	_ =	shalt  }
0x85: {  	_ =	shalt  }
0x86: {  	_ =	shalt  }
0x87: {  	_ =	shalt  }
.Lfunc_end0:
.L_simem_size_0:
called_computation_lowered:
.L_overlay_start_0:
0x88: {  	s0 =	sld [smem:$0x3FD9]  }
0x89: {  	s1 =	sld [smem:$0x3FFE];
	_ =	sdelay $0x3  }
0x8a: {  	s0 =	sadd.s32 s1, s0  }
0x8b: {  	[smem:$0x3FB9] =	sst s0  }
0x8c: {  	_ = 	snop  }
0x8d: {  	(tm) =	ssettm $0x1  }
0x8e: {  	s15 =	sld [smem:$0x3FFB];
	_ =	sdelay $0x3  }
0x8f: {  	_ =	strace s15  }
0x90: {  	s0 =	sld [smem:$0x3FFC];
	_ =	sdelay $0x3  }
0x91: {  	_ =	strace s0  }
0x92: {  	s0 =	sld [smem:$0x3FFD];
	_ =	sdelay $0x3  }
0x93: {  	_ =	strace s0  }
0x94: {  	_ =	strace $0x8FFFFFFF  }
0x95: {  	s16 =	sld [smem:$0x3FDB];
	_ =	sdelay $0x1  }
0x96: {  	s17 =	simm.s32 $_scs_section_size  }
0x97: {  	s2 =	simm.s32 $_size__tile_overlayer_lowered;
	s3 =	simm.s32 $_tile_overlayer_lowered  }
0x98: {  	s20 =	simm.s32 $0x1BFF;
	s19 =	sshll.u32 s3, $0x1;
	s0 =	sadd.s32 s17, s16  }
0x99: {  	s4 =	simm.s32 $0x0;
	s18 =	sshll.u32 s2, $0x1;
	s2 =	sadd.s32 s19, s0  }
0x9a: {  	[timem:s4], [sflag:s20] =	dma.local [hbm:s2], s18  }
0x9b: {  	_ =	swait.ge [sflag:s20], s18  }
0x9c: {  	s1 =	ssub.s32 $0x0, s18;
	[sflag:s20] =	ssyncset.done $0x0  }
0x9d: {  	[sflag:s20] =	ssyncadd.s32 s1;
	_ =	sdelay $0x1  }
0x9e: {  	s21 =	simm.s32 $0x1B8B  }
0x9f: {  	_ =	swait.ge [sflag:s21], $0x1  }
0xa0: {  	[sflag:s21] =	ssyncset.done $0x0  }
0xa1: {  	s23 =	simm.s32 $0x1B8E;
	s22 =	sld [smem:$0x3FFE];
	[sflag:s21] =	ssyncadd.s32 $0xFFFFFFFF  }
0xa2: {  	s24 =	simm.s32 $execute0_lowered;
	[smem:$0x3FD2] =	sst s23  }
0xa3: {  	s2 =	sshll.u32 s24, $0x1;
	_ =	strace $0x80000046;
	[dreg:$0x1] =	wrdreg $0xFFFFFFFF  }
0xa4: {  	s25 =	simm.s32 $_size_execute0_lowered;
	s0 =	sadd.s32 s0, s2;
	[dreg:$0x0] =	wrdreg $0x0  }
0xa5: {  	s2 =	sshll.u32 s25, $0x1;
	[dreg:$0x2] =	wrdreg s0  }
0xa6: {  	[dreg:$0x3] =	wrdreg s2  }
0xa7: {  	[dreg:$0x4] =	wrdreg $0xC0  }
0xa8: {  	_ =	task [dreg:s4], $0x5FFFF  }
0xa9: {  	[dreg:$0x1] =	wrdreg $0xFFFFFFFF  }
0xaa: {  	[dreg:$0x0] =	wrdreg $0x60  }
0xab: {  	[dreg:$0x2] =	wrdreg s22  }
0xac: {  	[dreg:$0x3] =	wrdreg $0xD0000  }
0xad: {  	[dreg:$0x4] =	wrdreg $0xF8000  }
0xae: {  	[dreg:$0x5] =	wrdreg $0x9  }
0xaf: {  	_ =	task.clear_ibuf [dreg:s4], $0x6FFFF;
	_ =	strace $0x90000046  }
0xb0: {  	s26 =	simm.s32 $0x9;
	_ =	strace $0x80000048  }
0xb1: {  	_ =	swait.ge [sflag:s26], $0x1  }
0xb2: {  	[sflag:s26] =	ssyncadd.s32 $0xFFFFFFFF  }
0xb3: {  	_ =	strace $0x90000048  }
0xb4: {  	_ =	sfence  }
0xb5: {  	s28 =	sld [smem:$0x0];
	_ =	sdelay $0x1  }
0xb6: {  	s29 =	srdreg.scid  }
0xb7: {  	s30 =	sshll.u32 s29, $0xD;
	s31 =	sshrl.u32 s29, $0x2  }
0xb8: {  	s1 =	sand.u32 $0x1, s29;
	s2 =	sand.u32 $0x4000, s30;
	s0 =	sadd.s32 s31, s28  }
0xb9: {  	s1 =	sor.u32 s2, s1;
	s0 =	sshll.u32 s0, $0x11  }
0xba: {  	s0 =	sor.u32 s0, s1  }
0xbb: {  	s0 =	sadd.s32 $0x8F2B, s0  }
0xbc: {  	[sflag:s0] =	ssyncadd.remote.s32 $0x1  }
0xbd: {  	_ =	sfence.sel $0xFFFF  }
0xbe: {  	[dreg:$0x0] =	wrdreg $0xFFFFFFFF;
	(pc) =	sbr.abs _section_cstart, $3  }
0xbf: {  	[dreg:$0x1] =	wrdreg $0xFFFFFFFF  }
0xc0: {  	_ =	task.clear_ibuf [dreg:s4], $0x2FFFF;
	_ =	strace $0x9FFFFFFF  }
0xc1: {  	(tm) =	ssettm $0x7FFFFFFF  }
tec
execute0_lowered:
.L_overlay_start_1:
0x0: {  	(tag) =	ssettag $0x1  }
0x1: {  	s0 =	stileid.u32  }
0x2: {  	s4 =	rddreg [dreg:$0x0];
	s1 =	smul.u32 $0x9C4, s0  }
0x3: {  	s23 =	rddreg [dreg:$0x1];
	s3 =	simm.s32 $0x0  }
0x4: {  	[smem:$0x7FF] =	sst s3;
	s1 =	sadd.s32 s1, s4  }
0x5: {  	s2 =	smul.u32 $0x280, s0;
	_ =	strace $0x80000047;
	s1 =	sadd.s32 $0x1E00, s1  }
0x6: {  	[tilespmem:s3], [sflag:$0x1] =	stream.linear.gather [hbm4b:s1+s3], $0x4E20, $0x38;
	[tilespmem:$0xFA80] =	vst v63  }
0x7: {  	s6 =	simm.s32 $0xCB80;
	s5 =	sadd.s32 $0x1C00, s4;
	s26 =	sshrl.u32 s2, $0x3  }
0x8: {  	[tilespmem:s6], [sflag:$0x1] =	stream.linear.gather [hbm4b:s5+s3], $0x400, $0x38;
	[tilespmem:$0xFA80] =	vst v63  }
0x9: {  	s29 =	simm.s32 $0x4E80;
	s28 =	sadd.s32 $0xBE00, s4;
	s1 =	sadd.s32 s26, s4  }
0xa: {  	[tilespmem:s29], [sflag:$0x1] =	stream.linear.gather [hbm4b:s28+s3], $0x2800, $0x38;
	[tilespmem:$0xFA80] =	vst v63  }
0xb: {  	s30 =	simm.s32 $0x9E80;
	s31 =	simm.s32 $0x1;
	s1 =	sadd.s32 $0xC400, s1  }
0xc: {  	[tilespmem:s30], [sflag:$0x1] =	stream.linear.gather [hbm4b:s1+s3], $0x280, $0x38;
	[tilespmem:$0xFA80] =	vst v63  }
0xd: {  	_ =	swait.ge [sflag:s31], $0x4E20  }
0xe: {  	[sflag:s31] =	ssyncset.done $0x0  }
0xf: {  	[sflag:s31] =	ssyncadd.s32 $0xFFFFB1E0  }
0x10: {  	_ =	swait.ge [sflag:s31], $0x400  }
0x11: {  	[sflag:s31] =	ssyncset.done $0x0  }
0x12: {  	[sflag:s31] =	ssyncadd.s32 $0xFFFFFC00  }
0x13: {  	_ =	swait.ge [sflag:s31], $0x2800  }
0x14: {  	[sflag:s31] =	ssyncset.done $0x0  }
0x15: {  	[sflag:s31] =	ssyncadd.s32 $0xFFFFD800  }
0x16: {  	_ =	swait.ge [sflag:s31], $0x280  }
0x17: {  	[sflag:s31] =	ssyncset.done $0x0  }
0x18: {  	[sflag:s31] =	ssyncadd.s32 $0xFFFFFD80  }
0x19: {  	s3 =	simm.s32 $0x9EA0;
	v0 =	vld [tilespmem:$0xCE80]  }
0x1a: {  	v1 =	vld [tilespmem:s3+$0xFFFFFFE0]  }
0x1b: {  	v3 =	vld [tilespmem:s3+$0x10];
	_ =	sdelay $0x1  }
0x1c: {  	v4 =	vld [tilespmem:s3+$0x0];
	_ =	sdelay $0x1  }
0x1d: {  	v5 =	vld [tilespmem:s3+$0xFFFFFFF0];
	v6 =	vadd.f32 v1, v0  }
0x1e: {  	s1 =	simm.s32 $0x9EE0;
	v7 =	vadd.f32 v3, v0  }
0x1f: {  	v2 =	vld [tilespmem:s1+$0xFFFFFFE0];
	[tilespmem:s3+$0xFFFFFFE0] =	vst v6  }
0x20: {  	s4 =	sadd.s32 $0xCA00, s4;
	v1 =	vld [tilespmem:s1+$0x10];
	v6 =	vadd.f32 v4, v0;
	[tilespmem:s3+$0x10] =	vst v7  }
0x21: {  	v3 =	vld [tilespmem:s1+$0x0];
	[dreg:$0x4] =	wrdreg s4  }
0x22: {  	v5 =	vadd.f32 v5, v0;
	s4 =	simm.s32 $0x40;
	v4 =	vld [tilespmem:s1+$0xFFFFFFF0];
	[tilespmem:s3+$0x0] =	vst v6  }
.LBB2_1:
0x23: {  	s4 =	sadd.s32 $0x40, s4  }
0x24: {  	[tilespmem:s3+$0xFFFFFFF0] =	vst v5;
	s3 =	smov.u32 s1;
	p0 =	slt.u32 s4, $0x240  }
.Ltmp0:
0x25: {  	s1 =	sadd.s32 $0x40, s1;
	v5 =	vadd.f32 v2, v0;
	(pc) =	sbr.rel @p0 .LBB2_1-.Ltmp0, $4  }
0x26: {  	v2 =	vld [tilespmem:s1+$0xFFFFFFE0];
	v6 =	vadd.f32 v1, v0  }
0x27: {  	v1 =	vld [tilespmem:s1+$0x10];
	[tilespmem:s3+$0xFFFFFFE0] =	vst v5;
	v7 =	vadd.f32 v3, v0  }
0x28: {  	v3 =	vld [tilespmem:s1+$0x0];
	v5 =	vadd.f32 v4, v0;
	[tilespmem:s3+$0x10] =	vst v6  }
0x29: {  	v4 =	vld [tilespmem:s1+$0xFFFFFFF0];
	[tilespmem:s3+$0x0] =	vst v7  }
0x2a: {  	_ = 	snop  }
0x2b: {  	v2 =	vadd.f32 v2, v0  }
0x2c: {  	[tilespmem:s3+$0xFFFFFFF0] =	vst v5;
	v1 =	vadd.f32 v1, v0  }
0x2d: {  	[tilespmem:s1+$0xFFFFFFE0] =	vst v2;
	v2 =	vadd.f32 v3, v0  }
0x2e: {  	v0 =	vadd.f32 v4, v0;
	[tilespmem:s1+$0x10] =	vst v1  }
0x2f: {  	[tilespmem:s1+$0x0] =	vst v2  }
0x30: {  	[tilespmem:s1+$0xFFFFFFF0] =	vst v0;
	s1 =	simm.s32 $0x76C0;
	v0 =	vimm.f32 $0.0e+00  }
0x31: {  	[tilespmem:s1+$0xFFFFFFC0] =	vst v0  }
0x32: {  	[tilespmem:s1+$0x30] =	vst v0  }
0x33: {  	[tilespmem:s1+$0x20] =	vst v0  }
0x34: {  	[tilespmem:s1+$0x10] =	vst v0  }
0x35: {  	[tilespmem:s1+$0x0] =	vst v0  }
0x36: {  	[tilespmem:s1+$0xFFFFFFF0] =	vst v0  }
0x37: {  	s3 =	simm.s32 $0x0;
	[tilespmem:s1+$0xFFFFFFE0] =	vst v0  }
.LBB2_3:
0x38: {  	s3 =	sadd.s32 $0x80, s3;
	[tilespmem:s1+$0xFFFFFFD0] =	vst v0;
	s1 =	sadd.s32 $0x80, s1  }
0x39: {  	[tilespmem:s1+$0xFFFFFFC0] =	vst v0;
	p0 =	slt.u32 s3, $0x2780  }
0x3a: {  	[tilespmem:s1+$0x30] =	vst v0  }
.Ltmp1:
0x3b: {  	[tilespmem:s1+$0x20] =	vst v0;
	(pc) =	sbr.rel @p0 .LBB2_3-.Ltmp1, $4  }
0x3c: {  	[tilespmem:s1+$0x10] =	vst v0  }
0x3d: {  	[tilespmem:s1+$0x0] =	vst v0  }
0x3e: {  	[tilespmem:s1+$0xFFFFFFF0] =	vst v0  }
0x3f: {  	[tilespmem:s1+$0xFFFFFFE0] =	vst v0  }
0x40: {  	[tilespmem:s1+$0xFFFFFFD0] =	vst v0;
	s31 =	simm.s32 $0x40  }
0x41: {  	v0 =	vld [tilespmem:s31+$0x30]  }
0x42: {  	v1 =	vld [tilespmem:s31+$0xFFFFFFD0]  }
0x43: {  	v2 =	vld [tilespmem:s31+$0xFFFFFFE0]  }
0x44: {  	v3 =	vld [tilespmem:s31+$0xFFFFFFF0]  }
0x45: {  	v4 =	vld [tilespmem:s31+$0x0]  }
0x46: {  	v5 =	vld [tilespmem:s31+$0x10];
	v6 =	vand.u32 $0xFFFF, v0  }
0x47: {  	v10 =	vld [tilespmem:s31+$0x20];
	v7 =	vand.u32 $0xFFFF, v1  }
0x48: {  	v9 =	vand.u32 $0xFFFF, v2  }
0x49: {  	v8 =	vld [tilespmem:s31+$0xFFFFFFC0];
	v11 =	vand.u32 $0xFFFF, v3  }
0x4a: {  	s1 =	simm.s32 $0x4E80;
	v12 =	vand.u32 $0xFFFF, v4  }
0x4b: {  	v13 =	vand.u32 $0xFFFF, v5;
	v6 =	vld.idx.msk [tilespmem:v6+s1+$0x0], $0xffff  }
0x4c: {  	v15 =	vand.u32 $0xFFFF, v10;
	v7 =	vld.idx.msk [tilespmem:v7+s1+$0x0], $0xffff  }
0x4d: {  	v0 =	vshra.s32 v0, $0x10;
	v9 =	vld.idx.msk [tilespmem:v9+s1+$0x0], $0xffff  }
0x4e: {  	v14 =	vand.u32 $0xFFFF, v8;
	v11 =	vld.idx.msk [tilespmem:v11+s1+$0x0], $0xffff  }
0x4f: {  	v1 =	vshra.s32 v1, $0x10;
	v12 =	vld.idx.msk [tilespmem:v12+s1+$0x0], $0xffff  }
0x50: {  	v16 =	vshra.s32 v2, $0x10;
	v2 =	vld.idx.msk [tilespmem:v13+s1+$0x0], $0xffff  }
0x51: {  	s4 =	simm.s32 $0x7680;
	v62 =	vshra.s32 v3, $0x10;
	v3 =	vld.idx.msk [tilespmem:v15+s1+$0x0], $0xffff  }
0x52: {  	[tilespmem:v0+s4+$0x0] =	vst.idx.add.f32.msk $0xffff, v6;
	v0 =	vshra.s32 v4, $0x10  }
0x53: {  	v63 =	vshra.s32 v8, $0x10;
	v4 =	vld.idx.msk [tilespmem:v14+s1+$0x0], $0xffff  }
0x54: {  	[tilespmem:v1+s4+$0x0] =	vst.idx.add.f32.msk $0xffff, v7  }
0x55: {  	[tilespmem:v16+s4+$0x0] =	vst.idx.add.f32.msk $0xffff, v9  }
0x56: {  	[tilespmem:v62+s4+$0x0] =	vst.idx.add.f32.msk $0xffff, v11  }
0x57: {  	[tilespmem:v0+s4+$0x0] =	vst.idx.add.f32.msk $0xffff, v12  }
0x58: {  	s5 =	simm.s32 $0x0;
	s7 =	simm.s32 $0xC0;
	v1 =	vshra.s32 v10, $0x10;
	v0 =	vshra.s32 v5, $0x10;
	[tilespmem:v63+s4+$0x0] =	vst.idx.add.f32.msk $0xffff, v4  }
.LBB2_5:
0x59: {  	v4 =	vld [tilespmem:s7+$0x30];
	s5 =	sadd.s32 $0x80, s5  }
0x5a: {  	v5 =	vld [tilespmem:s7+$0xFFFFFFD0];
	p0 =	slt.u32 s5, $0x4D80  }
0x5b: {  	v6 =	vld [tilespmem:s7+$0xFFFFFFE0]  }
0x5c: {  	v7 =	vld [tilespmem:s7+$0xFFFFFFF0]  }
0x5d: {  	v8 =	vld [tilespmem:s7+$0x0]  }
0x5e: {  	v9 =	vld [tilespmem:s7+$0x10];
	v10 =	vand.u32 $0xFFFF, v4  }
0x5f: {  	v11 =	vshra.s32 v5, $0x10;
	v5 =	vand.u32 $0xFFFF, v5;
	v12 =	vld [tilespmem:s7+$0x20]  }
0x60: {  	v13 =	vld [tilespmem:s7+$0xFFFFFFC0];
	v14 =	vshra.s32 v6, $0x10;
	v6 =	vand.u32 $0xFFFF, v6  }
0x61: {  	v15 =	vshra.s32 v7, $0x10;
	v7 =	vand.u32 $0xFFFF, v7;
	[tilespmem:v0+s4+$0x0] =	vst.idx.add.f32.msk $0xffff, v2  }
0x62: {  	v16 =	vshra.s32 v8, $0x10;
	v2 =	vand.u32 $0xFFFF, v8;
	[tilespmem:v1+s4+$0x0] =	vst.idx.add.f32.msk $0xffff, v3  }
0x63: {  	v0 =	vshra.s32 v9, $0x10;
	v3 =	vand.u32 $0xFFFF, v9;
	v8 =	vld.idx.msk [tilespmem:v10+s1+$0x0], $0xffff  }
0x64: {  	v4 =	vshra.s32 v4, $0x10;
	v5 =	vld.idx.msk [tilespmem:v5+s1+$0x0], $0xffff;
	v1 =	vshra.s32 v12, $0x10;
	v9 =	vand.u32 $0xFFFF, v12  }
0x65: {  	v10 =	vshra.s32 v13, $0x10;
	v12 =	vand.u32 $0xFFFF, v13;
	v6 =	vld.idx.msk [tilespmem:v6+s1+$0x0], $0xffff  }
0x66: {  	v7 =	vld.idx.msk [tilespmem:v7+s1+$0x0], $0xffff  }
0x67: {  	v13 =	vld.idx.msk [tilespmem:v2+s1+$0x0], $0xffff  }
0x68: {  	v2 =	vld.idx.msk [tilespmem:v3+s1+$0x0], $0xffff  }
0x69: {  	[tilespmem:v4+s4+$0x0] =	vst.idx.add.f32.msk $0xffff, v8  }
0x6a: {  	v4 =	vld.idx.msk [tilespmem:v12+s1+$0x0], $0xffff  }
0x6b: {  	v3 =	vld.idx.msk [tilespmem:v9+s1+$0x0], $0xffff  }
.Ltmp2:
0x6c: {  	[tilespmem:v11+s4+$0x0] =	vst.idx.add.f32.msk $0xffff, v5;
	(pc) =	sbr.rel @p0 .LBB2_5-.Ltmp2, $4  }
0x6d: {  	[tilespmem:v14+s4+$0x0] =	vst.idx.add.f32.msk $0xffff, v6  }
0x6e: {  	[tilespmem:v15+s4+$0x0] =	vst.idx.add.f32.msk $0xffff, v7  }
0x6f: {  	[tilespmem:v16+s4+$0x0] =	vst.idx.add.f32.msk $0xffff, v13  }
0x70: {  	s7 =	sadd.s32 $0x80, s7;
	[tilespmem:v10+s4+$0x0] =	vst.idx.add.f32.msk $0xffff, v4  }
0x71: {  	_ =	sdelay $0x3  }
0x72: {  	[tilespmem:v0+s4+$0x0] =	vst.idx.add.f32.msk $0xffff, v2;
	s1 =	simm.s32 $0x4DF0  }
0x73: {  	[tilespmem:v1+s4+$0x0] =	vst.idx.add.f32.msk $0xffff, v3;
	s3 =	simm.s32 $0x4E00;
	s4 =	simm.s32 $0x4E80;
	s5 =	simm.s32 $0x7680  }
.LBB2_7:
0x74: {  	v0 =	vld [tilespmem:s3+$0x0];
	_ =	sdelay $0x4  }
0x75: {  	v1 =	vand.u32 $0xFFFF, v0;
	_ =	sdelay $0x3  }
0x76: {  	s1 =	sadd.s32 $0x10, s1  }
0x77: {  	p0 =	slt.u32 s1, $0x4E10;
	v0 =	vshra.s32 v0, $0x10;
	v1 =	vld.idx.msk [tilespmem:v1+s4+$0x0], $0xffff  }
.Ltmp3:
0x78: {  	_ = 	snop;
	(pc) =	sbr.rel @p0 .LBB2_7-.Ltmp3, $2  }
0x79: {  	_ =	sdelay $0x2  }
0x7a: {  	s3 =	sadd.s32 $0x10, s3;
	[tilespmem:v0+s5+$0x0] =	vst.idx.add.f32.msk $0xffff, v1  }
0x7b: {  	s1 =	sshrl.u32 s0, $0x3  }
0x7c: {  	[dreg:$0x5] =	wrdreg s1;
	s1 =	smul.u32 $0x5000, s1  }
0x7d: {  	_ = 	snop  }
0x7e: {  	s3 =	sshll.u32 s0, $0x7;
	s1 =	sshrl.u32 s1, $0x2  }
0x7f: {  	s4 =	simm.s32 $0x80;
	s3 =	sand.u32 $0x380, s3;
	s1 =	sadd.s32 s1, s23  }
0x80: {  	s5 =	simm.s32 $0x400;
	s6 =	simm.s32 $0x7680;
	s7 =	sadd.s32 s3, s1  }
0x81: {  	[spmem:s7] =	stream.strided.scatter [tilespmem:s6], [sflag:$0x1], $0x280, s5, s4, $0x38;
	[tilespmem:$0xFA80] =	vst v63  }
0x82: {  	s9 =	simm.s32 $0x7900;
	s8 =	sadd.s32 $0x2800, s7  }
0x83: {  	[spmem:s8] =	stream.strided.scatter [tilespmem:s9], [sflag:$0x1], $0x280, s5, s4, $0x38;
	[tilespmem:$0xFA80] =	vst v63  }
0x84: {  	s10 =	simm.s32 $0x7B80;
	s9 =	sadd.s32 $0x5000, s7  }
0x85: {  	[spmem:s9] =	stream.strided.scatter [tilespmem:s10], [sflag:$0x1], $0x280, s5, s4, $0x38;
	[tilespmem:$0xFA80] =	vst v63  }
0x86: {  	s11 =	simm.s32 $0x7E00;
	s10 =	sadd.s32 $0x7800, s7  }
0x87: {  	[spmem:s10] =	stream.strided.scatter [tilespmem:s11], [sflag:$0x1], $0x280, s5, s4, $0x38;
	[tilespmem:$0xFA80] =	vst v63  }
0x88: {  	s12 =	simm.s32 $0x8080;
	s11 =	sadd.s32 $0xA000, s7  }
0x89: {  	[spmem:s11] =	stream.strided.scatter [tilespmem:s12], [sflag:$0x1], $0x280, s5, s4, $0x38;
	[tilespmem:$0xFA80] =	vst v63  }
0x8a: {  	s13 =	simm.s32 $0x8300;
	s12 =	sadd.s32 $0xC800, s7  }
0x8b: {  	[spmem:s12] =	stream.strided.scatter [tilespmem:s13], [sflag:$0x1], $0x280, s5, s4, $0x38;
	[tilespmem:$0xFA80] =	vst v63  }
0x8c: {  	s14 =	simm.s32 $0x8580;
	s13 =	sadd.s32 $0xF000, s7  }
0x8d: {  	[spmem:s13] =	stream.strided.scatter [tilespmem:s14], [sflag:$0x1], $0x280, s5, s4, $0x38;
	[tilespmem:$0xFA80] =	vst v63  }
0x8e: {  	s15 =	simm.s32 $0x8800;
	s14 =	sadd.s32 $0x11800, s7  }
0x8f: {  	[spmem:s14] =	stream.strided.scatter [tilespmem:s15], [sflag:$0x1], $0x280, s5, s4, $0x38;
	[tilespmem:$0xFA80] =	vst v63  }
0x90: {  	s16 =	simm.s32 $0x8A80;
	s15 =	sadd.s32 $0x14000, s7  }
0x91: {  	[spmem:s15] =	stream.strided.scatter [tilespmem:s16], [sflag:$0x1], $0x280, s5, s4, $0x38;
	[tilespmem:$0xFA80] =	vst v63  }
0x92: {  	s17 =	simm.s32 $0x8D00;
	s16 =	sadd.s32 $0x16800, s7  }
0x93: {  	[spmem:s16] =	stream.strided.scatter [tilespmem:s17], [sflag:$0x1], $0x280, s5, s4, $0x38;
	[tilespmem:$0xFA80] =	vst v63  }
0x94: {  	s18 =	simm.s32 $0x8F80;
	s17 =	sadd.s32 $0x19000, s7  }
0x95: {  	[spmem:s17] =	stream.strided.scatter [tilespmem:s18], [sflag:$0x1], $0x280, s5, s4, $0x38;
	[tilespmem:$0xFA80] =	vst v63  }
0x96: {  	s19 =	simm.s32 $0x9200;
	s18 =	sadd.s32 $0x1B800, s7  }
0x97: {  	[spmem:s18] =	stream.strided.scatter [tilespmem:s19], [sflag:$0x1], $0x280, s5, s4, $0x38;
	[tilespmem:$0xFA80] =	vst v63  }
0x98: {  	s20 =	simm.s32 $0x9480;
	s19 =	sadd.s32 $0x1E000, s7  }
0x99: {  	[spmem:s19] =	stream.strided.scatter [tilespmem:s20], [sflag:$0x1], $0x280, s5, s4, $0x38;
	[tilespmem:$0xFA80] =	vst v63  }
0x9a: {  	s21 =	simm.s32 $0x9700;
	s20 =	sadd.s32 $0x20800, s7  }
0x9b: {  	[spmem:s20] =	stream.strided.scatter [tilespmem:s21], [sflag:$0x1], $0x280, s5, s4, $0x38;
	[tilespmem:$0xFA80] =	vst v63  }
0x9c: {  	s22 =	simm.s32 $0x9980;
	s24 =	simm.s32 $0x9C00;
	s21 =	sadd.s32 $0x23000, s7  }
0x9d: {  	[spmem:s21] =	stream.strided.scatter [tilespmem:s22], [sflag:$0x1], $0x280, s5, s4, $0x38;
	[tilespmem:$0xFA80] =	vst v63  }
0x9e: {  	s25 =	simm.s32 $0x1;
	[dreg:$0x6] =	wrdreg s3;
	s22 =	sadd.s32 $0x25800, s7  }
0x9f: {  	[spmem:s22] =	stream.strided.scatter [tilespmem:s24], [sflag:$0x1], $0x280, s5, s4, $0x38;
	[tilespmem:$0xFA80] =	vst v63  }
0xa0: {  	_ =	swait.ge [sflag:s25], $0x280  }
0xa1: {  	[sflag:s25] =	ssyncset.done $0x0  }
0xa2: {  	[sflag:s25] =	ssyncadd.s32 $0xFFFFFD80  }
0xa3: {  	_ =	swait.ge [sflag:s25], $0x280  }
0xa4: {  	[sflag:s25] =	ssyncset.done $0x0  }
0xa5: {  	[sflag:s25] =	ssyncadd.s32 $0xFFFFFD80  }
0xa6: {  	_ =	swait.ge [sflag:s25], $0x280  }
0xa7: {  	[sflag:s25] =	ssyncset.done $0x0  }
0xa8: {  	[sflag:s25] =	ssyncadd.s32 $0xFFFFFD80  }
0xa9: {  	_ =	swait.ge [sflag:s25], $0x280  }
0xaa: {  	[sflag:s25] =	ssyncset.done $0x0  }
0xab: {  	[sflag:s25] =	ssyncadd.s32 $0xFFFFFD80  }
0xac: {  	_ =	swait.ge [sflag:s25], $0x280  }
0xad: {  	[sflag:s25] =	ssyncset.done $0x0  }
0xae: {  	[sflag:s25] =	ssyncadd.s32 $0xFFFFFD80  }
0xaf: {  	_ =	swait.ge [sflag:s25], $0x280  }
0xb0: {  	[sflag:s25] =	ssyncset.done $0x0  }
0xb1: {  	[sflag:s25] =	ssyncadd.s32 $0xFFFFFD80  }
0xb2: {  	_ =	swait.ge [sflag:s25], $0x280  }
0xb3: {  	[sflag:s25] =	ssyncset.done $0x0  }
0xb4: {  	[sflag:s25] =	ssyncadd.s32 $0xFFFFFD80  }
0xb5: {  	_ =	swait.ge [sflag:s25], $0x280  }
0xb6: {  	[sflag:s25] =	ssyncset.done $0x0  }
0xb7: {  	[sflag:s25] =	ssyncadd.s32 $0xFFFFFD80  }
0xb8: {  	_ =	swait.ge [sflag:s25], $0x280  }
0xb9: {  	[sflag:s25] =	ssyncset.done $0x0  }
0xba: {  	[sflag:s25] =	ssyncadd.s32 $0xFFFFFD80  }
0xbb: {  	_ =	swait.ge [sflag:s25], $0x280  }
0xbc: {  	[sflag:s25] =	ssyncset.done $0x0  }
0xbd: {  	[sflag:s25] =	ssyncadd.s32 $0xFFFFFD80  }
0xbe: {  	_ =	swait.ge [sflag:s25], $0x280  }
0xbf: {  	[sflag:s25] =	ssyncset.done $0x0  }
0xc0: {  	[sflag:s25] =	ssyncadd.s32 $0xFFFFFD80  }
0xc1: {  	_ =	swait.ge [sflag:s25], $0x280  }
0xc2: {  	[sflag:s25] =	ssyncset.done $0x0  }
0xc3: {  	[sflag:s25] =	ssyncadd.s32 $0xFFFFFD80  }
0xc4: {  	_ =	swait.ge [sflag:s25], $0x280  }
0xc5: {  	[sflag:s25] =	ssyncset.done $0x0  }
0xc6: {  	[sflag:s25] =	ssyncadd.s32 $0xFFFFFD80  }
0xc7: {  	_ =	swait.ge [sflag:s25], $0x280  }
0xc8: {  	[sflag:s25] =	ssyncset.done $0x0  }
0xc9: {  	[sflag:s25] =	ssyncadd.s32 $0xFFFFFD80  }
0xca: {  	_ =	swait.ge [sflag:s25], $0x280  }
0xcb: {  	[sflag:s25] =	ssyncset.done $0x0  }
0xcc: {  	[sflag:s25] =	ssyncadd.s32 $0xFFFFFD80  }
0xcd: {  	s26 =	smul.u32 $0xA000, s0;
	_ =	swait.ge [sflag:s25], $0x280  }
0xce: {  	s30 =	simm.s32 $0xA380;
	s31 =	simm.s32 $0x2;
	[sflag:s25] =	ssyncset.done $0x0  }
0xcf: {  	s3 =	sshrl.u32 s26, $0x2;
	s1 =	simm.s32 $0x0;
	[sflag:s25] =	ssyncadd.s32 $0xFFFFFD80  }
0xd0: {  	s23 =	sadd.s32 s3, s23;
	s24 =	simm.s32 $0x0;
	[bflag:$0x0] =	sbarrier.arrive $0xFFFF  }
0xd1: {  	[tilespmem:s30], [sflag:$0x2] =	stream.linear.gather [spmem:s23], $0x2800, $0x38;
	[tilespmem:$0xFA80] =	vst v63  }
0xd2: {  	s3 =	sand.u32 $0x60, s1;
	s24 =	sand.u32 $0x1C00, s24;
	_ =	swait.ge [sflag:s31], $0x2800  }
0xd3: {  	s28 =	sor.u32 $0x10, s3;
	s25 =	sor.u32 $0xA380, s24;
	[sflag:s31] =	ssyncset.done $0x0  }
0xd4: {  	s0 =	sor.u32 s28, s25;
	[sflag:s31] =	ssyncadd.s32 $0xFFFFD800  }
0xd5: {  	v0 =	vld [tilespmem:s0+$0x0]  }
0xd6: {  	s25 =	sor.u32 s3, s25;
	v1 =	vld [tilespmem:s0+$0x80]  }
0xd7: {  	v2 =	vld [tilespmem:s25+$0x0]  }
0xd8: {  	v3 =	vld [tilespmem:s0+$0x100]  }
0xd9: {  	v4 =	vld [tilespmem:s25+$0x80]  }
0xda: {  	v5 =	vld [tilespmem:s0+$0x180]  }
0xdb: {  	v6 =	vld [tilespmem:s25+$0x100]  }
0xdc: {  	v7 =	vld [tilespmem:s0+$0x200]  }
0xdd: {  	v8 =	vld [tilespmem:s25+$0x180]  }
0xde: {  	v9 =	vld [tilespmem:s0+$0x280]  }
0xdf: {  	v10 =	vld [tilespmem:s25+$0x200]  }
0xe0: {  	v11 =	vld [tilespmem:s0+$0x300]  }
0xe1: {  	v12 =	vld [tilespmem:s25+$0x280]  }
0xe2: {  	s26 =	sadd.s32 $0xB780, s24;
	v13 =	vld [tilespmem:s0+$0x380]  }
0xe3: {  	s4 =	sor.u32 s28, s26;
	v14 =	vld [tilespmem:s25+$0x300]  }
0xe4: {  	s5 =	sadd.s32 $0xB800, s24;
	v15 =	vld [tilespmem:s4+$0x0]  }
0xe5: {  	s30 =	sor.u32 s28, s5;
	v16 =	vld [tilespmem:s25+$0x380]  }
0xe6: {  	s26 =	sor.u32 s3, s26;
	v17 =	vld [tilespmem:s30+$0x0]  }
0xe7: {  	s6 =	sor.u32 s3, s5;
	s31 =	sadd.s32 $0xB880, s24;
	v18 =	vld [tilespmem:s26+$0x0]  }
0xe8: {  	s0 =	sor.u32 s28, s31;
	v20 =	vld [tilespmem:s6+$0x0]  }
0xe9: {  	s4 =	sadd.s32 $0xB900, s24;
	s25 =	sor.u32 s3, s31;
	v19 =	vld [tilespmem:s0+$0x0]  }
0xea: {  	s30 =	sadd.s32 $0xB980, s24;
	s5 =	sor.u32 s28, s4;
	v22 =	vld [tilespmem:s25+$0x0]  }
0xeb: {  	s31 =	sor.u32 s28, s30;
	v21 =	vld [tilespmem:s5+$0x0]  }
0xec: {  	s26 =	sor.u32 s3, s4;
	s0 =	sadd.s32 $0xBA00, s24;
	v23 =	vld [tilespmem:s31+$0x0]  }
0xed: {  	v24 =	vld [tilespmem:s26+$0x0];
	s4 =	sor.u32 s28, s0;
	s5 =	sadd.s32 $0xBA80, s24  }
0xee: {  	s6 =	sor.u32 s3, s30;
	s31 =	sadd.s32 $0xBB00, s24;
	v25 =	vld [tilespmem:s4+$0x0];
	s30 =	sor.u32 s28, s5  }
0xef: {  	s25 =	sor.u32 s3, s0;
	s0 =	sor.u32 s28, s31;
	v26 =	vld [tilespmem:s30+$0x0];
	v0 =	vadd.f32 v1, v0  }
0xf0: {  	v27 =	vld [tilespmem:s0+$0x0]  }
0xf1: {  	s24 =	simm.s32 $0x20;
	v0 =	vadd.f32 v3, v0;
	v3 =	vld [tilespmem:s25+$0x0];
	s25 =	simm.s32 $0x100  }
0xf2: {  	s4 =	sor.u32 s3, s5;
	s30 =	sand.u32 $0x60, s24;
	v1 =	vld [tilespmem:s6+$0x0];
	v2 =	vadd.f32 v4, v2;
	s29 =	sand.u32 $0x1C00, s25  }
0xf3: {  	s3 =	sor.u32 s3, s31;
	v4 =	vld [tilespmem:s4+$0x0];
	s26 =	sor.u32 $0x10, s30;
	v0 =	vadd.f32 v5, v0;
	s5 =	sor.u32 $0xA380, s29  }
0xf4: {  	v2 =	vadd.f32 v6, v2;
	v5 =	vld [tilespmem:s3+$0x0];
	s31 =	sor.u32 s26, s5  }
0xf5: {  	v0 =	vadd.f32 v7, v0;
	v6 =	vld [tilespmem:s31+$0x0]  }
0xf6: {  	v2 =	vadd.f32 v8, v2;
	v7 =	vld [tilespmem:s31+$0x80]  }
0xf7: {  	v8 =	vld [tilespmem:s31+$0x100];
	v0 =	vadd.f32 v9, v0  }
0xf8: {  	v2 =	vadd.f32 v10, v2;
	v10 =	vld [tilespmem:s31+$0x200]  }
0xf9: {  	v49 =	vld [tilespmem:s31+$0x300];
	v0 =	vadd.f32 v11, v0  }
0xfa: {  	s0 =	sor.u32 s30, s5;
	v50 =	vld [tilespmem:s31+$0x380];
	v2 =	vadd.f32 v12, v2  }
0xfb: {  	s4 =	sadd.s32 $0xB780, s29;
	v51 =	vld [tilespmem:s0+$0x0];
	v0 =	vadd.f32 v13, v0  }
0xfc: {  	s5 =	sor.u32 s26, s4;
	v52 =	vld [tilespmem:s0+$0x80];
	v2 =	vadd.f32 v14, v2  }
0xfd: {  	v53 =	vld [tilespmem:s5+$0x0];
	v0 =	vadd.f32 v15, v0  }
0xfe: {  	v54 =	vld [tilespmem:s0+$0x180];
	v2 =	vadd.f32 v16, v2  }
0xff: {  	v9 =	vld [tilespmem:s31+$0x180];
	v0 =	vadd.f32 v17, v0  }
0x100: {  	v6 =	vadd.f32 v7, v6;
	v7 =	vld [tilespmem:s0+$0x100];
	v2 =	vadd.f32 v18, v2  }
0x101: {  	v55 =	vld [tilespmem:s0+$0x280];
	v0 =	vadd.f32 v19, v0  }
0x102: {  	v56 =	vld [tilespmem:s0+$0x380];
	v6 =	vadd.f32 v8, v6;
	v2 =	vadd.f32 v20, v2  }
0x103: {  	v11 =	vld [tilespmem:s31+$0x280];
	v14 =	vadd.f32 v52, v51;
	v0 =	vadd.f32 v21, v0  }
0x104: {  	s31 =	sadd.s32 $0xB800, s29;
	v8 =	vld [tilespmem:s0+$0x200];
	v6 =	vadd.f32 v9, v6;
	v2 =	vadd.f32 v22, v2  }
0x105: {  	v9 =	vld [tilespmem:s0+$0x300];
	s0 =	sor.u32 s26, s31;
	v7 =	vadd.f32 v7, v14;
	v0 =	vadd.f32 v23, v0  }
0x106: {  	s1 =	sand.u32 $0x380, s1;
	s4 =	sor.u32 s30, s4;
	v57 =	vld [tilespmem:s0+$0x0];
	v6 =	vadd.f32 v10, v6;
	v2 =	vadd.f32 v24, v2  }
0x107: {  	s1 =	sor.u32 s1, s28;
	s3 =	sadd.s32 $0xB880, s29;
	v10 =	vld [tilespmem:s4+$0x0];
	v7 =	vadd.f32 v54, v7;
	v0 =	vadd.f32 v25, v0  }
0x108: {  	s5 =	sor.u32 s26, s3;
	v6 =	vadd.f32 v11, v6;
	v1 =	vadd.f32 v1, v2;
	v2 =	vld [tilespmem:s1+$0x9E80]  }
0x109: {  	s31 =	sor.u32 s30, s31;
	v11 =	vld [tilespmem:s5+$0x0];
	v7 =	vadd.f32 v8, v7;
	v0 =	vadd.f32 v26, v0  }
0x10a: {  	s28 =	simm.s32 $0x9E80;
	v8 =	vld [tilespmem:s31+$0x0];
	v1 =	vadd.f32 v3, v1;
	v3 =	vadd.f32 v49, v6  }
0x10b: {  	v6 =	vadd.f32 v55, v7;
	v7 =	vld [tilespmem:s28+$0x0];
	v0 =	vadd.f32 v27, v0  }
0x10c: {  	v4 =	vadd.f32 v4, v1;
	v3 =	vadd.f32 v50, v3;
	v1 =	vld [tilespmem:$0xCC00]  }
0x10d: {  	s0 =	sadd.s32 $0xB900, s29;
	v6 =	vadd.f32 v9, v6;
	v58 =	vadd.f32 v2, v0;
	v0 =	vld [tilespmem:$0xCB80]  }
0x10e: {  	s4 =	sor.u32 s26, s0;
	v4 =	vadd.f32 v5, v4;
	v3 =	vadd.f32 v53, v3;
	v2 =	vld [tilespmem:$0xCC80]  }
0x10f: {  	s3 =	sor.u32 s30, s3;
	s31 =	sadd.s32 $0xB980, s29;
	v5 =	vld [tilespmem:s4+$0x0];
	v6 =	vadd.f32 v56, v6  }
0x110: {  	s5 =	sor.u32 s26, s31;
	v9 =	vld [tilespmem:s3+$0x0];
	v4 =	vadd.f32 v7, v4;
	v3 =	vadd.f32 v57, v3;
	v12 =	vmax.f32 v58, $0.0e+00  }
0x111: {  	s6 =	sadd.s32 $0xBA00, s29;
	s0 =	sor.u32 s30, s0;
	v59 =	vld [tilespmem:s5+$0x0];
	v6 =	vadd.f32 v10, v6;
	v7 =	vmul.f32 v12, v1  }
0x112: {  	s4 =	sor.u32 s26, s6;
	v10 =	vld [tilespmem:s0+$0x0];
	v60 =	vmax.f32 v4, $0.0e+00;
	v11 =	vadd.f32 v11, v3;
	v12 =	vmul.f32 v12, v0  }
0x113: {  	s5 =	sor.u32 s30, s31;
	s31 =	sadd.s32 $0xBA80, s29;
	v3 =	vld [tilespmem:s4+$0x0];
	v6 =	vadd.f32 v8, v6;
	v61 =	vmul.f32 v60, v1;
	v7 =	vadd.f32 v7, v2  }
0x114: {  	s0 =	sor.u32 s26, s31;
	v4 =	vld [tilespmem:s5+$0x0];
	v8 =	vadd.f32 v5, v11;
	v11 =	vmul.f32 v60, v0;
	[tilespmem:s1+$0xA100] =	vst v12  }
0x115: {  	s4 =	sor.u32 s30, s6;
	s5 =	sadd.s32 $0xBB00, s29;
	s29 =	simm.s32 $0xA100;
	v5 =	vld [tilespmem:s0+$0x0];
	v63 =	vadd.f32 v9, v6;
	v62 =	vadd.f32 v61, v2;
	[tilespmem:s1+$0x9E80] =	vst v7  }
0x116: {  	v6 =	vld [tilespmem:s4+$0x0];
	s4 =	sor.u32 s26, s5;
	v9 =	vadd.f32 v59, v8;
	[tilespmem:s29+$0x0] =	vst v11  }
0x117: {  	s3 =	sor.u32 s30, s31;
	s6 =	sand.u32 $0x380, s24;
	v8 =	vadd.f32 v10, v63;
	s1 =	sor.u32 s30, s5;
	v7 =	vld [tilespmem:s4+$0x0];
	[tilespmem:s28+$0x0] =	vst v62  }
.LBB2_9:
0x118: {  	s24 =	sadd.s32 $0x20, s24;
	v10 =	vld [tilespmem:s3+$0x0];
	v3 =	vadd.f32 v3, v9;
	s3 =	sor.u32 s6, s26;
	s25 =	sadd.s32 $0x100, s25  }
0x119: {  	s30 =	sand.u32 $0x60, s24;
	s31 =	sand.u32 $0x1C00, s25;
	p0 =	slt.u32 s24, $0x260;
	v4 =	vadd.f32 v4, v8;
	v8 =	vld [tilespmem:s3+$0x9E80]  }
0x11a: {  	s28 =	sadd.s32 $0x20, s28;
	s4 =	sor.u32 $0xA380, s31;
	s26 =	sor.u32 $0x10, s30;
	v9 =	vld [tilespmem:s1+$0x0];
	v3 =	vadd.f32 v5, v3  }
0x11b: {  	s1 =	sor.u32 s30, s4;
	s4 =	sor.u32 s26, s4;
	v4 =	vadd.f32 v6, v4;
	v5 =	vld [tilespmem:s28+$0x0]  }
0x11c: {  	v6 =	vld [tilespmem:s4+$0x0];
	v3 =	vadd.f32 v7, v3  }
0x11d: {  	v7 =	vld [tilespmem:s4+$0x80];
	v4 =	vadd.f32 v10, v4  }
0x11e: {  	v10 =	vld [tilespmem:s1+$0x0];
	v3 =	vadd.f32 v8, v3  }
0x11f: {  	v8 =	vld [tilespmem:s4+$0x100];
	v4 =	vadd.f32 v9, v4  }
0x120: {  	v9 =	vld [tilespmem:s1+$0x80];
	v3 =	vmax.f32 v3, $0.0e+00  }
0x121: {  	v11 =	vld [tilespmem:s4+$0x180];
	v4 =	vadd.f32 v5, v4;
	v5 =	vmul.f32 v3, v0;
	v3 =	vmul.f32 v3, v1  }
0x122: {  	v12 =	vld [tilespmem:s1+$0x100];
	v6 =	vadd.f32 v7, v6  }
0x123: {  	v7 =	vld [tilespmem:s4+$0x200];
	v4 =	vmax.f32 v4, $0.0e+00;
	[tilespmem:s3+$0xA100] =	vst v5;
	v3 =	vadd.f32 v3, v2  }
0x124: {  	v5 =	vld [tilespmem:s1+$0x180];
	v6 =	vadd.f32 v8, v6;
	v8 =	vmul.f32 v4, v0;
	v4 =	vmul.f32 v4, v1  }
0x125: {  	s29 =	sadd.s32 $0x20, s29;
	v9 =	vadd.f32 v9, v10;
	v10 =	vld [tilespmem:s4+$0x280];
	[tilespmem:s3+$0x9E80] =	vst v3  }
0x126: {  	v3 =	vld [tilespmem:s1+$0x200];
	v6 =	vadd.f32 v11, v6;
	[tilespmem:s29+$0x0] =	vst v8;
	v4 =	vadd.f32 v4, v2  }
0x127: {  	v8 =	vadd.f32 v12, v9;
	v9 =	vld [tilespmem:s4+$0x300]  }
0x128: {  	v11 =	vld [tilespmem:s1+$0x280];
	v6 =	vadd.f32 v7, v6;
	[tilespmem:s28+$0x0] =	vst v4  }
0x129: {  	s3 =	sadd.s32 $0xB780, s31;
	v4 =	vadd.f32 v5, v8;
	v5 =	vld [tilespmem:s4+$0x380]  }
0x12a: {  	s4 =	sor.u32 s30, s3;
	s3 =	sor.u32 s26, s3;
	v7 =	vld [tilespmem:s1+$0x300];
	v6 =	vadd.f32 v10, v6  }
0x12b: {  	s6 =	sadd.s32 $0xB800, s31;
	v3 =	vadd.f32 v3, v4;
	v4 =	vld [tilespmem:s3+$0x0]  }
0x12c: {  	s3 =	sor.u32 s26, s6;
	v8 =	vld [tilespmem:s1+$0x380];
	s1 =	sor.u32 s30, s6;
	v6 =	vadd.f32 v9, v6  }
0x12d: {  	s6 =	sadd.s32 $0xB880, s31;
	v3 =	vadd.f32 v11, v3;
	v9 =	vld [tilespmem:s3+$0x0]  }
0x12e: {  	s3 =	sor.u32 s30, s6;
	v10 =	vld [tilespmem:s4+$0x0];
	v5 =	vadd.f32 v5, v6;
	s4 =	sor.u32 s26, s6  }
0x12f: {  	s6 =	sadd.s32 $0xB900, s31;
	v3 =	vadd.f32 v7, v3;
	v6 =	vld [tilespmem:s4+$0x0]  }
0x130: {  	s4 =	sor.u32 s26, s6;
	v7 =	vld [tilespmem:s1+$0x0];
	s1 =	sor.u32 s30, s6;
	v4 =	vadd.f32 v4, v5  }
0x131: {  	s6 =	sadd.s32 $0xB980, s31;
	v3 =	vadd.f32 v8, v3;
	v5 =	vld [tilespmem:s4+$0x0]  }
0x132: {  	s4 =	sor.u32 s26, s6;
	v8 =	vld [tilespmem:s3+$0x0];
	s3 =	sor.u32 s30, s6;
	v4 =	vadd.f32 v9, v4  }
0x133: {  	s6 =	sadd.s32 $0xBA00, s31;
	v3 =	vadd.f32 v10, v3;
	v9 =	vld [tilespmem:s4+$0x0]  }
0x134: {  	s4 =	sor.u32 s26, s6;
	v10 =	vld [tilespmem:s1+$0x0];
	s1 =	sor.u32 s30, s6;
	v6 =	vadd.f32 v6, v4  }
.Ltmp4:
0x135: {  	s6 =	sadd.s32 $0xBA80, s31;
	v7 =	vadd.f32 v7, v3;
	v3 =	vld [tilespmem:s4+$0x0];
	(pc) =	sbr.rel @p0 .LBB2_9-.Ltmp4, $4  }
0x136: {  	s4 =	sor.u32 s26, s6;
	v4 =	vld [tilespmem:s3+$0x0];
	s3 =	sor.u32 s30, s6;
	v11 =	vadd.f32 v5, v6  }
0x137: {  	s6 =	sadd.s32 $0xBB00, s31;
	v7 =	vadd.f32 v8, v7;
	v5 =	vld [tilespmem:s4+$0x0]  }
0x138: {  	s4 =	sor.u32 s26, s6;
	v6 =	vld [tilespmem:s1+$0x0];
	s1 =	sor.u32 s30, s6;
	v9 =	vadd.f32 v9, v11  }
0x139: {  	s6 =	sand.u32 $0x380, s24;
	v8 =	vadd.f32 v10, v7;
	v7 =	vld [tilespmem:s4+$0x0]  }
0x13a: {  	v10 =	vld [tilespmem:s3+$0x0]  }
0x13b: {  	s25 =	sor.u32 s6, s26;
	v3 =	vadd.f32 v3, v9;
	v61 =	vld [tilespmem:s1+$0x0];
	v4 =	vadd.f32 v4, v8  }
0x13c: {  	v60 =	vld [tilespmem:s25+$0x9E80]  }
0x13d: {  	s26 =	sadd.s32 $0x20, s28;
	v3 =	vadd.f32 v5, v3;
	v4 =	vadd.f32 v6, v4  }
0x13e: {  	v62 =	vld [tilespmem:s26+$0x0]  }
0x13f: {  	v3 =	vadd.f32 v7, v3;
	v4 =	vadd.f32 v10, v4;
	_ =	sdelay $0x1  }
0x140: {  	v3 =	vadd.f32 v60, v3;
	v4 =	vadd.f32 v61, v4;
	_ =	sdelay $0x1  }
0x141: {  	v3 =	vmax.f32 v3, $0.0e+00;
	v4 =	vadd.f32 v62, v4  }
0x142: {  	v63 =	vmul.f32 v3, v1  }
0x143: {  	v3 =	vmul.f32 v3, v0;
	v4 =	vmax.f32 v4, $0.0e+00  }
0x144: {  	v5 =	vadd.f32 v63, v2;
	v1 =	vmul.f32 v4, v1  }
0x145: {  	[tilespmem:s25+$0xA100] =	vst v3;
	v0 =	vmul.f32 v4, v0  }
0x146: {  	s28 =	sadd.s32 $0x20, s29;
	[tilespmem:s25+$0x9E80] =	vst v5;
	v1 =	vadd.f32 v1, v2  }
0x147: {  	s0 =	rddreg [dreg:$0x2];
	[tilespmem:s28+$0x0] =	vst v0  }
0x148: {  	s29 =	simm.s32 $0xA100;
	s30 =	simm.s32 $0x2;
	s24 =	sadd.s32 s2, s0;
	[tilespmem:s26+$0x0] =	vst v1  }
0x149: {  	[spmem:s24] =	stream.linear.scatter [tilespmem:s29], [sflag:$0x2], $0x280, $0x38;
	[tilespmem:$0xFA80] =	vst v63  }
0x14a: {  	_ =	swait.ge [sflag:s30], $0x280  }
0x14b: {  	[sflag:s30] =	ssyncset.done $0x0  }
0x14c: {  	[sflag:s30] =	ssyncadd.s32 $0xFFFFFD80  }
0x14d: {  	s31 =	simm.s32 $0x4E80;
	s1 =	simm.s32 $0x76C0;
	[bflag:$0x0] =	sbarrier.arrive $0xFFFF  }
0x14e: {  	v0 =	vimm.f32 $0.0e+00;
	[tilespmem:s31], [sflag:$0x1] =	stream.linear.gather [spmem:s0], $0x2800, $0x38;
	[tilespmem:$0xFA80] =	vst v63  }
0x14f: {  	[tilespmem:s1+$0xFFFFFFC0] =	vst v0  }
0x150: {  	[tilespmem:s1+$0x30] =	vst v0  }
0x151: {  	[tilespmem:s1+$0x20] =	vst v0  }
0x152: {  	[tilespmem:s1+$0x10] =	vst v0  }
0x153: {  	[tilespmem:s1+$0x0] =	vst v0  }
0x154: {  	[tilespmem:s1+$0xFFFFFFF0] =	vst v0  }
0x155: {  	s3 =	simm.s32 $0x0;
	[tilespmem:s1+$0xFFFFFFE0] =	vst v0  }
.LBB2_11:
0x156: {  	s3 =	sadd.s32 $0x80, s3;
	[tilespmem:s1+$0xFFFFFFD0] =	vst v0;
	s1 =	sadd.s32 $0x80, s1  }
0x157: {  	[tilespmem:s1+$0xFFFFFFC0] =	vst v0;
	p0 =	slt.u32 s3, $0x2780  }
0x158: {  	[tilespmem:s1+$0x30] =	vst v0  }
.Ltmp5:
0x159: {  	[tilespmem:s1+$0x20] =	vst v0;
	(pc) =	sbr.rel @p0 .LBB2_11-.Ltmp5, $4  }
0x15a: {  	[tilespmem:s1+$0x10] =	vst v0  }
0x15b: {  	[tilespmem:s1+$0x0] =	vst v0  }
0x15c: {  	[tilespmem:s1+$0xFFFFFFF0] =	vst v0  }
0x15d: {  	[tilespmem:s1+$0xFFFFFFE0] =	vst v0  }
0x15e: {  	[tilespmem:s1+$0xFFFFFFD0] =	vst v0;
	s30 =	simm.s32 $0x1  }
0x15f: {  	_ =	swait.ge [sflag:s30], $0x2800  }
0x160: {  	[sflag:s30] =	ssyncset.done $0x0  }
0x161: {  	s31 =	simm.s32 $0x40;
	[sflag:s30] =	ssyncadd.s32 $0xFFFFD800  }
0x162: {  	v0 =	vld [tilespmem:s31+$0x30]  }
0x163: {  	v1 =	vld [tilespmem:s31+$0xFFFFFFD0]  }
0x164: {  	v2 =	vld [tilespmem:s31+$0xFFFFFFE0]  }
0x165: {  	v3 =	vld [tilespmem:s31+$0xFFFFFFF0]  }
0x166: {  	v4 =	vld [tilespmem:s31+$0x0]  }
0x167: {  	v5 =	vld [tilespmem:s31+$0x10];
	v6 =	vand.u32 $0xFFFF, v0  }
0x168: {  	v10 =	vld [tilespmem:s31+$0x20];
	v7 =	vand.u32 $0xFFFF, v1  }
0x169: {  	v9 =	vand.u32 $0xFFFF, v2  }
0x16a: {  	v8 =	vld [tilespmem:s31+$0xFFFFFFC0];
	v11 =	vand.u32 $0xFFFF, v3  }
0x16b: {  	s1 =	simm.s32 $0x4E80;
	v12 =	vand.u32 $0xFFFF, v4  }
0x16c: {  	v13 =	vand.u32 $0xFFFF, v5;
	v6 =	vld.idx.msk [tilespmem:v6+s1+$0x0], $0xffff  }
0x16d: {  	v15 =	vand.u32 $0xFFFF, v10;
	v7 =	vld.idx.msk [tilespmem:v7+s1+$0x0], $0xffff  }
0x16e: {  	v0 =	vshra.s32 v0, $0x10;
	v9 =	vld.idx.msk [tilespmem:v9+s1+$0x0], $0xffff  }
0x16f: {  	v14 =	vand.u32 $0xFFFF, v8;
	v11 =	vld.idx.msk [tilespmem:v11+s1+$0x0], $0xffff  }
0x170: {  	v1 =	vshra.s32 v1, $0x10;
	v12 =	vld.idx.msk [tilespmem:v12+s1+$0x0], $0xffff  }
0x171: {  	v16 =	vshra.s32 v2, $0x10;
	v2 =	vld.idx.msk [tilespmem:v13+s1+$0x0], $0xffff  }
0x172: {  	s25 =	simm.s32 $0x7680;
	v62 =	vshra.s32 v3, $0x10;
	v3 =	vld.idx.msk [tilespmem:v15+s1+$0x0], $0xffff  }
0x173: {  	[tilespmem:v0+s25+$0x0] =	vst.idx.add.f32.msk $0xffff, v6;
	v0 =	vshra.s32 v4, $0x10  }
0x174: {  	v63 =	vshra.s32 v8, $0x10;
	v4 =	vld.idx.msk [tilespmem:v14+s1+$0x0], $0xffff  }
0x175: {  	[tilespmem:v1+s25+$0x0] =	vst.idx.add.f32.msk $0xffff, v7  }
0x176: {  	[tilespmem:v16+s25+$0x0] =	vst.idx.add.f32.msk $0xffff, v9  }
0x177: {  	[tilespmem:v62+s25+$0x0] =	vst.idx.add.f32.msk $0xffff, v11  }
0x178: {  	[tilespmem:v0+s25+$0x0] =	vst.idx.add.f32.msk $0xffff, v12  }
0x179: {  	s26 =	simm.s32 $0x0;
	s28 =	simm.s32 $0xC0;
	v1 =	vshra.s32 v10, $0x10;
	v0 =	vshra.s32 v5, $0x10;
	[tilespmem:v63+s25+$0x0] =	vst.idx.add.f32.msk $0xffff, v4  }
.LBB2_13:
0x17a: {  	v4 =	vld [tilespmem:s28+$0x30];
	s26 =	sadd.s32 $0x80, s26  }
0x17b: {  	v5 =	vld [tilespmem:s28+$0xFFFFFFD0];
	p0 =	slt.u32 s26, $0x4D80  }
0x17c: {  	v6 =	vld [tilespmem:s28+$0xFFFFFFE0]  }
0x17d: {  	v7 =	vld [tilespmem:s28+$0xFFFFFFF0]  }
0x17e: {  	v8 =	vld [tilespmem:s28+$0x0]  }
0x17f: {  	v9 =	vld [tilespmem:s28+$0x10];
	v10 =	vand.u32 $0xFFFF, v4  }
0x180: {  	v11 =	vshra.s32 v5, $0x10;
	v5 =	vand.u32 $0xFFFF, v5;
	v12 =	vld [tilespmem:s28+$0x20]  }
0x181: {  	v13 =	vld [tilespmem:s28+$0xFFFFFFC0];
	v14 =	vshra.s32 v6, $0x10;
	v6 =	vand.u32 $0xFFFF, v6  }
0x182: {  	v15 =	vshra.s32 v7, $0x10;
	v7 =	vand.u32 $0xFFFF, v7;
	[tilespmem:v0+s25+$0x0] =	vst.idx.add.f32.msk $0xffff, v2  }
0x183: {  	v16 =	vshra.s32 v8, $0x10;
	v2 =	vand.u32 $0xFFFF, v8;
	[tilespmem:v1+s25+$0x0] =	vst.idx.add.f32.msk $0xffff, v3  }
0x184: {  	v0 =	vshra.s32 v9, $0x10;
	v3 =	vand.u32 $0xFFFF, v9;
	v8 =	vld.idx.msk [tilespmem:v10+s1+$0x0], $0xffff  }
0x185: {  	v4 =	vshra.s32 v4, $0x10;
	v5 =	vld.idx.msk [tilespmem:v5+s1+$0x0], $0xffff;
	v1 =	vshra.s32 v12, $0x10;
	v9 =	vand.u32 $0xFFFF, v12  }
0x186: {  	v10 =	vshra.s32 v13, $0x10;
	v12 =	vand.u32 $0xFFFF, v13;
	v6 =	vld.idx.msk [tilespmem:v6+s1+$0x0], $0xffff  }
0x187: {  	v7 =	vld.idx.msk [tilespmem:v7+s1+$0x0], $0xffff  }
0x188: {  	v13 =	vld.idx.msk [tilespmem:v2+s1+$0x0], $0xffff  }
0x189: {  	v2 =	vld.idx.msk [tilespmem:v3+s1+$0x0], $0xffff  }
0x18a: {  	[tilespmem:v4+s25+$0x0] =	vst.idx.add.f32.msk $0xffff, v8  }
0x18b: {  	v4 =	vld.idx.msk [tilespmem:v12+s1+$0x0], $0xffff  }
0x18c: {  	v3 =	vld.idx.msk [tilespmem:v9+s1+$0x0], $0xffff  }
.Ltmp6:
0x18d: {  	[tilespmem:v11+s25+$0x0] =	vst.idx.add.f32.msk $0xffff, v5;
	(pc) =	sbr.rel @p0 .LBB2_13-.Ltmp6, $4  }
0x18e: {  	[tilespmem:v14+s25+$0x0] =	vst.idx.add.f32.msk $0xffff, v6  }
0x18f: {  	[tilespmem:v15+s25+$0x0] =	vst.idx.add.f32.msk $0xffff, v7  }
0x190: {  	[tilespmem:v16+s25+$0x0] =	vst.idx.add.f32.msk $0xffff, v13  }
0x191: {  	s28 =	sadd.s32 $0x80, s28;
	[tilespmem:v10+s25+$0x0] =	vst.idx.add.f32.msk $0xffff, v4  }
0x192: {  	_ =	sdelay $0x3  }
0x193: {  	[tilespmem:v0+s25+$0x0] =	vst.idx.add.f32.msk $0xffff, v2;
	s1 =	simm.s32 $0x4DF0  }
0x194: {  	[tilespmem:v1+s25+$0x0] =	vst.idx.add.f32.msk $0xffff, v3;
	s3 =	simm.s32 $0x4E00;
	s6 =	simm.s32 $0x4E80;
	s25 =	simm.s32 $0x7680  }
.LBB2_15:
0x195: {  	v0 =	vld [tilespmem:s3+$0x0];
	_ =	sdelay $0x4  }
0x196: {  	v1 =	vand.u32 $0xFFFF, v0;
	_ =	sdelay $0x3  }
0x197: {  	s1 =	sadd.s32 $0x10, s1  }
0x198: {  	p0 =	slt.u32 s1, $0x4E10;
	v0 =	vshra.s32 v0, $0x10;
	v1 =	vld.idx.msk [tilespmem:v1+s6+$0x0], $0xffff  }
.Ltmp7:
0x199: {  	_ = 	snop;
	(pc) =	sbr.rel @p0 .LBB2_15-.Ltmp7, $2  }
0x19a: {  	_ =	sdelay $0x2  }
0x19b: {  	s3 =	sadd.s32 $0x10, s3;
	[tilespmem:v0+s25+$0x0] =	vst.idx.add.f32.msk $0xffff, v1  }
0x19c: {  	s1 =	simm.s32 $0x80;
	s3 =	simm.s32 $0x400;
	s4 =	simm.s32 $0x7680  }
0x19d: {  	[spmem:s7] =	stream.strided.scatter [tilespmem:s4], [sflag:$0x1], $0x280, s3, s1, $0x38;
	[tilespmem:$0xFA80] =	vst v63  }
0x19e: {  	s6 =	simm.s32 $0x7900  }
0x19f: {  	[spmem:s8] =	stream.strided.scatter [tilespmem:s6], [sflag:$0x1], $0x280, s3, s1, $0x38;
	[tilespmem:$0xFA80] =	vst v63  }
0x1a0: {  	s25 =	simm.s32 $0x7B80  }
0x1a1: {  	[spmem:s9] =	stream.strided.scatter [tilespmem:s25], [sflag:$0x1], $0x280, s3, s1, $0x38;
	[tilespmem:$0xFA80] =	vst v63  }
0x1a2: {  	s26 =	simm.s32 $0x7E00  }
0x1a3: {  	[spmem:s10] =	stream.strided.scatter [tilespmem:s26], [sflag:$0x1], $0x280, s3, s1, $0x38;
	[tilespmem:$0xFA80] =	vst v63  }
0x1a4: {  	s31 =	simm.s32 $0x8080  }
0x1a5: {  	[spmem:s11] =	stream.strided.scatter [tilespmem:s31], [sflag:$0x1], $0x280, s3, s1, $0x38;
	[tilespmem:$0xFA80] =	vst v63  }
0x1a6: {  	s0 =	simm.s32 $0x8300  }
0x1a7: {  	[spmem:s12] =	stream.strided.scatter [tilespmem:s0], [sflag:$0x1], $0x280, s3, s1, $0x38;
	[tilespmem:$0xFA80] =	vst v63  }
0x1a8: {  	s5 =	simm.s32 $0x8580  }
0x1a9: {  	[spmem:s13] =	stream.strided.scatter [tilespmem:s5], [sflag:$0x1], $0x280, s3, s1, $0x38;
	[tilespmem:$0xFA80] =	vst v63  }
0x1aa: {  	s6 =	simm.s32 $0x8800  }
0x1ab: {  	[spmem:s14] =	stream.strided.scatter [tilespmem:s6], [sflag:$0x1], $0x280, s3, s1, $0x38;
	[tilespmem:$0xFA80] =	vst v63  }
0x1ac: {  	s25 =	simm.s32 $0x8A80  }
0x1ad: {  	[spmem:s15] =	stream.strided.scatter [tilespmem:s25], [sflag:$0x1], $0x280, s3, s1, $0x38;
	[tilespmem:$0xFA80] =	vst v63  }
0x1ae: {  	s26 =	simm.s32 $0x8D00  }
0x1af: {  	[spmem:s16] =	stream.strided.scatter [tilespmem:s26], [sflag:$0x1], $0x280, s3, s1, $0x38;
	[tilespmem:$0xFA80] =	vst v63  }
0x1b0: {  	s31 =	simm.s32 $0x8F80  }
0x1b1: {  	[spmem:s17] =	stream.strided.scatter [tilespmem:s31], [sflag:$0x1], $0x280, s3, s1, $0x38;
	[tilespmem:$0xFA80] =	vst v63  }
0x1b2: {  	s0 =	simm.s32 $0x9200  }
0x1b3: {  	[spmem:s18] =	stream.strided.scatter [tilespmem:s0], [sflag:$0x1], $0x280, s3, s1, $0x38;
	[tilespmem:$0xFA80] =	vst v63  }
0x1b4: {  	s5 =	simm.s32 $0x9480  }
0x1b5: {  	[spmem:s19] =	stream.strided.scatter [tilespmem:s5], [sflag:$0x1], $0x280, s3, s1, $0x38;
	[tilespmem:$0xFA80] =	vst v63  }
0x1b6: {  	s6 =	simm.s32 $0x9700  }
0x1b7: {  	[spmem:s20] =	stream.strided.scatter [tilespmem:s6], [sflag:$0x1], $0x280, s3, s1, $0x38;
	[tilespmem:$0xFA80] =	vst v63  }
0x1b8: {  	s25 =	simm.s32 $0x9980  }
0x1b9: {  	[spmem:s21] =	stream.strided.scatter [tilespmem:s25], [sflag:$0x1], $0x280, s3, s1, $0x38;
	[tilespmem:$0xFA80] =	vst v63  }
0x1ba: {  	s26 =	simm.s32 $0x9C00;
	s31 =	simm.s32 $0x1  }
0x1bb: {  	[spmem:s22] =	stream.strided.scatter [tilespmem:s26], [sflag:$0x1], $0x280, s3, s1, $0x38;
	[tilespmem:$0xFA80] =	vst v63  }
0x1bc: {  	_ =	swait.ge [sflag:s31], $0x280  }
0x1bd: {  	[sflag:s31] =	ssyncset.done $0x0  }
0x1be: {  	[sflag:s31] =	ssyncadd.s32 $0xFFFFFD80  }
0x1bf: {  	_ =	swait.ge [sflag:s31], $0x280  }
0x1c0: {  	[sflag:s31] =	ssyncset.done $0x0  }
0x1c1: {  	[sflag:s31] =	ssyncadd.s32 $0xFFFFFD80  }
0x1c2: {  	_ =	swait.ge [sflag:s31], $0x280  }
0x1c3: {  	[sflag:s31] =	ssyncset.done $0x0  }
0x1c4: {  	[sflag:s31] =	ssyncadd.s32 $0xFFFFFD80  }
0x1c5: {  	_ =	swait.ge [sflag:s31], $0x280  }
0x1c6: {  	[sflag:s31] =	ssyncset.done $0x0  }
0x1c7: {  	[sflag:s31] =	ssyncadd.s32 $0xFFFFFD80  }
0x1c8: {  	_ =	swait.ge [sflag:s31], $0x280  }
0x1c9: {  	[sflag:s31] =	ssyncset.done $0x0  }
0x1ca: {  	[sflag:s31] =	ssyncadd.s32 $0xFFFFFD80  }
0x1cb: {  	_ =	swait.ge [sflag:s31], $0x280  }
0x1cc: {  	[sflag:s31] =	ssyncset.done $0x0  }
0x1cd: {  	[sflag:s31] =	ssyncadd.s32 $0xFFFFFD80  }
0x1ce: {  	_ =	swait.ge [sflag:s31], $0x280  }
0x1cf: {  	[sflag:s31] =	ssyncset.done $0x0  }
0x1d0: {  	[sflag:s31] =	ssyncadd.s32 $0xFFFFFD80  }
0x1d1: {  	_ =	swait.ge [sflag:s31], $0x280  }
0x1d2: {  	[sflag:s31] =	ssyncset.done $0x0  }
0x1d3: {  	[sflag:s31] =	ssyncadd.s32 $0xFFFFFD80  }
0x1d4: {  	_ =	swait.ge [sflag:s31], $0x280  }
0x1d5: {  	[sflag:s31] =	ssyncset.done $0x0  }
0x1d6: {  	[sflag:s31] =	ssyncadd.s32 $0xFFFFFD80  }
0x1d7: {  	_ =	swait.ge [sflag:s31], $0x280  }
0x1d8: {  	[sflag:s31] =	ssyncset.done $0x0  }
0x1d9: {  	[sflag:s31] =	ssyncadd.s32 $0xFFFFFD80  }
0x1da: {  	_ =	swait.ge [sflag:s31], $0x280  }
0x1db: {  	[sflag:s31] =	ssyncset.done $0x0  }
0x1dc: {  	[sflag:s31] =	ssyncadd.s32 $0xFFFFFD80  }
0x1dd: {  	_ =	swait.ge [sflag:s31], $0x280  }
0x1de: {  	[sflag:s31] =	ssyncset.done $0x0  }
0x1df: {  	[sflag:s31] =	ssyncadd.s32 $0xFFFFFD80  }
0x1e0: {  	_ =	swait.ge [sflag:s31], $0x280  }
0x1e1: {  	[sflag:s31] =	ssyncset.done $0x0  }
0x1e2: {  	[sflag:s31] =	ssyncadd.s32 $0xFFFFFD80  }
0x1e3: {  	_ =	swait.ge [sflag:s31], $0x280  }
0x1e4: {  	[sflag:s31] =	ssyncset.done $0x0  }
0x1e5: {  	[sflag:s31] =	ssyncadd.s32 $0xFFFFFD80  }
0x1e6: {  	_ =	swait.ge [sflag:s31], $0x280  }
0x1e7: {  	[sflag:s31] =	ssyncset.done $0x0  }
0x1e8: {  	[sflag:s31] =	ssyncadd.s32 $0xFFFFFD80  }
0x1e9: {  	_ =	swait.ge [sflag:s31], $0x280  }
0x1ea: {  	[sflag:s31] =	ssyncset.done $0x0  }
0x1eb: {  	[sflag:s31] =	ssyncadd.s32 $0xFFFFFD80  }
0x1ec: {  	s0 =	simm.s32 $0xA380;
	s3 =	simm.s32 $0x2;
	[bflag:$0x0] =	sbarrier.arrive $0xFFFF  }
0x1ed: {  	[tilespmem:s0], [sflag:$0x2] =	stream.linear.gather [spmem:s23], $0x2800, $0x38;
	[tilespmem:$0xFA80] =	vst v63  }
0x1ee: {  	_ =	swait.ge [sflag:s3], $0x2800  }
0x1ef: {  	[sflag:s3] =	ssyncset.done $0x0  }
0x1f0: {  	s4 =	simm.s32 $0x0;
	[sflag:s3] =	ssyncadd.s32 $0xFFFFD800  }
0x1f1: {  	s4 =	sand.u32 $0x1C00, s4;
	s25 =	simm.s32 $0x0;
	v0 =	vld [tilespmem:$0xCD00]  }
0x1f2: {  	s28 =	sadd.s32 $0xB780, s4;
	s1 =	sand.u32 $0x60, s25;
	v2 =	vld [tilespmem:$0xCD80]  }
0x1f3: {  	s6 =	sor.u32 $0xA380, s4;
	s31 =	sor.u32 s1, s28;
	s3 =	sor.u32 $0x10, s1;
	v1 =	vld [tilespmem:$0xCE00]  }
0x1f4: {  	s26 =	sor.u32 s3, s6;
	v21 =	vld [tilespmem:s31+$0x0]  }
0x1f5: {  	v3 =	vld [tilespmem:s26+$0x0]  }
0x1f6: {  	s6 =	sor.u32 s1, s6;
	v4 =	vld [tilespmem:s26+$0x80]  }
0x1f7: {  	v5 =	vld [tilespmem:s6+$0x0]  }
0x1f8: {  	v6 =	vld [tilespmem:s26+$0x100]  }
0x1f9: {  	v7 =	vld [tilespmem:s6+$0x80]  }
0x1fa: {  	v8 =	vld [tilespmem:s26+$0x180]  }
0x1fb: {  	v9 =	vld [tilespmem:s6+$0x100]  }
0x1fc: {  	v10 =	vld [tilespmem:s26+$0x200]  }
0x1fd: {  	v11 =	vld [tilespmem:s6+$0x180]  }
0x1fe: {  	v12 =	vld [tilespmem:s26+$0x280]  }
0x1ff: {  	v13 =	vld [tilespmem:s6+$0x200]  }
0x200: {  	v14 =	vld [tilespmem:s26+$0x300]  }
0x201: {  	v15 =	vld [tilespmem:s6+$0x280]  }
0x202: {  	v16 =	vld [tilespmem:s26+$0x380]  }
0x203: {  	s5 =	sor.u32 s3, s28;
	v17 =	vld [tilespmem:s6+$0x300]  }
0x204: {  	s29 =	sadd.s32 $0xB800, s4;
	v18 =	vld [tilespmem:s5+$0x0]  }
0x205: {  	s28 =	sadd.s32 $0xB880, s4;
	v19 =	vld [tilespmem:s6+$0x380];
	s26 =	sor.u32 s3, s29  }
0x206: {  	s0 =	sor.u32 s3, s28;
	v20 =	vld [tilespmem:s26+$0x0]  }
0x207: {  	s5 =	sor.u32 s1, s29;
	s29 =	sadd.s32 $0xB900, s4;
	v22 =	vld [tilespmem:s0+$0x0]  }
0x208: {  	s31 =	sor.u32 s1, s28;
	s28 =	sadd.s32 $0xB980, s4;
	v23 =	vld [tilespmem:s5+$0x0];
	s26 =	sor.u32 s3, s29  }
0x209: {  	v25 =	vld [tilespmem:s31+$0x0];
	s0 =	sor.u32 s3, s28;
	s5 =	sor.u32 s1, s29;
	s29 =	sadd.s32 $0xBA00, s4  }
0x20a: {  	s31 =	sor.u32 s1, s28;
	s28 =	sadd.s32 $0xBA80, s4;
	s4 =	sadd.s32 $0xBB00, s4;
	v24 =	vld [tilespmem:s26+$0x0]  }
0x20b: {  	v26 =	vld [tilespmem:s5+$0x0];
	s6 =	sor.u32 s1, s4;
	v3 =	vadd.f32 v4, v3  }
0x20c: {  	v45 =	vld [tilespmem:s6+$0x0];
	v5 =	vadd.f32 v7, v5  }
0x20d: {  	v4 =	vld [tilespmem:s0+$0x0];
	v3 =	vadd.f32 v6, v3  }
0x20e: {  	s26 =	sor.u32 s3, s29;
	v7 =	vld [tilespmem:s31+$0x0];
	v5 =	vadd.f32 v9, v5  }
0x20f: {  	s5 =	sor.u32 s1, s29;
	v6 =	vld [tilespmem:s26+$0x0];
	v3 =	vadd.f32 v8, v3  }
0x210: {  	v9 =	vld [tilespmem:s5+$0x0];
	s26 =	simm.s32 $0x9E80;
	v5 =	vadd.f32 v11, v5  }
0x211: {  	s0 =	sor.u32 s3, s28;
	s31 =	sor.u32 s3, s4;
	s5 =	sand.u32 $0x380, s25;
	v46 =	vld [tilespmem:s26+$0x0];
	v3 =	vadd.f32 v10, v3  }
0x212: {  	s25 =	simm.s32 $0x20;
	v8 =	vld [tilespmem:s0+$0x0];
	s0 =	sor.u32 s1, s28;
	s28 =	simm.s32 $0x100;
	v5 =	vadd.f32 v13, v5  }
0x213: {  	s1 =	sand.u32 $0x60, s25;
	v10 =	vld [tilespmem:s31+$0x0];
	s31 =	sand.u32 $0x1C00, s28;
	v3 =	vadd.f32 v12, v3  }
0x214: {  	s30 =	sor.u32 s5, s3;
	v11 =	vld [tilespmem:s0+$0x0];
	s29 =	sor.u32 $0x10, s1;
	s0 =	sor.u32 $0xA380, s31;
	v5 =	vadd.f32 v15, v5  }
0x215: {  	v44 =	vld [tilespmem:s30+$0x9E80];
	s5 =	sor.u32 s29, s0;
	v3 =	vadd.f32 v14, v3  }
0x216: {  	v47 =	vld [tilespmem:s5+$0x0];
	v5 =	vadd.f32 v17, v5  }
0x217: {  	s4 =	sor.u32 s1, s0;
	v48 =	vld [tilespmem:s5+$0x80];
	v3 =	vadd.f32 v16, v3  }
0x218: {  	v49 =	vld [tilespmem:s4+$0x0];
	v5 =	vadd.f32 v19, v5  }
0x219: {  	v50 =	vld [tilespmem:s5+$0x100];
	v3 =	vadd.f32 v18, v3  }
0x21a: {  	v51 =	vld [tilespmem:s4+$0x80];
	v5 =	vadd.f32 v21, v5  }
0x21b: {  	v52 =	vld [tilespmem:s5+$0x180];
	v3 =	vadd.f32 v20, v3  }
0x21c: {  	v53 =	vld [tilespmem:s4+$0x100];
	v15 =	vadd.f32 v48, v47;
	v5 =	vadd.f32 v23, v5  }
0x21d: {  	v54 =	vld [tilespmem:s5+$0x200];
	v3 =	vadd.f32 v22, v3  }
0x21e: {  	v55 =	vld [tilespmem:s4+$0x180];
	v15 =	vadd.f32 v50, v15;
	v5 =	vadd.f32 v25, v5  }
0x21f: {  	v56 =	vld [tilespmem:s5+$0x280];
	v17 =	vadd.f32 v51, v49;
	v3 =	vadd.f32 v24, v3  }
0x220: {  	v57 =	vld [tilespmem:s4+$0x200];
	v15 =	vadd.f32 v52, v15;
	v5 =	vadd.f32 v26, v5  }
0x221: {  	v58 =	vld [tilespmem:s5+$0x300];
	v3 =	vadd.f32 v4, v3;
	v4 =	vadd.f32 v53, v17  }
0x222: {  	v59 =	vld [tilespmem:s4+$0x280];
	v15 =	vadd.f32 v54, v15;
	v5 =	vadd.f32 v7, v5  }
0x223: {  	s6 =	sadd.s32 $0xB780, s31;
	v3 =	vadd.f32 v6, v3;
	v4 =	vadd.f32 v55, v4;
	v6 =	vld [tilespmem:s5+$0x380]  }
0x224: {  	s0 =	sor.u32 s29, s6;
	v60 =	vld [tilespmem:s4+$0x300];
	v7 =	vadd.f32 v56, v15;
	v5 =	vadd.f32 v9, v5  }
0x225: {  	s3 =	sadd.s32 $0xB800, s31;
	v3 =	vadd.f32 v8, v3;
	v4 =	vadd.f32 v57, v4;
	v8 =	vld [tilespmem:s0+$0x0]  }
0x226: {  	v7 =	vadd.f32 v58, v7;
	v9 =	vld [tilespmem:s4+$0x380];
	s5 =	sor.u32 s29, s3;
	v5 =	vadd.f32 v11, v5  }
0x227: {  	s6 =	sor.u32 s1, s6;
	s4 =	sadd.s32 $0xB880, s31;
	v3 =	vadd.f32 v10, v3;
	v4 =	vadd.f32 v59, v4;
	v10 =	vld [tilespmem:s5+$0x0]  }
0x228: {  	s0 =	sor.u32 s29, s4;
	v6 =	vadd.f32 v6, v7;
	v7 =	vld [tilespmem:s6+$0x0]  }
0x229: {  	s3 =	sor.u32 s1, s3;
	v11 =	vld [tilespmem:s0+$0x0];
	v5 =	vadd.f32 v45, v5;
	s6 =	sadd.s32 $0xB900, s31;
	v4 =	vadd.f32 v60, v4  }
0x22a: {  	v61 =	vld [tilespmem:s3+$0x0];
	v3 =	vadd.f32 v44, v3;
	s5 =	sor.u32 s29, s6;
	v6 =	vadd.f32 v8, v6  }
0x22b: {  	s3 =	sadd.s32 $0xB980, s31;
	s4 =	sor.u32 s1, s4;
	v8 =	vld [tilespmem:s5+$0x0];
	v4 =	vadd.f32 v9, v4  }
0x22c: {  	s0 =	sor.u32 s29, s3;
	v5 =	vadd.f32 v46, v5;
	v3 =	vmax.f32 v3, $0.0e+00;
	v9 =	vld [tilespmem:s4+$0x0];
	v6 =	vadd.f32 v10, v6  }
0x22d: {  	s6 =	sor.u32 s1, s6;
	s4 =	sadd.s32 $0xBA00, s31;
	v10 =	vmul.f32 v3, v2;
	v4 =	vadd.f32 v7, v4;
	v7 =	vld [tilespmem:s0+$0x0]  }
0x22e: {  	v62 =	vld [tilespmem:s6+$0x0];
	v5 =	vmax.f32 v5, $0.0e+00;
	v3 =	vmul.f32 v3, v0;
	s5 =	sor.u32 s29, s4;
	v6 =	vadd.f32 v11, v6  }
0x22f: {  	s3 =	sor.u32 s1, s3;
	s6 =	sadd.s32 $0xBA80, s31;
	v10 =	vadd.f32 v10, v1;
	v11 =	vmul.f32 v5, v2;
	v12 =	vadd.f32 v61, v4;
	v4 =	vld [tilespmem:s5+$0x0]  }
0x230: {  	v63 =	vmul.f32 v5, v0;
	s0 =	sor.u32 s29, s6;
	[tilespmem:s30+$0xA100] =	vst v3;
	v3 =	vld [tilespmem:s3+$0x0];
	v8 =	vadd.f32 v8, v6  }
0x231: {  	s4 =	sor.u32 s1, s4;
	v5 =	vld [tilespmem:s0+$0x0];
	s5 =	sadd.s32 $0xBB00, s31;
	[tilespmem:s30+$0x9E80] =	vst v10;
	s30 =	simm.s32 $0xA100;
	v10 =	vadd.f32 v11, v1;
	v11 =	vadd.f32 v9, v12  }
0x232: {  	v6 =	vld [tilespmem:s4+$0x0];
	s31 =	sor.u32 s29, s5;
	[tilespmem:s30+$0x0] =	vst v63;
	v9 =	vadd.f32 v7, v8  }
0x233: {  	s6 =	sor.u32 s1, s6;
	s3 =	sor.u32 s1, s5;
	s1 =	sand.u32 $0x380, s25;
	[tilespmem:s26+$0x0] =	vst v10;
	v7 =	vld [tilespmem:s31+$0x0];
	v8 =	vadd.f32 v62, v11  }
.LBB2_17:
0x234: {  	s25 =	sadd.s32 $0x20, s25;
	v10 =	vld [tilespmem:s6+$0x0];
	v4 =	vadd.f32 v4, v9;
	s4 =	sor.u32 s1, s29;
	s28 =	sadd.s32 $0x100, s28  }
0x235: {  	s31 =	sand.u32 $0x60, s25;
	s1 =	sand.u32 $0x1C00, s28;
	p0 =	slt.u32 s25, $0x260;
	v3 =	vadd.f32 v3, v8;
	v8 =	vld [tilespmem:s4+$0x9E80]  }
0x236: {  	s26 =	sadd.s32 $0x20, s26;
	s6 =	sor.u32 $0xA380, s1;
	s29 =	sor.u32 $0x10, s31;
	v9 =	vld [tilespmem:s3+$0x0];
	v4 =	vadd.f32 v5, v4  }
0x237: {  	s3 =	sor.u32 s31, s6;
	s6 =	sor.u32 s29, s6;
	v3 =	vadd.f32 v6, v3;
	v5 =	vld [tilespmem:s26+$0x0]  }
0x238: {  	v6 =	vld [tilespmem:s6+$0x0];
	v4 =	vadd.f32 v7, v4  }
0x239: {  	v7 =	vld [tilespmem:s6+$0x80];
	v3 =	vadd.f32 v10, v3  }
0x23a: {  	v10 =	vld [tilespmem:s3+$0x0];
	v4 =	vadd.f32 v8, v4  }
0x23b: {  	v8 =	vld [tilespmem:s6+$0x100];
	v3 =	vadd.f32 v9, v3  }
0x23c: {  	v9 =	vld [tilespmem:s3+$0x80];
	v4 =	vmax.f32 v4, $0.0e+00  }
0x23d: {  	v11 =	vld [tilespmem:s6+$0x180];
	v3 =	vadd.f32 v5, v3;
	v5 =	vmul.f32 v4, v0;
	v4 =	vmul.f32 v4, v2  }
0x23e: {  	v12 =	vld [tilespmem:s3+$0x100];
	v6 =	vadd.f32 v7, v6  }
0x23f: {  	v7 =	vld [tilespmem:s6+$0x200];
	v3 =	vmax.f32 v3, $0.0e+00;
	[tilespmem:s4+$0xA100] =	vst v5;
	v4 =	vadd.f32 v4, v1  }
0x240: {  	v5 =	vld [tilespmem:s3+$0x180];
	v6 =	vadd.f32 v8, v6;
	v8 =	vmul.f32 v3, v0;
	v3 =	vmul.f32 v3, v2  }
0x241: {  	s30 =	sadd.s32 $0x20, s30;
	v9 =	vadd.f32 v9, v10;
	v10 =	vld [tilespmem:s6+$0x280];
	[tilespmem:s4+$0x9E80] =	vst v4  }
0x242: {  	v4 =	vld [tilespmem:s3+$0x200];
	v6 =	vadd.f32 v11, v6;
	[tilespmem:s30+$0x0] =	vst v8;
	v3 =	vadd.f32 v3, v1  }
0x243: {  	v8 =	vadd.f32 v12, v9;
	v9 =	vld [tilespmem:s6+$0x300]  }
0x244: {  	v11 =	vld [tilespmem:s3+$0x280];
	v6 =	vadd.f32 v7, v6;
	[tilespmem:s26+$0x0] =	vst v3  }
0x245: {  	s4 =	sadd.s32 $0xB780, s1;
	v3 =	vadd.f32 v5, v8;
	v5 =	vld [tilespmem:s6+$0x380]  }
0x246: {  	s6 =	sor.u32 s31, s4;
	s4 =	sor.u32 s29, s4;
	v7 =	vld [tilespmem:s3+$0x300];
	v6 =	vadd.f32 v10, v6  }
0x247: {  	s5 =	sadd.s32 $0xB800, s1;
	v3 =	vadd.f32 v4, v3;
	v4 =	vld [tilespmem:s4+$0x0]  }
0x248: {  	s4 =	sor.u32 s29, s5;
	v8 =	vld [tilespmem:s3+$0x380];
	s3 =	sor.u32 s31, s5;
	v6 =	vadd.f32 v9, v6  }
0x249: {  	s5 =	sadd.s32 $0xB880, s1;
	v3 =	vadd.f32 v11, v3;
	v9 =	vld [tilespmem:s4+$0x0]  }
0x24a: {  	s4 =	sor.u32 s31, s5;
	s5 =	sor.u32 s29, s5;
	v10 =	vld [tilespmem:s6+$0x0];
	v5 =	vadd.f32 v5, v6  }
0x24b: {  	s6 =	sadd.s32 $0xB900, s1;
	v3 =	vadd.f32 v7, v3;
	v6 =	vld [tilespmem:s5+$0x0]  }
0x24c: {  	s5 =	sor.u32 s29, s6;
	v7 =	vld [tilespmem:s3+$0x0];
	s3 =	sor.u32 s31, s6;
	v4 =	vadd.f32 v4, v5  }
0x24d: {  	s6 =	sadd.s32 $0xB980, s1;
	v3 =	vadd.f32 v8, v3;
	v5 =	vld [tilespmem:s5+$0x0]  }
0x24e: {  	s5 =	sor.u32 s29, s6;
	v8 =	vld [tilespmem:s4+$0x0];
	s4 =	sor.u32 s31, s6;
	v4 =	vadd.f32 v9, v4  }
0x24f: {  	s6 =	sadd.s32 $0xBA00, s1;
	v3 =	vadd.f32 v10, v3;
	v9 =	vld [tilespmem:s5+$0x0]  }
0x250: {  	s5 =	sor.u32 s29, s6;
	v10 =	vld [tilespmem:s3+$0x0];
	s3 =	sor.u32 s31, s6;
	v6 =	vadd.f32 v6, v4  }
.Ltmp8:
0x251: {  	s0 =	sadd.s32 $0xBA80, s1;
	v7 =	vadd.f32 v7, v3;
	v4 =	vld [tilespmem:s5+$0x0];
	(pc) =	sbr.rel @p0 .LBB2_17-.Ltmp8, $4  }
0x252: {  	s6 =	sor.u32 s31, s0;
	s0 =	sor.u32 s29, s0;
	v3 =	vld [tilespmem:s4+$0x0];
	v11 =	vadd.f32 v5, v6  }
0x253: {  	s1 =	sadd.s32 $0xBB00, s1;
	v7 =	vadd.f32 v8, v7;
	v5 =	vld [tilespmem:s0+$0x0]  }
0x254: {  	s0 =	sor.u32 s29, s1;
	v6 =	vld [tilespmem:s3+$0x0];
	s3 =	sor.u32 s31, s1;
	v9 =	vadd.f32 v9, v11  }
0x255: {  	s1 =	sand.u32 $0x380, s25;
	v8 =	vadd.f32 v10, v7;
	v7 =	vld [tilespmem:s0+$0x0]  }
0x256: {  	v10 =	vld [tilespmem:s6+$0x0]  }
0x257: {  	s0 =	sor.u32 s1, s29;
	v4 =	vadd.f32 v4, v9;
	v61 =	vld [tilespmem:s3+$0x0];
	v3 =	vadd.f32 v3, v8  }
0x258: {  	v60 =	vld [tilespmem:s0+$0x9E80]  }
0x259: {  	s25 =	sadd.s32 $0x20, s26;
	v4 =	vadd.f32 v5, v4;
	v3 =	vadd.f32 v6, v3  }
0x25a: {  	v62 =	vld [tilespmem:s25+$0x0]  }
0x25b: {  	v4 =	vadd.f32 v7, v4;
	v3 =	vadd.f32 v10, v3;
	_ =	sdelay $0x1  }
0x25c: {  	v4 =	vadd.f32 v60, v4;
	v3 =	vadd.f32 v61, v3;
	_ =	sdelay $0x1  }
0x25d: {  	v4 =	vmax.f32 v4, $0.0e+00;
	v3 =	vadd.f32 v62, v3  }
0x25e: {  	v63 =	vmul.f32 v4, v2  }
0x25f: {  	v4 =	vmul.f32 v4, v0;
	v3 =	vmax.f32 v3, $0.0e+00  }
0x260: {  	v5 =	vadd.f32 v63, v1;
	v2 =	vmul.f32 v3, v2  }
0x261: {  	[tilespmem:s0+$0xA100] =	vst v4;
	v0 =	vmul.f32 v3, v0  }
0x262: {  	s26 =	sadd.s32 $0x20, s30;
	[tilespmem:s0+$0x9E80] =	vst v5;
	v1 =	vadd.f32 v2, v1  }
0x263: {  	[tilespmem:s26+$0x0] =	vst v0  }
0x264: {  	s28 =	simm.s32 $0xA100;
	s29 =	simm.s32 $0x2;
	[tilespmem:s25+$0x0] =	vst v1  }
0x265: {  	[spmem:s24] =	stream.linear.scatter [tilespmem:s28], [sflag:$0x2], $0x280, $0x38;
	[tilespmem:$0xFA80] =	vst v63  }
0x266: {  	_ =	swait.ge [sflag:s29], $0x280  }
0x267: {  	[sflag:s29] =	ssyncset.done $0x0  }
0x268: {  	[sflag:s29] =	ssyncadd.s32 $0xFFFFFD80  }
0x269: {  	[bflag:$0x0] =	sbarrier.arrive $0xFFFF  }
0x26a: {  	s30 =	simm.s32 $0x4E80;
	s1 =	simm.s32 $0x76C0;
	s31 =	rddreg [dreg:$0x2]  }
0x26b: {  	v0 =	vimm.f32 $0.0e+00;
	[tilespmem:s30], [sflag:$0x1] =	stream.linear.gather [spmem:s31], $0x2800, $0x38;
	[tilespmem:$0xFA80] =	vst v63  }
0x26c: {  	[tilespmem:s1+$0xFFFFFFC0] =	vst v0  }
0x26d: {  	[tilespmem:s1+$0x30] =	vst v0  }
0x26e: {  	[tilespmem:s1+$0x20] =	vst v0  }
0x26f: {  	[tilespmem:s1+$0x10] =	vst v0  }
0x270: {  	[tilespmem:s1+$0x0] =	vst v0  }
0x271: {  	[tilespmem:s1+$0xFFFFFFF0] =	vst v0  }
0x272: {  	s3 =	simm.s32 $0x0;
	[tilespmem:s1+$0xFFFFFFE0] =	vst v0  }
.LBB2_19:
0x273: {  	s3 =	sadd.s32 $0x80, s3;
	[tilespmem:s1+$0xFFFFFFD0] =	vst v0;
	s1 =	sadd.s32 $0x80, s1  }
0x274: {  	[tilespmem:s1+$0xFFFFFFC0] =	vst v0;
	p0 =	slt.u32 s3, $0x2780  }
0x275: {  	[tilespmem:s1+$0x30] =	vst v0  }
.Ltmp9:
0x276: {  	[tilespmem:s1+$0x20] =	vst v0;
	(pc) =	sbr.rel @p0 .LBB2_19-.Ltmp9, $4  }
0x277: {  	[tilespmem:s1+$0x10] =	vst v0  }
0x278: {  	[tilespmem:s1+$0x0] =	vst v0  }
0x279: {  	[tilespmem:s1+$0xFFFFFFF0] =	vst v0  }
0x27a: {  	[tilespmem:s1+$0xFFFFFFE0] =	vst v0  }
0x27b: {  	[tilespmem:s1+$0xFFFFFFD0] =	vst v0;
	s0 =	simm.s32 $0x1  }
0x27c: {  	_ =	swait.ge [sflag:s0], $0x2800  }
0x27d: {  	[sflag:s0] =	ssyncset.done $0x0  }
0x27e: {  	s31 =	simm.s32 $0x40;
	[sflag:s0] =	ssyncadd.s32 $0xFFFFD800  }
0x27f: {  	v0 =	vld [tilespmem:s31+$0x30]  }
0x280: {  	v1 =	vld [tilespmem:s31+$0xFFFFFFD0]  }
0x281: {  	v2 =	vld [tilespmem:s31+$0xFFFFFFE0]  }
0x282: {  	v3 =	vld [tilespmem:s31+$0xFFFFFFF0]  }
0x283: {  	v4 =	vld [tilespmem:s31+$0x0]  }
0x284: {  	v5 =	vld [tilespmem:s31+$0x10];
	v6 =	vand.u32 $0xFFFF, v0  }
0x285: {  	v10 =	vld [tilespmem:s31+$0x20];
	v7 =	vand.u32 $0xFFFF, v1  }
0x286: {  	v9 =	vand.u32 $0xFFFF, v2  }
0x287: {  	v8 =	vld [tilespmem:s31+$0xFFFFFFC0];
	v11 =	vand.u32 $0xFFFF, v3  }
0x288: {  	s1 =	simm.s32 $0x4E80;
	v12 =	vand.u32 $0xFFFF, v4  }
0x289: {  	v13 =	vand.u32 $0xFFFF, v5;
	v6 =	vld.idx.msk [tilespmem:v6+s1+$0x0], $0xffff  }
0x28a: {  	v15 =	vand.u32 $0xFFFF, v10;
	v7 =	vld.idx.msk [tilespmem:v7+s1+$0x0], $0xffff  }
0x28b: {  	v0 =	vshra.s32 v0, $0x10;
	v9 =	vld.idx.msk [tilespmem:v9+s1+$0x0], $0xffff  }
0x28c: {  	v14 =	vand.u32 $0xFFFF, v8;
	v11 =	vld.idx.msk [tilespmem:v11+s1+$0x0], $0xffff  }
0x28d: {  	v1 =	vshra.s32 v1, $0x10;
	v12 =	vld.idx.msk [tilespmem:v12+s1+$0x0], $0xffff  }
0x28e: {  	v16 =	vshra.s32 v2, $0x10;
	v2 =	vld.idx.msk [tilespmem:v13+s1+$0x0], $0xffff  }
0x28f: {  	s6 =	simm.s32 $0x7680;
	v62 =	vshra.s32 v3, $0x10;
	v3 =	vld.idx.msk [tilespmem:v15+s1+$0x0], $0xffff  }
0x290: {  	[tilespmem:v0+s6+$0x0] =	vst.idx.add.f32.msk $0xffff, v6;
	v0 =	vshra.s32 v4, $0x10  }
0x291: {  	v63 =	vshra.s32 v8, $0x10;
	v4 =	vld.idx.msk [tilespmem:v14+s1+$0x0], $0xffff  }
0x292: {  	[tilespmem:v1+s6+$0x0] =	vst.idx.add.f32.msk $0xffff, v7  }
0x293: {  	[tilespmem:v16+s6+$0x0] =	vst.idx.add.f32.msk $0xffff, v9  }
0x294: {  	[tilespmem:v62+s6+$0x0] =	vst.idx.add.f32.msk $0xffff, v11  }
0x295: {  	[tilespmem:v0+s6+$0x0] =	vst.idx.add.f32.msk $0xffff, v12  }
0x296: {  	s24 =	simm.s32 $0x0;
	s25 =	simm.s32 $0xC0;
	v1 =	vshra.s32 v10, $0x10;
	v0 =	vshra.s32 v5, $0x10;
	[tilespmem:v63+s6+$0x0] =	vst.idx.add.f32.msk $0xffff, v4  }
.LBB2_21:
0x297: {  	v4 =	vld [tilespmem:s25+$0x30];
	s24 =	sadd.s32 $0x80, s24  }
0x298: {  	v5 =	vld [tilespmem:s25+$0xFFFFFFD0];
	p0 =	slt.u32 s24, $0x4D80  }
0x299: {  	v6 =	vld [tilespmem:s25+$0xFFFFFFE0]  }
0x29a: {  	v7 =	vld [tilespmem:s25+$0xFFFFFFF0]  }
0x29b: {  	v8 =	vld [tilespmem:s25+$0x0]  }
0x29c: {  	v9 =	vld [tilespmem:s25+$0x10];
	v10 =	vand.u32 $0xFFFF, v4  }
0x29d: {  	v11 =	vshra.s32 v5, $0x10;
	v5 =	vand.u32 $0xFFFF, v5;
	v12 =	vld [tilespmem:s25+$0x20]  }
0x29e: {  	v13 =	vld [tilespmem:s25+$0xFFFFFFC0];
	v14 =	vshra.s32 v6, $0x10;
	v6 =	vand.u32 $0xFFFF, v6  }
0x29f: {  	v15 =	vshra.s32 v7, $0x10;
	v7 =	vand.u32 $0xFFFF, v7;
	[tilespmem:v0+s6+$0x0] =	vst.idx.add.f32.msk $0xffff, v2  }
0x2a0: {  	v16 =	vshra.s32 v8, $0x10;
	v2 =	vand.u32 $0xFFFF, v8;
	[tilespmem:v1+s6+$0x0] =	vst.idx.add.f32.msk $0xffff, v3  }
0x2a1: {  	v0 =	vshra.s32 v9, $0x10;
	v3 =	vand.u32 $0xFFFF, v9;
	v8 =	vld.idx.msk [tilespmem:v10+s1+$0x0], $0xffff  }
0x2a2: {  	v4 =	vshra.s32 v4, $0x10;
	v5 =	vld.idx.msk [tilespmem:v5+s1+$0x0], $0xffff;
	v1 =	vshra.s32 v12, $0x10;
	v9 =	vand.u32 $0xFFFF, v12  }
0x2a3: {  	v10 =	vshra.s32 v13, $0x10;
	v12 =	vand.u32 $0xFFFF, v13;
	v6 =	vld.idx.msk [tilespmem:v6+s1+$0x0], $0xffff  }
0x2a4: {  	v7 =	vld.idx.msk [tilespmem:v7+s1+$0x0], $0xffff  }
0x2a5: {  	v13 =	vld.idx.msk [tilespmem:v2+s1+$0x0], $0xffff  }
0x2a6: {  	v2 =	vld.idx.msk [tilespmem:v3+s1+$0x0], $0xffff  }
0x2a7: {  	[tilespmem:v4+s6+$0x0] =	vst.idx.add.f32.msk $0xffff, v8  }
0x2a8: {  	v4 =	vld.idx.msk [tilespmem:v12+s1+$0x0], $0xffff  }
0x2a9: {  	v3 =	vld.idx.msk [tilespmem:v9+s1+$0x0], $0xffff  }
.Ltmp10:
0x2aa: {  	[tilespmem:v11+s6+$0x0] =	vst.idx.add.f32.msk $0xffff, v5;
	(pc) =	sbr.rel @p0 .LBB2_21-.Ltmp10, $4  }
0x2ab: {  	[tilespmem:v14+s6+$0x0] =	vst.idx.add.f32.msk $0xffff, v6  }
0x2ac: {  	[tilespmem:v15+s6+$0x0] =	vst.idx.add.f32.msk $0xffff, v7  }
0x2ad: {  	[tilespmem:v16+s6+$0x0] =	vst.idx.add.f32.msk $0xffff, v13  }
0x2ae: {  	s25 =	sadd.s32 $0x80, s25;
	[tilespmem:v10+s6+$0x0] =	vst.idx.add.f32.msk $0xffff, v4  }
0x2af: {  	_ =	sdelay $0x3  }
0x2b0: {  	[tilespmem:v0+s6+$0x0] =	vst.idx.add.f32.msk $0xffff, v2;
	s1 =	simm.s32 $0x4DF0  }
0x2b1: {  	[tilespmem:v1+s6+$0x0] =	vst.idx.add.f32.msk $0xffff, v3;
	s3 =	simm.s32 $0x4E00;
	s6 =	simm.s32 $0x4E80;
	s24 =	simm.s32 $0x7680  }
.LBB2_23:
0x2b2: {  	v0 =	vld [tilespmem:s3+$0x0];
	_ =	sdelay $0x4  }
0x2b3: {  	v1 =	vand.u32 $0xFFFF, v0;
	_ =	sdelay $0x3  }
0x2b4: {  	s1 =	sadd.s32 $0x10, s1  }
0x2b5: {  	p0 =	slt.u32 s1, $0x4E10;
	v0 =	vshra.s32 v0, $0x10;
	v1 =	vld.idx.msk [tilespmem:v1+s6+$0x0], $0xffff  }
.Ltmp11:
0x2b6: {  	_ = 	snop;
	(pc) =	sbr.rel @p0 .LBB2_23-.Ltmp11, $2  }
0x2b7: {  	_ =	sdelay $0x2  }
0x2b8: {  	s3 =	sadd.s32 $0x10, s3;
	[tilespmem:v0+s24+$0x0] =	vst.idx.add.f32.msk $0xffff, v1  }
0x2b9: {  	s0 =	simm.s32 $0x80;
	s1 =	simm.s32 $0x400;
	s3 =	simm.s32 $0x7680  }
0x2ba: {  	[spmem:s7] =	stream.strided.scatter [tilespmem:s3], [sflag:$0x1], $0x280, s1, s0, $0x38;
	[tilespmem:$0xFA80] =	vst v63  }
0x2bb: {  	s7 =	simm.s32 $0x7900  }
0x2bc: {  	[spmem:s8] =	stream.strided.scatter [tilespmem:s7], [sflag:$0x1], $0x280, s1, s0, $0x38;
	[tilespmem:$0xFA80] =	vst v63  }
0x2bd: {  	s8 =	simm.s32 $0x7B80  }
0x2be: {  	[spmem:s9] =	stream.strided.scatter [tilespmem:s8], [sflag:$0x1], $0x280, s1, s0, $0x38;
	[tilespmem:$0xFA80] =	vst v63  }
0x2bf: {  	s9 =	simm.s32 $0x7E00  }
0x2c0: {  	[spmem:s10] =	stream.strided.scatter [tilespmem:s9], [sflag:$0x1], $0x280, s1, s0, $0x38;
	[tilespmem:$0xFA80] =	vst v63  }
0x2c1: {  	s10 =	simm.s32 $0x8080  }
0x2c2: {  	[spmem:s11] =	stream.strided.scatter [tilespmem:s10], [sflag:$0x1], $0x280, s1, s0, $0x38;
	[tilespmem:$0xFA80] =	vst v63  }
0x2c3: {  	s11 =	simm.s32 $0x8300  }
0x2c4: {  	[spmem:s12] =	stream.strided.scatter [tilespmem:s11], [sflag:$0x1], $0x280, s1, s0, $0x38;
	[tilespmem:$0xFA80] =	vst v63  }
0x2c5: {  	s24 =	simm.s32 $0x8580  }
0x2c6: {  	[spmem:s13] =	stream.strided.scatter [tilespmem:s24], [sflag:$0x1], $0x280, s1, s0, $0x38;
	[tilespmem:$0xFA80] =	vst v63  }
0x2c7: {  	s25 =	simm.s32 $0x8800  }
0x2c8: {  	[spmem:s14] =	stream.strided.scatter [tilespmem:s25], [sflag:$0x1], $0x280, s1, s0, $0x38;
	[tilespmem:$0xFA80] =	vst v63  }
0x2c9: {  	s26 =	simm.s32 $0x8A80  }
0x2ca: {  	[spmem:s15] =	stream.strided.scatter [tilespmem:s26], [sflag:$0x1], $0x280, s1, s0, $0x38;
	[tilespmem:$0xFA80] =	vst v63  }
0x2cb: {  	s28 =	simm.s32 $0x8D00  }
0x2cc: {  	[spmem:s16] =	stream.strided.scatter [tilespmem:s28], [sflag:$0x1], $0x280, s1, s0, $0x38;
	[tilespmem:$0xFA80] =	vst v63  }
0x2cd: {  	s29 =	simm.s32 $0x8F80  }
0x2ce: {  	[spmem:s17] =	stream.strided.scatter [tilespmem:s29], [sflag:$0x1], $0x280, s1, s0, $0x38;
	[tilespmem:$0xFA80] =	vst v63  }
0x2cf: {  	s30 =	simm.s32 $0x9200  }
0x2d0: {  	[spmem:s18] =	stream.strided.scatter [tilespmem:s30], [sflag:$0x1], $0x280, s1, s0, $0x38;
	[tilespmem:$0xFA80] =	vst v63  }
0x2d1: {  	s31 =	simm.s32 $0x9480  }
0x2d2: {  	[spmem:s19] =	stream.strided.scatter [tilespmem:s31], [sflag:$0x1], $0x280, s1, s0, $0x38;
	[tilespmem:$0xFA80] =	vst v63  }
0x2d3: {  	s4 =	simm.s32 $0x9700  }
0x2d4: {  	[spmem:s20] =	stream.strided.scatter [tilespmem:s4], [sflag:$0x1], $0x280, s1, s0, $0x38;
	[tilespmem:$0xFA80] =	vst v63  }
0x2d5: {  	s5 =	simm.s32 $0x9980  }
0x2d6: {  	[spmem:s21] =	stream.strided.scatter [tilespmem:s5], [sflag:$0x1], $0x280, s1, s0, $0x38;
	[tilespmem:$0xFA80] =	vst v63  }
0x2d7: {  	s6 =	simm.s32 $0x9C00;
	s7 =	simm.s32 $0x1  }
0x2d8: {  	[spmem:s22] =	stream.strided.scatter [tilespmem:s6], [sflag:$0x1], $0x280, s1, s0, $0x38;
	[tilespmem:$0xFA80] =	vst v63  }
0x2d9: {  	_ =	swait.ge [sflag:s7], $0x280  }
0x2da: {  	[sflag:s7] =	ssyncset.done $0x0  }
0x2db: {  	[sflag:s7] =	ssyncadd.s32 $0xFFFFFD80  }
0x2dc: {  	_ =	swait.ge [sflag:s7], $0x280  }
0x2dd: {  	[sflag:s7] =	ssyncset.done $0x0  }
0x2de: {  	[sflag:s7] =	ssyncadd.s32 $0xFFFFFD80  }
0x2df: {  	_ =	swait.ge [sflag:s7], $0x280  }
0x2e0: {  	[sflag:s7] =	ssyncset.done $0x0  }
0x2e1: {  	[sflag:s7] =	ssyncadd.s32 $0xFFFFFD80  }
0x2e2: {  	_ =	swait.ge [sflag:s7], $0x280  }
0x2e3: {  	[sflag:s7] =	ssyncset.done $0x0  }
0x2e4: {  	[sflag:s7] =	ssyncadd.s32 $0xFFFFFD80  }
0x2e5: {  	_ =	swait.ge [sflag:s7], $0x280  }
0x2e6: {  	[sflag:s7] =	ssyncset.done $0x0  }
0x2e7: {  	[sflag:s7] =	ssyncadd.s32 $0xFFFFFD80  }
0x2e8: {  	_ =	swait.ge [sflag:s7], $0x280  }
0x2e9: {  	[sflag:s7] =	ssyncset.done $0x0  }
0x2ea: {  	[sflag:s7] =	ssyncadd.s32 $0xFFFFFD80  }
0x2eb: {  	_ =	swait.ge [sflag:s7], $0x280  }
0x2ec: {  	[sflag:s7] =	ssyncset.done $0x0  }
0x2ed: {  	[sflag:s7] =	ssyncadd.s32 $0xFFFFFD80  }
0x2ee: {  	_ =	swait.ge [sflag:s7], $0x280  }
0x2ef: {  	[sflag:s7] =	ssyncset.done $0x0  }
0x2f0: {  	[sflag:s7] =	ssyncadd.s32 $0xFFFFFD80  }
0x2f1: {  	_ =	swait.ge [sflag:s7], $0x280  }
0x2f2: {  	[sflag:s7] =	ssyncset.done $0x0  }
0x2f3: {  	[sflag:s7] =	ssyncadd.s32 $0xFFFFFD80  }
0x2f4: {  	_ =	swait.ge [sflag:s7], $0x280  }
0x2f5: {  	[sflag:s7] =	ssyncset.done $0x0  }
0x2f6: {  	[sflag:s7] =	ssyncadd.s32 $0xFFFFFD80  }
0x2f7: {  	_ =	swait.ge [sflag:s7], $0x280  }
0x2f8: {  	[sflag:s7] =	ssyncset.done $0x0  }
0x2f9: {  	[sflag:s7] =	ssyncadd.s32 $0xFFFFFD80  }
0x2fa: {  	_ =	swait.ge [sflag:s7], $0x280  }
0x2fb: {  	[sflag:s7] =	ssyncset.done $0x0  }
0x2fc: {  	[sflag:s7] =	ssyncadd.s32 $0xFFFFFD80  }
0x2fd: {  	_ =	swait.ge [sflag:s7], $0x280  }
0x2fe: {  	[sflag:s7] =	ssyncset.done $0x0  }
0x2ff: {  	[sflag:s7] =	ssyncadd.s32 $0xFFFFFD80  }
0x300: {  	_ =	swait.ge [sflag:s7], $0x280  }
0x301: {  	[sflag:s7] =	ssyncset.done $0x0  }
0x302: {  	[sflag:s7] =	ssyncadd.s32 $0xFFFFFD80  }
0x303: {  	_ =	swait.ge [sflag:s7], $0x280  }
0x304: {  	[sflag:s7] =	ssyncset.done $0x0  }
0x305: {  	[sflag:s7] =	ssyncadd.s32 $0xFFFFFD80  }
0x306: {  	_ =	swait.ge [sflag:s7], $0x280  }
0x307: {  	[sflag:s7] =	ssyncset.done $0x0  }
0x308: {  	s8 =	simm.s32 $0xA380;
	[sflag:s7] =	ssyncadd.s32 $0xFFFFFD80  }
0x309: {  	s9 =	simm.s32 $0x2;
	s6 =	simm.s32 $0x0;
	[bflag:$0x0] =	sbarrier.arrive $0xFFFF  }
0x30a: {  	[tilespmem:s8], [sflag:$0x2] =	stream.linear.gather [spmem:s23], $0x2800, $0x38;
	[tilespmem:$0xFA80] =	vst v63  }
0x30b: {  	s10 =	sand.u32 $0x1C00, s6;
	_ =	swait.ge [sflag:s9], $0x2800  }
0x30c: {  	s11 =	sand.u32 $0x60, s6;
	s12 =	sor.u32 $0xA380, s10;
	[sflag:s9] =	ssyncset.done $0x0  }
0x30d: {  	s13 =	sor.u32 s11, s12;
	[sflag:s9] =	ssyncadd.s32 $0xFFFFD800  }
0x30e: {  	v0 =	vld [tilespmem:s13+$0x180]  }
0x30f: {  	s14 =	simm.s32 $0x10;
	v1 =	vld [tilespmem:s13+$0x100]  }
0x310: {  	s1 =	sand.u32 $0x70, s14;
	v2 =	vld [tilespmem:s13+$0x80]  }
0x311: {  	s3 =	sor.u32 s1, s12;
	v3 =	vld [tilespmem:s13+$0x0]  }
0x312: {  	v4 =	vld [tilespmem:s3+$0x80]  }
0x313: {  	v5 =	vld [tilespmem:s3+$0x0]  }
0x314: {  	v6 =	vld [tilespmem:s3+$0x100]  }
0x315: {  	v7 =	vld [tilespmem:s13+$0x200]  }
0x316: {  	s19 =	sadd.s32 $0xB900, s10;
	v8 =	vld [tilespmem:s13+$0x280];
	v2 =	vadd.f32 v2, v3  }
0x317: {  	s20 =	sor.u32 s11, s19;
	v3 =	vld [tilespmem:s3+$0x180]  }
0x318: {  	v9 =	vld [tilespmem:s20+$0x0];
	v1 =	vadd.f32 v1, v2;
	v2 =	vadd.f32 v4, v5  }
0x319: {  	v4 =	vld [tilespmem:s3+$0x200]  }
0x31a: {  	v5 =	vld [tilespmem:s13+$0x300];
	v0 =	vadd.f32 v0, v1;
	v1 =	vadd.f32 v6, v2  }
0x31b: {  	v2 =	vld [tilespmem:s3+$0x280]  }
0x31c: {  	s15 =	sadd.s32 $0xB780, s10;
	v6 =	vld [tilespmem:s13+$0x380];
	v0 =	vadd.f32 v7, v0;
	v1 =	vadd.f32 v3, v1  }
0x31d: {  	s4 =	sor.u32 s11, s15;
	v3 =	vld [tilespmem:s3+$0x300]  }
0x31e: {  	s16 =	sadd.s32 $0xB800, s10;
	v7 =	vld [tilespmem:s4+$0x0];
	v0 =	vadd.f32 v8, v0;
	v1 =	vadd.f32 v4, v1  }
0x31f: {  	s5 =	sor.u32 s11, s16;
	v4 =	vld [tilespmem:s3+$0x380]  }
0x320: {  	s17 =	sadd.s32 $0xB880, s10;
	s0 =	sor.u32 s1, s15;
	v8 =	vld [tilespmem:s5+$0x0];
	v0 =	vadd.f32 v5, v0;
	v1 =	vadd.f32 v2, v1  }
0x321: {  	s18 =	sor.u32 s11, s17;
	v2 =	vld [tilespmem:s0+$0x0]  }
0x322: {  	s23 =	sadd.s32 $0xB980, s10;
	s4 =	sor.u32 s1, s16;
	v5 =	vld [tilespmem:s18+$0x0];
	v0 =	vadd.f32 v6, v0;
	v1 =	vadd.f32 v3, v1  }
0x323: {  	s24 =	sor.u32 s11, s23;
	v3 =	vld [tilespmem:s4+$0x0]  }
0x324: {  	s26 =	sadd.s32 $0xBA00, s10;
	v10 =	vld [tilespmem:s24+$0x0];
	s3 =	sor.u32 s1, s17;
	v0 =	vadd.f32 v7, v0;
	v4 =	vadd.f32 v4, v1  }
0x325: {  	s28 =	sor.u32 s11, s26;
	v7 =	vld [tilespmem:s3+$0x0]  }
0x326: {  	s21 =	sadd.s32 $0xBA80, s10;
	s0 =	sor.u32 s1, s19;
	v6 =	vld [tilespmem:s28+$0x0];
	v0 =	vadd.f32 v8, v0;
	v2 =	vadd.f32 v2, v4  }
0x327: {  	s22 =	sor.u32 s11, s21;
	v8 =	vld [tilespmem:s0+$0x0]  }
0x328: {  	s25 =	sor.u32 s1, s23;
	v1 =	vld [tilespmem:s22+$0x0];
	v0 =	vadd.f32 v5, v0;
	v2 =	vadd.f32 v3, v2  }
0x329: {  	s29 =	sadd.s32 $0xBB00, s10;
	s3 =	sor.u32 s1, s26;
	v4 =	vld [tilespmem:s25+$0x0]  }
0x32a: {  	s30 =	sor.u32 s11, s29;
	v3 =	vld [tilespmem:s3+$0x0];
	v5 =	vadd.f32 v9, v0;
	v9 =	vadd.f32 v7, v2  }
0x32b: {  	s31 =	sor.u32 s1, s21;
	s7 =	simm.s32 $0x9E90;
	v2 =	vld [tilespmem:s30+$0x0]  }
0x32c: {  	s8 =	simm.s32 $0x20;
	s10 =	sor.u32 s1, s29;
	s9 =	simm.s32 $0x100;
	v0 =	vimm.f32 $0.0e+00;
	v7 =	vadd.f32 v10, v5;
	v8 =	vadd.f32 v8, v9;
	v5 =	vld [tilespmem:s31+$0x0]  }
.LBB2_25:
0x32d: {  	s1 =	sand.u32 $0x1C00, s9  }
0x32e: {  	p0 =	slt.u32 s8, $0x260;
	v9 =	vld [tilespmem:s7+$0xFFFFFFF0];
	s0 =	smov.u32 s8;
	s8 =	sadd.s32 $0x20, s8  }
0x32f: {  	s11 =	sand.u32 $0x60, s0;
	s3 =	sor.u32 $0xA380, s1;
	s4 =	sadd.s32 $0xB980, s1;
	v6 =	vadd.f32 v6, v7;
	v4 =	vadd.f32 v4, v8;
	v7 =	vld [tilespmem:s10+$0x0]  }
0x330: {  	s10 =	sadd.s32 $0xBB00, s1;
	s5 =	sor.u32 s11, s3;
	s13 =	sor.u32 s11, s4;
	v8 =	vld [tilespmem:s7+$0x0]  }
0x331: {  	s14 =	sadd.s32 $0x10, s0;
	s12 =	sor.u32 s11, s10;
	v10 =	vld [tilespmem:s5+$0x180];
	v1 =	vadd.f32 v1, v6;
	v3 =	vadd.f32 v3, v4  }
0x332: {  	s14 =	sand.u32 $0x70, s14;
	v4 =	vld [tilespmem:s5+$0x100]  }
0x333: {  	s3 =	sor.u32 s14, s3;
	s15 =	sor.u32 s14, s4;
	s10 =	sor.u32 s14, s10;
	v6 =	vld [tilespmem:s5+$0x80];
	v1 =	vadd.f32 v2, v1;
	v2 =	vadd.f32 v5, v3  }
0x334: {  	v3 =	vld [tilespmem:s5+$0x0]  }
0x335: {  	v5 =	vld [tilespmem:s3+$0x80];
	v1 =	vadd.f32 v9, v1;
	v2 =	vadd.f32 v7, v2  }
0x336: {  	s4 =	sadd.s32 s6, s2;
	s6 =	smov.u32 s0;
	v7 =	vld [tilespmem:s3+$0x0]  }
0x337: {  	p1 =	slt.u32 s4, $0x2710;
	s0 =	sadd.s32 $0x10, s4;
	v9 =	vld [tilespmem:s3+$0x100];
	v1 =	vmax.f32 v1, $0.0e+00;
	v2 =	vadd.f32 v8, v2  }
0x338: {  	v8 =	vld [tilespmem:s5+$0x200];
	v1 =	vpsel !p1, $0x0, v1  }
0x339: {  	p1 =	slt.u32 s0, $0x2710;
	v3 =	vadd.f32 v6, v3;
	v6 =	vld [tilespmem:s3+$0x180];
	v0 =	vadd.f32 v1, v0;
	v1 =	vmax.f32 v2, $0.0e+00  }
0x33a: {  	v2 =	vld [tilespmem:s5+$0x280];
	v1 =	vpsel !p1, $0x0, v1  }
0x33b: {  	v3 =	vadd.f32 v4, v3;
	v4 =	vadd.f32 v5, v7;
	v5 =	vld [tilespmem:s3+$0x200]  }
0x33c: {  	v0 =	vadd.f32 v1, v0;
	v7 =	vld [tilespmem:s5+$0x300]  }
0x33d: {  	v1 =	vadd.f32 v10, v3;
	v3 =	vadd.f32 v9, v4;
	v4 =	vld [tilespmem:s3+$0x280]  }
0x33e: {  	s0 =	sadd.s32 $0xB780, s1;
	v9 =	vld [tilespmem:s5+$0x380]  }
0x33f: {  	s4 =	sor.u32 s11, s0;
	v1 =	vadd.f32 v8, v1;
	v3 =	vadd.f32 v6, v3;
	v6 =	vld [tilespmem:s3+$0x300]  }
0x340: {  	v8 =	vld [tilespmem:s4+$0x0];
	s4 =	sadd.s32 $0xB800, s1  }
0x341: {  	v1 =	vadd.f32 v2, v1;
	s5 =	sor.u32 s11, s4;
	v2 =	vadd.f32 v5, v3;
	v3 =	vld [tilespmem:s3+$0x380]  }
0x342: {  	s0 =	sor.u32 s14, s0;
	s3 =	sadd.s32 $0xB880, s1;
	v5 =	vld [tilespmem:s5+$0x0]  }
0x343: {  	s5 =	sor.u32 s11, s3;
	v1 =	vadd.f32 v7, v1;
	v2 =	vadd.f32 v4, v2;
	v4 =	vld [tilespmem:s0+$0x0]  }
0x344: {  	s4 =	sor.u32 s14, s4;
	s0 =	sadd.s32 $0xB900, s1;
	v7 =	vld [tilespmem:s5+$0x0]  }
0x345: {  	s5 =	sor.u32 s11, s0;
	s0 =	sor.u32 s14, s0;
	v1 =	vadd.f32 v9, v1;
	v2 =	vadd.f32 v6, v2;
	v6 =	vld [tilespmem:s4+$0x0]  }
0x346: {  	s3 =	sor.u32 s14, s3;
	s4 =	sadd.s32 $0xBA80, s1;
	v9 =	vld [tilespmem:s5+$0x0]  }
0x347: {  	s5 =	sor.u32 s11, s4;
	v8 =	vadd.f32 v8, v1;
	v2 =	vadd.f32 v3, v2;
	v3 =	vld [tilespmem:s3+$0x0];
	s3 =	sor.u32 s14, s4  }
0x348: {  	v1 =	vld [tilespmem:s5+$0x0]  }
0x349: {  	v5 =	vadd.f32 v5, v8;
	v2 =	vadd.f32 v4, v2;
	v8 =	vld [tilespmem:s0+$0x0]  }
0x34a: {  	s0 =	sadd.s32 $0xBA00, s1;
	v10 =	vld [tilespmem:s13+$0x0]  }
.Ltmp12:
0x34b: {  	s1 =	sor.u32 s11, s0;
	v5 =	vadd.f32 v7, v5;
	v2 =	vadd.f32 v6, v2;
	v4 =	vld [tilespmem:s15+$0x0];
	(pc) =	sbr.rel @p0 .LBB2_25-.Ltmp12, $4  }
0x34c: {  	s0 =	sor.u32 s14, s0;
	v6 =	vld [tilespmem:s1+$0x0]  }
0x34d: {  	v5 =	vadd.f32 v9, v5;
	v9 =	vadd.f32 v3, v2;
	v3 =	vld [tilespmem:s0+$0x0]  }
0x34e: {  	v2 =	vld [tilespmem:s12+$0x0]  }
0x34f: {  	s9 =	sadd.s32 $0x100, s9;
	s7 =	sadd.s32 $0x20, s7;
	v7 =	vadd.f32 v10, v5;
	v8 =	vadd.f32 v8, v9;
	v5 =	vld [tilespmem:s3+$0x0]  }
0x350: {  	_ = 	snop  }
0x351: {  	v9 =	vld [tilespmem:s7+$0xFFFFFFF0];
	v6 =	vadd.f32 v6, v7;
	v4 =	vadd.f32 v4, v8  }
0x352: {  	v60 =	vld [tilespmem:s10+$0x0]  }
0x353: {  	v1 =	vadd.f32 v1, v6;
	v3 =	vadd.f32 v3, v4  }
0x354: {  	v61 =	vld [tilespmem:s7+$0x0]  }
0x355: {  	v1 =	vadd.f32 v2, v1;
	v62 =	vadd.f32 v5, v3;
	_ =	sdelay $0x1  }
0x356: {  	v1 =	vadd.f32 v9, v1;
	v2 =	vadd.f32 v60, v62  }
0x357: {  	s0 =	sadd.s32 s6, s2  }
0x358: {  	p0 =	slt.u32 s0, $0x2710;
	v1 =	vmax.f32 v1, $0.0e+00;
	v2 =	vadd.f32 v61, v2  }
0x359: {  	s0 =	sadd.s32 $0x10, s0;
	v1 =	vpsel !p0, $0x0, v1  }
0x35a: {  	s25 =	rddreg [dreg:$0x5];
	p6 =	slt.u32 s0, $0x2710;
	v0 =	vadd.f32 v1, v0;
	v63 =	vmax.f32 v2, $0.0e+00  }
0x35b: {  	s1 =	rddreg [dreg:$0x6];
	s0 =	sshll.u32 s25, $0xA;
	v1 =	vpsel !p6, $0x0, v63  }
0x35c: {  	s0 =	sor.u32 s1, s0;
	v0 =	vadd.f32 v1, v0  }
0x35d: {  	s26 =	rddreg [dreg:$0x4];
	s28 =	simm.s32 $0x0;
	s0 =	sshrl.u32 s0, $0x3  }
0x35e: {  	s29 =	simm.s32 $0xCF80;
	s30 =	simm.s32 $0x2;
	s0 =	sadd.s32 s26, s0;
	[tilespmem:$0xCF80] =	vst v0  }
0x35f: {  	[hbm4b:s0+s28] =	stream.linear.scatter [tilespmem:s29], [sflag:$0x2], $0x80, $0x38;
	[tilespmem:$0xFA80] =	vst v63  }
0x360: {  	_ =	swait.ge [sflag:s30], $0x80  }
0x361: {  	[sflag:s30] =	ssyncset.done $0x0  }
0x362: {  	[sflag:s30] =	ssyncadd.s32 $0xFFFFFF80  }
0x363: {  	_ =	sfence.sel $0x180000  }
0x364: {  	[bflag:$0x0] =	sbarrier.arrive $0xFFFF  }
0x365: {  	_ =	strace $0x90000047  }
0x366: {  	s31 =	stileid.u32;
	[bflag:$0x2] =	sbarrier.arrive $0xFFFF  }
0x367: {  	p0 =	sne.s32 s31, $0x0;
	s0 =	rddreg [dreg:$0x3]  }
0x368: {  	s0 =	sadd.s32 @!p0 $0x100000, s0  }
0x369: {  	[sflag:s0] =	ssyncadd.tile.s32 @!p0 $0x1;
	_ =	shalt  }
.Lfunc_end2:
_tile_overlayer_lowered:
.L_overlay_start_2:
0x36a: {  	(tag) =	ssettag $0x2  }
0x36b: {  	s0 =	rddreg [dreg:$0x0];
	s2 =	stileid.u32  }
0x36c: {  	s1 =	rddreg [dreg:$0x1];
	p0 =	sne.s32 s2, $0x0  }
0x36d: {  	s3 =	rddreg [dreg:$0x2];
	[bflag:$0x3] =	sbarrier.arrive $0xFFFF;
	s2 =	simm.s32 @!p0 $0x1C02  }
0x36e: {  	[timem:s3], [sflag:s2] =	dma.local @!p0 [hbm:s0], s1  }
0x36f: {  	s0 =	simm.s32 @!p0 $0x2  }
0x370: {  	_ =	swait.ge @!p0 [sflag:s0], s1  }
0x371: {  	s1 =	ssub.s32 @!p0 $0x0, s1;
	[sflag:s0] =	ssyncset.done @!p0 $0x0  }
0x372: {  	[sflag:s0] =	ssyncadd.s32 @!p0 s1  }
0x373: {  	[bflag:$0x3] =	sbarrier.arrive $0xFFFF  }
0x374: {  	_ =	shalt  }

</sc_bundles>
